<compile_context>
chip_gen: v7x
topology: tpu7x:2x2x1
jax: 0.10.2.dev20260603
libtpu: 0.0.44.dev20260713+nightly
codegen_flags: <defaults>
</compile_context>

<pallas_src>
import functools
import jax
import jax.numpy as jnp
from jax import lax
from jax.experimental import pallas as pl
from jax.experimental.pallas import tpu as pltpu
from jax.experimental.pallas import tpu_sc as plsc

B = 128
N = 8192
NW = 32
RPW = B // NW
L = 16
UNROLL = 16
VPR = N // L


def _sc_body(x_hbm, out_hbm, ibuf, obuf, sem):
    wid = lax.axis_index("s") * 2 + lax.axis_index("c")
    base = wid * RPW
    pltpu.async_copy(x_hbm.at[pl.ds(base, RPW), :], ibuf, sem).wait()
    for r in range(RPW):
        def maxstep(i, m):
            vs = [ibuf[r, pl.ds((i * UNROLL + u) * L, L)] for u in range(UNROLL)]
            for v in vs:
                m = jnp.maximum(m, v)
            return m
        m16 = lax.fori_loop(0, VPR // UNROLL,
                            maxstep, jnp.full((L,), -jnp.inf, jnp.float32))
        mxv = m16
        lanes = lax.iota(jnp.int32, L)
        for s in (8, 4, 2, 1):
            perm = lax.gather(
                mxv, (lanes ^ s)[:, None],
                lax.GatherDimensionNumbers(
                    offset_dims=(), collapsed_slice_dims=(0,),
                    start_index_map=(0,)),
                slice_sizes=(1,),
                mode=lax.GatherScatterMode.PROMISE_IN_BOUNDS)
            mxv = jnp.maximum(mxv, perm)
        def onestep(i, carry):
            for u in range(UNROLL):
                sl = pl.ds((i * UNROLL + u) * L, L)
                v = ibuf[r, sl]
                obuf[r, sl] = jnp.where(v == mxv, 1.0, 0.0).astype(jnp.float32)
            return carry
        lax.fori_loop(0, VPR // UNROLL, onestep, jnp.int32(0))
    pltpu.async_copy(obuf, out_hbm.at[pl.ds(base, RPW), :], sem).wait()


def kernel(attack_logits):
    k = functools.partial(
        pl.kernel,
        out_type=jax.ShapeDtypeStruct((B, N), jnp.float32),
        mesh=plsc.VectorSubcoreMesh(core_axis_name="c", subcore_axis_name="s"),
        scratch_types=[
            pltpu.VMEM((RPW, N), jnp.float32),
            pltpu.VMEM((RPW, N), jnp.float32),
            pltpu.SemaphoreType.DMA,
        ],
    )(_sc_body)
    return k(attack_logits)

# --- scband reference (transcript-rebuilt; emitter-appended) ---
"""Pipeline reference for scband-differentiable-attack-selector-13486197309520 (READ-ONLY COPY).

The authoritative reference and input builder live on the scoring server;
editing this copy changes nothing except your own understanding.
"""

import jax, jax.numpy as jnp
import numpy as np

NUM_ATTACKS = 8192
BATCH = 128

def setup_inputs(seed: int = 0) -> dict:
    key = jax.random.key(seed)
    attack_logits = jax.random.normal(key, (BATCH, NUM_ATTACKS), dtype=jnp.float32)
    return {"attack_logits": attack_logits}

def reference(attack_logits):
    # Module is in training mode with hard=True and use_gumbel=False -> STE path:
    #   probs = softmax(logits)
    #   one_hot = one_hot(argmax(probs))
    #   selection = one_hot - probs.detach() + probs
    probs = jax.nn.softmax(attack_logits, axis=-1)
    indices = jnp.argmax(probs, axis=-1)
    one_hot = jax.nn.one_hot(indices, NUM_ATTACKS, dtype=jnp.float32)
    selection = one_hot - jax.lax.stop_gradient(probs) + probs
    return selection

if __name__ == "__main__":
    import jax
    _d = setup_inputs()
    print(jax.jit(kernel)(*tuple(_d.values())))

</pallas_src>

<mosaic_0001>
#map = affine_map<(d0, d1) -> (0, 0)>
module attributes {stable_mosaic.version = 14 : i64} {
  func.func @_sc_body(%arg0: i32, %arg1: i32, %arg2: memref<128x8192xf32, #tpu.memory_space<hbm>>, %arg3: memref<128x8192xf32, #tpu.memory_space<hbm>>, %arg4: memref<4x8192xf32, #tpu.memory_space<vmem>>, %arg5: memref<4x8192xf32, #tpu.memory_space<vmem>>, %arg6: memref<!tpu.dma_semaphore, #tpu.memory_space<semaphore_mem>>) attributes {dimension_semantics = [#tpu.dimension_semantics<core_parallel>, #tpu.dimension_semantics<subcore_parallel>], iteration_bounds = array<i64: 2, 16>, scalar_prefetch = 0 : i64, scratch_operands = 3 : i64, tpu.core_type = #tpu.core_type<sc_vector_subcore>, window_params = [{transform_indices = #map}, {transform_indices = #map}]} {
    %mul3A = arith.constant 2 : i32
    %mul3A_0 = arith.muli %arg1, %mul3A : i32
    %add3A = arith.addi %mul3A_0, %arg0 : i32
    %mul3A_1 = arith.constant 4 : i32
    %mul3A_2 = arith.muli %add3A, %mul3A_1 : i32
    %dma_start3A = arith.constant 0 : i32
    %dma_start3A_3 = tpu.memref_slice %arg2[%mul3A_2, %dma_start3A] : memref<128x8192xf32, #tpu.memory_space<hbm>> -> memref<4x8192xf32, #tpu.memory_space<hbm>>
    %dma_start3A_4 = arith.constant 0 : i32
    %dma_start3A_5 = tpu.memref_slice %arg2[%mul3A_2, %dma_start3A_4] : memref<128x8192xf32, #tpu.memory_space<hbm>> -> memref<4x8192xf32, #tpu.memory_space<hbm>>
    tpu.enqueue_dma source(%dma_start3A_5 : memref<4x8192xf32, #tpu.memory_space<hbm>>) target(%arg4 : memref<4x8192xf32, #tpu.memory_space<vmem>>) target_semaphore(%arg6 : memref<!tpu.dma_semaphore, #tpu.memory_space<semaphore_mem>>)
    %dma_wait3A = arith.constant 0 : i32
    %dma_wait3A_6 = tpu.memref_slice %arg2[%mul3A_2, %dma_wait3A] : memref<128x8192xf32, #tpu.memory_space<hbm>> -> memref<4x8192xf32, #tpu.memory_space<hbm>>
    %dma_wait3A_7 = arith.constant 0 : i32
    %dma_wait3A_8 = tpu.memref_slice %arg2[%mul3A_2, %dma_wait3A_7] : memref<128x8192xf32, #tpu.memory_space<hbm>> -> memref<4x8192xf32, #tpu.memory_space<hbm>>
    tpu.wait_dma2 semaphore(%arg6 : memref<!tpu.dma_semaphore, #tpu.memory_space<semaphore_mem>>) src(%dma_wait3A_8 : memref<4x8192xf32, #tpu.memory_space<hbm>>) dst(%arg4 : memref<4x8192xf32, #tpu.memory_space<vmem>>)
    %broadcast_in_dim3A = arith.constant 0xFF800000 : f32
    %broadcast_in_dim3A_9 = vector.broadcast %broadcast_in_dim3A : f32 to vector<16xf32>
    %scan3A = arith.constant 0 : i32
    %scan3A_10 = arith.constant 32 : i32
    %scan3A_11 = arith.addi %scan3A, %scan3A_10 : i32
    %scan3A_12 = arith.constant 1 : i32
    %scan3A_13 = scf.for %scan3A_183 = %scan3A to %scan3A_11 step %scan3A_12 iter_args(%scan3A_184 = %broadcast_in_dim3A_9) -> (vector<16xf32>)  : i32 {
      %mul3A_185 = arith.constant 16 : i32
      %mul3A_186 = arith.muli %scan3A_183, %mul3A_185 : i32
      %add3A_187 = arith.constant 0 : i32
      %add3A_188 = arith.addi %mul3A_186, %add3A_187 : i32
      %mul3A_189 = arith.constant 16 : i32
      %mul3A_190 = arith.muli %add3A_188, %mul3A_189 : i32
      %get3A = arith.constant 0 : i32
      %get3A_191 = arith.index_cast %get3A : i32 to index
      %get3A_192 = arith.index_cast %mul3A_190 : i32 to index
      %get3A_193 = tpu.vector_load %arg4[%get3A_191, %get3A_192] {strides = array<i32>} : memref<4x8192xf32, #tpu.memory_space<vmem>>, vector<1x16xf32>,
      %get3A_194 = vector.shape_cast %get3A_193 : vector<1x16xf32> to vector<16xf32>
      %mul3A_195 = arith.constant 16 : i32
      %mul3A_196 = arith.muli %scan3A_183, %mul3A_195 : i32
      %add3A_197 = arith.constant 1 : i32
      %add3A_198 = arith.addi %mul3A_196, %add3A_197 : i32
      %mul3A_199 = arith.constant 16 : i32
      %mul3A_200 = arith.muli %add3A_198, %mul3A_199 : i32
      %get3A_201 = arith.constant 0 : i32
      %get3A_202 = arith.index_cast %get3A_201 : i32 to index
      %get3A_203 = arith.index_cast %mul3A_200 : i32 to index
      %get3A_204 = tpu.vector_load %arg4[%get3A_202, %get3A_203] {strides = array<i32>} : memref<4x8192xf32, #tpu.memory_space<vmem>>, vector<1x16xf32>,
      %get3A_205 = vector.shape_cast %get3A_204 : vector<1x16xf32> to vector<16xf32>
      %mul3A_206 = arith.constant 16 : i32
      %mul3A_207 = arith.muli %scan3A_183, %mul3A_206 : i32
      %add3A_208 = arith.constant 2 : i32
      %add3A_209 = arith.addi %mul3A_207, %add3A_208 : i32
      %mul3A_210 = arith.constant 16 : i32
      %mul3A_211 = arith.muli %add3A_209, %mul3A_210 : i32
      %get3A_212 = arith.constant 0 : i32
      %get3A_213 = arith.index_cast %get3A_212 : i32 to index
      %get3A_214 = arith.index_cast %mul3A_211 : i32 to index
      %get3A_215 = tpu.vector_load %arg4[%get3A_213, %get3A_214] {strides = array<i32>} : memref<4x8192xf32, #tpu.memory_space<vmem>>, vector<1x16xf32>,
      %get3A_216 = vector.shape_cast %get3A_215 : vector<1x16xf32> to vector<16xf32>
      %mul3A_217 = arith.constant 16 : i32
      %mul3A_218 = arith.muli %scan3A_183, %mul3A_217 : i32
      %add3A_219 = arith.constant 3 : i32
      %add3A_220 = arith.addi %mul3A_218, %add3A_219 : i32
      %mul3A_221 = arith.constant 16 : i32
      %mul3A_222 = arith.muli %add3A_220, %mul3A_221 : i32
      %get3A_223 = arith.constant 0 : i32
      %get3A_224 = arith.index_cast %get3A_223 : i32 to index
      %get3A_225 = arith.index_cast %mul3A_222 : i32 to index
      %get3A_226 = tpu.vector_load %arg4[%get3A_224, %get3A_225] {strides = array<i32>} : memref<4x8192xf32, #tpu.memory_space<vmem>>, vector<1x16xf32>,
      %get3A_227 = vector.shape_cast %get3A_226 : vector<1x16xf32> to vector<16xf32>
      %mul3A_228 = arith.constant 16 : i32
      %mul3A_229 = arith.muli %scan3A_183, %mul3A_228 : i32
      %add3A_230 = arith.constant 4 : i32
      %add3A_231 = arith.addi %mul3A_229, %add3A_230 : i32
      %mul3A_232 = arith.constant 16 : i32
      %mul3A_233 = arith.muli %add3A_231, %mul3A_232 : i32
      %get3A_234 = arith.constant 0 : i32
      %get3A_235 = arith.index_cast %get3A_234 : i32 to index
      %get3A_236 = arith.index_cast %mul3A_233 : i32 to index
      %get3A_237 = tpu.vector_load %arg4[%get3A_235, %get3A_236] {strides = array<i32>} : memref<4x8192xf32, #tpu.memory_space<vmem>>, vector<1x16xf32>,
      %get3A_238 = vector.shape_cast %get3A_237 : vector<1x16xf32> to vector<16xf32>
      %mul3A_239 = arith.constant 16 : i32
      %mul3A_240 = arith.muli %scan3A_183, %mul3A_239 : i32
      %add3A_241 = arith.constant 5 : i32
      %add3A_242 = arith.addi %mul3A_240, %add3A_241 : i32
      %mul3A_243 = arith.constant 16 : i32
      %mul3A_244 = arith.muli %add3A_242, %mul3A_243 : i32
      %get3A_245 = arith.constant 0 : i32
      %get3A_246 = arith.index_cast %get3A_245 : i32 to index
      %get3A_247 = arith.index_cast %mul3A_244 : i32 to index
      %get3A_248 = tpu.vector_load %arg4[%get3A_246, %get3A_247] {strides = array<i32>} : memref<4x8192xf32, #tpu.memory_space<vmem>>, vector<1x16xf32>,
      %get3A_249 = vector.shape_cast %get3A_248 : vector<1x16xf32> to vector<16xf32>
      %mul3A_250 = arith.constant 16 : i32
      %mul3A_251 = arith.muli %scan3A_183, %mul3A_250 : i32
      %add3A_252 = arith.constant 6 : i32
      %add3A_253 = arith.addi %mul3A_251, %add3A_252 : i32
      %mul3A_254 = arith.constant 16 : i32
      %mul3A_255 = arith.muli %add3A_253, %mul3A_254 : i32
      %get3A_256 = arith.constant 0 : i32
      %get3A_257 = arith.index_cast %get3A_256 : i32 to index
      %get3A_258 = arith.index_cast %mul3A_255 : i32 to index
      %get3A_259 = tpu.vector_load %arg4[%get3A_257, %get3A_258] {strides = array<i32>} : memref<4x8192xf32, #tpu.memory_space<vmem>>, vector<1x16xf32>,
      %get3A_260 = vector.shape_cast %get3A_259 : vector<1x16xf32> to vector<16xf32>
      %mul3A_261 = arith.constant 16 : i32
      %mul3A_262 = arith.muli %scan3A_183, %mul3A_261 : i32
      %add3A_263 = arith.constant 7 : i32
      %add3A_264 = arith.addi %mul3A_262, %add3A_263 : i32
      %mul3A_265 = arith.constant 16 : i32
      %mul3A_266 = arith.muli %add3A_264, %mul3A_265 : i32
      %get3A_267 = arith.constant 0 : i32
      %get3A_268 = arith.index_cast %get3A_267 : i32 to index
      %get3A_269 = arith.index_cast %mul3A_266 : i32 to index
      %get3A_270 = tpu.vector_load %arg4[%get3A_268, %get3A_269] {strides = array<i32>} : memref<4x8192xf32, #tpu.memory_space<vmem>>, vector<1x16xf32>,
      %get3A_271 = vector.shape_cast %get3A_270 : vector<1x16xf32> to vector<16xf32>
      %mul3A_272 = arith.constant 16 : i32
      %mul3A_273 = arith.muli %scan3A_183, %mul3A_272 : i32
      %add3A_274 = arith.constant 8 : i32
      %add3A_275 = arith.addi %mul3A_273, %add3A_274 : i32
      %mul3A_276 = arith.constant 16 : i32
      %mul3A_277 = arith.muli %add3A_275, %mul3A_276 : i32
      %get3A_278 = arith.constant 0 : i32
      %get3A_279 = arith.index_cast %get3A_278 : i32 to index
      %get3A_280 = arith.index_cast %mul3A_277 : i32 to index
      %get3A_281 = tpu.vector_load %arg4[%get3A_279, %get3A_280] {strides = array<i32>} : memref<4x8192xf32, #tpu.memory_space<vmem>>, vector<1x16xf32>,
      %get3A_282 = vector.shape_cast %get3A_281 : vector<1x16xf32> to vector<16xf32>
      %mul3A_283 = arith.constant 16 : i32
      %mul3A_284 = arith.muli %scan3A_183, %mul3A_283 : i32
      %add3A_285 = arith.constant 9 : i32
      %add3A_286 = arith.addi %mul3A_284, %add3A_285 : i32
      %mul3A_287 = arith.constant 16 : i32
      %mul3A_288 = arith.muli %add3A_286, %mul3A_287 : i32
      %get3A_289 = arith.constant 0 : i32
      %get3A_290 = arith.index_cast %get3A_289 : i32 to index
      %get3A_291 = arith.index_cast %mul3A_288 : i32 to index
      %get3A_292 = tpu.vector_load %arg4[%get3A_290, %get3A_291] {strides = array<i32>} : memref<4x8192xf32, #tpu.memory_space<vmem>>, vector<1x16xf32>,
      %get3A_293 = vector.shape_cast %get3A_292 : vector<1x16xf32> to vector<16xf32>
      %mul3A_294 = arith.constant 16 : i32
      %mul3A_295 = arith.muli %scan3A_183, %mul3A_294 : i32
      %add3A_296 = arith.constant 10 : i32
      %add3A_297 = arith.addi %mul3A_295, %add3A_296 : i32
      %mul3A_298 = arith.constant 16 : i32
      %mul3A_299 = arith.muli %add3A_297, %mul3A_298 : i32
      %get3A_300 = arith.constant 0 : i32
      %get3A_301 = arith.index_cast %get3A_300 : i32 to index
      %get3A_302 = arith.index_cast %mul3A_299 : i32 to index
      %get3A_303 = tpu.vector_load %arg4[%get3A_301, %get3A_302] {strides = array<i32>} : memref<4x8192xf32, #tpu.memory_space<vmem>>, vector<1x16xf32>,
      %get3A_304 = vector.shape_cast %get3A_303 : vector<1x16xf32> to vector<16xf32>
      %mul3A_305 = arith.constant 16 : i32
      %mul3A_306 = arith.muli %scan3A_183, %mul3A_305 : i32
      %add3A_307 = arith.constant 11 : i32
      %add3A_308 = arith.addi %mul3A_306, %add3A_307 : i32
      %mul3A_309 = arith.constant 16 : i32
      %mul3A_310 = arith.muli %add3A_308, %mul3A_309 : i32
      %get3A_311 = arith.constant 0 : i32
      %get3A_312 = arith.index_cast %get3A_311 : i32 to index
      %get3A_313 = arith.index_cast %mul3A_310 : i32 to index
      %get3A_314 = tpu.vector_load %arg4[%get3A_312, %get3A_313] {strides = array<i32>} : memref<4x8192xf32, #tpu.memory_space<vmem>>, vector<1x16xf32>,
      %get3A_315 = vector.shape_cast %get3A_314 : vector<1x16xf32> to vector<16xf32>
      %mul3A_316 = arith.constant 16 : i32
      %mul3A_317 = arith.muli %scan3A_183, %mul3A_316 : i32
      %add3A_318 = arith.constant 12 : i32
      %add3A_319 = arith.addi %mul3A_317, %add3A_318 : i32
      %mul3A_320 = arith.constant 16 : i32
      %mul3A_321 = arith.muli %add3A_319, %mul3A_320 : i32
      %get3A_322 = arith.constant 0 : i32
      %get3A_323 = arith.index_cast %get3A_322 : i32 to index
      %get3A_324 = arith.index_cast %mul3A_321 : i32 to index
      %get3A_325 = tpu.vector_load %arg4[%get3A_323, %get3A_324] {strides = array<i32>} : memref<4x8192xf32, #tpu.memory_space<vmem>>, vector<1x16xf32>,
      %get3A_326 = vector.shape_cast %get3A_325 : vector<1x16xf32> to vector<16xf32>
      %mul3A_327 = arith.constant 16 : i32
      %mul3A_328 = arith.muli %scan3A_183, %mul3A_327 : i32
      %add3A_329 = arith.constant 13 : i32
      %add3A_330 = arith.addi %mul3A_328, %add3A_329 : i32
      %mul3A_331 = arith.constant 16 : i32
      %mul3A_332 = arith.muli %add3A_330, %mul3A_331 : i32
      %get3A_333 = arith.constant 0 : i32
      %get3A_334 = arith.index_cast %get3A_333 : i32 to index
      %get3A_335 = arith.index_cast %mul3A_332 : i32 to index
      %get3A_336 = tpu.vector_load %arg4[%get3A_334, %get3A_335] {strides = array<i32>} : memref<4x8192xf32, #tpu.memory_space<vmem>>, vector<1x16xf32>,
      %get3A_337 = vector.shape_cast %get3A_336 : vector<1x16xf32> to vector<16xf32>
      %mul3A_338 = arith.constant 16 : i32
      %mul3A_339 = arith.muli %scan3A_183, %mul3A_338 : i32
      %add3A_340 = arith.constant 14 : i32
      %add3A_341 = arith.addi %mul3A_339, %add3A_340 : i32
      %mul3A_342 = arith.constant 16 : i32
      %mul3A_343 = arith.muli %add3A_341, %mul3A_342 : i32
      %get3A_344 = arith.constant 0 : i32
      %get3A_345 = arith.index_cast %get3A_344 : i32 to index
      %get3A_346 = arith.index_cast %mul3A_343 : i32 to index
      %get3A_347 = tpu.vector_load %arg4[%get3A_345, %get3A_346] {strides = array<i32>} : memref<4x8192xf32, #tpu.memory_space<vmem>>, vector<1x16xf32>,
      %get3A_348 = vector.shape_cast %get3A_347 : vector<1x16xf32> to vector<16xf32>
      %mul3A_349 = arith.constant 16 : i32
      %mul3A_350 = arith.muli %scan3A_183, %mul3A_349 : i32
      %add3A_351 = arith.constant 15 : i32
      %add3A_352 = arith.addi %mul3A_350, %add3A_351 : i32
      %mul3A_353 = arith.constant 16 : i32
      %mul3A_354 = arith.muli %add3A_352, %mul3A_353 : i32
      %get3A_355 = arith.constant 0 : i32
      %get3A_356 = arith.index_cast %get3A_355 : i32 to index
      %get3A_357 = arith.index_cast %mul3A_354 : i32 to index
      %get3A_358 = tpu.vector_load %arg4[%get3A_356, %get3A_357] {strides = array<i32>} : memref<4x8192xf32, #tpu.memory_space<vmem>>, vector<1x16xf32>,
      %get3A_359 = vector.shape_cast %get3A_358 : vector<1x16xf32> to vector<16xf32>
      %max3A_360 = arith.maximumf %scan3A_184, %get3A_194 : vector<16xf32>
      %max3A_361 = arith.maximumf %max3A_360, %get3A_205 : vector<16xf32>
      %max3A_362 = arith.maximumf %max3A_361, %get3A_216 : vector<16xf32>
      %max3A_363 = arith.maximumf %max3A_362, %get3A_227 : vector<16xf32>
      %max3A_364 = arith.maximumf %max3A_363, %get3A_238 : vector<16xf32>
      %max3A_365 = arith.maximumf %max3A_364, %get3A_249 : vector<16xf32>
      %max3A_366 = arith.maximumf %max3A_365, %get3A_260 : vector<16xf32>
      %max3A_367 = arith.maximumf %max3A_366, %get3A_271 : vector<16xf32>
      %max3A_368 = arith.maximumf %max3A_367, %get3A_282 : vector<16xf32>
      %max3A_369 = arith.maximumf %max3A_368, %get3A_293 : vector<16xf32>
      %max3A_370 = arith.maximumf %max3A_369, %get3A_304 : vector<16xf32>
      %max3A_371 = arith.maximumf %max3A_370, %get3A_315 : vector<16xf32>
      %max3A_372 = arith.maximumf %max3A_371, %get3A_326 : vector<16xf32>
      %max3A_373 = arith.maximumf %max3A_372, %get3A_337 : vector<16xf32>
      %max3A_374 = arith.maximumf %max3A_373, %get3A_348 : vector<16xf32>
      %max3A_375 = arith.maximumf %max3A_374, %get3A_359 : vector<16xf32>
      scf.yield %max3A_375 : vector<16xf32>
    }
    %scan3A_14 = arith.constant 32 : i32
    %iota3A = tpu.iota {dimensions = array<i32: 0>} : vector<16xi32>
    %xor3A = arith.constant 8 : i32
    %xor3A_15 = vector.broadcast %xor3A : i32 to vector<16xi32>
    %xor3A_16 = arith.xori %iota3A, %xor3A_15 : vector<16xi32>
    %broadcast_in_dim3A_17 = vector.shape_cast %xor3A_16 : vector<16xi32> to vector<16x1xi32>
    %gather3A = vector.shape_cast %broadcast_in_dim3A_17 : vector<16x1xi32> to vector<16xi32>
    %gather3A_18 = tpu.dynamic_gather %scan3A_13[%gather3A] in [0] : vector<16xf32>, vector<16xi32> -> vector<16xf32>
    %max3A = arith.maximumf %scan3A_13, %gather3A_18 : vector<16xf32>
    %xor3A_19 = arith.constant 4 : i32
    %xor3A_20 = vector.broadcast %xor3A_19 : i32 to vector<16xi32>
    %xor3A_21 = arith.xori %iota3A, %xor3A_20 : vector<16xi32>
    %broadcast_in_dim3A_22 = vector.shape_cast %xor3A_21 : vector<16xi32> to vector<16x1xi32>
    %gather3A_23 = vector.shape_cast %broadcast_in_dim3A_22 : vector<16x1xi32> to vector<16xi32>
    %gather3A_24 = tpu.dynamic_gather %max3A[%gather3A_23] in [0] : vector<16xf32>, vector<16xi32> -> vector<16xf32>
    %max3A_25 = arith.maximumf %max3A, %gather3A_24 : vector<16xf32>
    %xor3A_26 = arith.constant 2 : i32
    %xor3A_27 = vector.broadcast %xor3A_26 : i32 to vector<16xi32>
    %xor3A_28 = arith.xori %iota3A, %xor3A_27 : vector<16xi32>
    %broadcast_in_dim3A_29 = vector.shape_cast %xor3A_28 : vector<16xi32> to vector<16x1xi32>
    %gather3A_30 = vector.shape_cast %broadcast_in_dim3A_29 : vector<16x1xi32> to vector<16xi32>
    %gather3A_31 = tpu.dynamic_gather %max3A_25[%gather3A_30] in [0] : vector<16xf32>, vector<16xi32> -> vector<16xf32>
    %max3A_32 = arith.maximumf %max3A_25, %gather3A_31 : vector<16xf32>
    %xor3A_33 = arith.constant 1 : i32
    %xor3A_34 = vector.broadcast %xor3A_33 : i32 to vector<16xi32>
    %xor3A_35 = arith.xori %iota3A, %xor3A_34 : vector<16xi32>
    %broadcast_in_dim3A_36 = vector.shape_cast %xor3A_35 : vector<16xi32> to vector<16x1xi32>
    %gather3A_37 = vector.shape_cast %broadcast_in_dim3A_36 : vector<16x1xi32> to vector<16xi32>
    %gather3A_38 = tpu.dynamic_gather %max3A_32[%gather3A_37] in [0] : vector<16xf32>, vector<16xi32> -> vector<16xf32>
    %max3A_39 = arith.maximumf %max3A_32, %gather3A_38 : vector<16xf32>
    %scan3A_40 = arith.constant 0 : i32
    %scan3A_41 = arith.constant 0 : i32
    %scan3A_42 = arith.constant 32 : i32
    %scan3A_43 = arith.addi %scan3A_41, %scan3A_42 : i32
    %scan3A_44 = arith.constant 1 : i32
    scf.for %scan3A_183 = %scan3A_41 to %scan3A_43 step %scan3A_44  : i32 {
      %mul3A_184 = arith.constant 16 : i32
      %mul3A_185 = arith.muli %scan3A_183, %mul3A_184 : i32
      %add3A_186 = arith.constant 0 : i32
      %add3A_187 = arith.addi %mul3A_185, %add3A_186 : i32
      %mul3A_188 = arith.constant 16 : i32
      %mul3A_189 = arith.muli %add3A_187, %mul3A_188 : i32
      %get3A = arith.constant 0 : i32
      %get3A_190 = arith.index_cast %get3A : i32 to index
      %get3A_191 = arith.index_cast %mul3A_189 : i32 to index
      %get3A_192 = tpu.vector_load %arg4[%get3A_190, %get3A_191] {strides = array<i32>} : memref<4x8192xf32, #tpu.memory_space<vmem>>, vector<1x16xf32>,
      %get3A_193 = vector.shape_cast %get3A_192 : vector<1x16xf32> to vector<16xf32>
      %eq3A = arith.cmpf oeq, %get3A_193, %max3A_39 : vector<16xf32>
      %jit3A = arith.constant 1.000000e+00 : f32
      %jit3A_194 = arith.constant 0.000000e+00 : f32
      %broadcast_in_dim3A_195 = vector.broadcast %jit3A : f32 to vector<16xf32>
      %broadcast_in_dim3A_196 = vector.broadcast %jit3A_194 : f32 to vector<16xf32>
      %select_n3A = arith.select %eq3A, %broadcast_in_dim3A_195, %broadcast_in_dim3A_196 : vector<16xi1>, vector<16xf32>
      %swap3A = arith.constant 0 : i32
      %swap3A_197 = arith.index_cast %swap3A : i32 to index
      %swap3A_198 = arith.index_cast %mul3A_189 : i32 to index
      %swap3A_199 = tpu.vector_load %arg5[%swap3A_197, %swap3A_198] {strides = array<i32>} : memref<4x8192xf32, #tpu.memory_space<vmem>>, vector<1x16xf32>,
      %swap3A_200 = vector.shape_cast %swap3A_199 : vector<1x16xf32> to vector<16xf32>
      %swap3A_201 = vector.shape_cast %select_n3A : vector<16xf32> to vector<1x16xf32>
      tpu.vector_store %arg5[%swap3A_197, %swap3A_198], %swap3A_201 {strides = array<i32>} : memref<4x8192xf32, #tpu.memory_space<vmem>>, vector<1x16xf32>,
      %mul3A_202 = arith.constant 16 : i32
      %mul3A_203 = arith.muli %scan3A_183, %mul3A_202 : i32
      %add3A_204 = arith.constant 1 : i32
      %add3A_205 = arith.addi %mul3A_203, %add3A_204 : i32
      %mul3A_206 = arith.constant 16 : i32
      %mul3A_207 = arith.muli %add3A_205, %mul3A_206 : i32
      %get3A_208 = arith.constant 0 : i32
      %get3A_209 = arith.index_cast %get3A_208 : i32 to index
      %get3A_210 = arith.index_cast %mul3A_207 : i32 to index
      %get3A_211 = tpu.vector_load %arg4[%get3A_209, %get3A_210] {strides = array<i32>} : memref<4x8192xf32, #tpu.memory_space<vmem>>, vector<1x16xf32>,
      %get3A_212 = vector.shape_cast %get3A_211 : vector<1x16xf32> to vector<16xf32>
      %eq3A_213 = arith.cmpf oeq, %get3A_212, %max3A_39 : vector<16xf32>
      %jit3A_214 = arith.constant 1.000000e+00 : f32
      %jit3A_215 = arith.constant 0.000000e+00 : f32
      %broadcast_in_dim3A_216 = vector.broadcast %jit3A_214 : f32 to vector<16xf32>
      %broadcast_in_dim3A_217 = vector.broadcast %jit3A_215 : f32 to vector<16xf32>
      %select_n3A_218 = arith.select %eq3A_213, %broadcast_in_dim3A_216, %broadcast_in_dim3A_217 : vector<16xi1>, vector<16xf32>
      %swap3A_219 = arith.constant 0 : i32
      %swap3A_220 = arith.index_cast %swap3A_219 : i32 to index
      %swap3A_221 = arith.index_cast %mul3A_207 : i32 to index
      %swap3A_222 = tpu.vector_load %arg5[%swap3A_220, %swap3A_221] {strides = array<i32>} : memref<4x8192xf32, #tpu.memory_space<vmem>>, vector<1x16xf32>,
      %swap3A_223 = vector.shape_cast %swap3A_222 : vector<1x16xf32> to vector<16xf32>
      %swap3A_224 = vector.shape_cast %select_n3A_218 : vector<16xf32> to vector<1x16xf32>
      tpu.vector_store %arg5[%swap3A_220, %swap3A_221], %swap3A_224 {strides = array<i32>} : memref<4x8192xf32, #tpu.memory_space<vmem>>, vector<1x16xf32>,
      %mul3A_225 = arith.constant 16 : i32
      %mul3A_226 = arith.muli %scan3A_183, %mul3A_225 : i32
      %add3A_227 = arith.constant 2 : i32
      %add3A_228 = arith.addi %mul3A_226, %add3A_227 : i32
      %mul3A_229 = arith.constant 16 : i32
      %mul3A_230 = arith.muli %add3A_228, %mul3A_229 : i32
      %get3A_231 = arith.constant 0 : i32
      %get3A_232 = arith.index_cast %get3A_231 : i32 to index
      %get3A_233 = arith.index_cast %mul3A_230 : i32 to index
      %get3A_234 = tpu.vector_load %arg4[%get3A_232, %get3A_233] {strides = array<i32>} : memref<4x8192xf32, #tpu.memory_space<vmem>>, vector<1x16xf32>,
      %get3A_235 = vector.shape_cast %get3A_234 : vector<1x16xf32> to vector<16xf32>
      %eq3A_236 = arith.cmpf oeq, %get3A_235, %max3A_39 : vector<16xf32>
      %jit3A_237 = arith.constant 1.000000e+00 : f32
      %jit3A_238 = arith.constant 0.000000e+00 : f32
      %broadcast_in_dim3A_239 = vector.broadcast %jit3A_237 : f32 to vector<16xf32>
      %broadcast_in_dim3A_240 = vector.broadcast %jit3A_238 : f32 to vector<16xf32>
      %select_n3A_241 = arith.select %eq3A_236, %broadcast_in_dim3A_239, %broadcast_in_dim3A_240 : vector<16xi1>, vector<16xf32>
      %swap3A_242 = arith.constant 0 : i32
      %swap3A_243 = arith.index_cast %swap3A_242 : i32 to index
      %swap3A_244 = arith.index_cast %mul3A_230 : i32 to index
      %swap3A_245 = tpu.vector_load %arg5[%swap3A_243, %swap3A_244] {strides = array<i32>} : memref<4x8192xf32, #tpu.memory_space<vmem>>, vector<1x16xf32>,
      %swap3A_246 = vector.shape_cast %swap3A_245 : vector<1x16xf32> to vector<16xf32>
      %swap3A_247 = vector.shape_cast %select_n3A_241 : vector<16xf32> to vector<1x16xf32>
      tpu.vector_store %arg5[%swap3A_243, %swap3A_244], %swap3A_247 {strides = array<i32>} : memref<4x8192xf32, #tpu.memory_space<vmem>>, vector<1x16xf32>,
      %mul3A_248 = arith.constant 16 : i32
      %mul3A_249 = arith.muli %scan3A_183, %mul3A_248 : i32
      %add3A_250 = arith.constant 3 : i32
      %add3A_251 = arith.addi %mul3A_249, %add3A_250 : i32
      %mul3A_252 = arith.constant 16 : i32
      %mul3A_253 = arith.muli %add3A_251, %mul3A_252 : i32
      %get3A_254 = arith.constant 0 : i32
      %get3A_255 = arith.index_cast %get3A_254 : i32 to index
      %get3A_256 = arith.index_cast %mul3A_253 : i32 to index
      %get3A_257 = tpu.vector_load %arg4[%get3A_255, %get3A_256] {strides = array<i32>} : memref<4x8192xf32, #tpu.memory_space<vmem>>, vector<1x16xf32>,
      %get3A_258 = vector.shape_cast %get3A_257 : vector<1x16xf32> to vector<16xf32>
      %eq3A_259 = arith.cmpf oeq, %get3A_258, %max3A_39 : vector<16xf32>
      %jit3A_260 = arith.constant 1.000000e+00 : f32
      %jit3A_261 = arith.constant 0.000000e+00 : f32
      %broadcast_in_dim3A_262 = vector.broadcast %jit3A_260 : f32 to vector<16xf32>
      %broadcast_in_dim3A_263 = vector.broadcast %jit3A_261 : f32 to vector<16xf32>
      %select_n3A_264 = arith.select %eq3A_259, %broadcast_in_dim3A_262, %broadcast_in_dim3A_263 : vector<16xi1>, vector<16xf32>
      %swap3A_265 = arith.constant 0 : i32
      %swap3A_266 = arith.index_cast %swap3A_265 : i32 to index
      %swap3A_267 = arith.index_cast %mul3A_253 : i32 to index
      %swap3A_268 = tpu.vector_load %arg5[%swap3A_266, %swap3A_267] {strides = array<i32>} : memref<4x8192xf32, #tpu.memory_space<vmem>>, vector<1x16xf32>,
      %swap3A_269 = vector.shape_cast %swap3A_268 : vector<1x16xf32> to vector<16xf32>
      %swap3A_270 = vector.shape_cast %select_n3A_264 : vector<16xf32> to vector<1x16xf32>
      tpu.vector_store %arg5[%swap3A_266, %swap3A_267], %swap3A_270 {strides = array<i32>} : memref<4x8192xf32, #tpu.memory_space<vmem>>, vector<1x16xf32>,
      %mul3A_271 = arith.constant 16 : i32
      %mul3A_272 = arith.muli %scan3A_183, %mul3A_271 : i32
      %add3A_273 = arith.constant 4 : i32
      %add3A_274 = arith.addi %mul3A_272, %add3A_273 : i32
      %mul3A_275 = arith.constant 16 : i32
      %mul3A_276 = arith.muli %add3A_274, %mul3A_275 : i32
      %get3A_277 = arith.constant 0 : i32
      %get3A_278 = arith.index_cast %get3A_277 : i32 to index
      %get3A_279 = arith.index_cast %mul3A_276 : i32 to index
      %get3A_280 = tpu.vector_load %arg4[%get3A_278, %get3A_279] {strides = array<i32>} : memref<4x8192xf32, #tpu.memory_space<vmem>>, vector<1x16xf32>,
      %get3A_281 = vector.shape_cast %get3A_280 : vector<1x16xf32> to vector<16xf32>
      %eq3A_282 = arith.cmpf oeq, %get3A_281, %max3A_39 : vector<16xf32>
      %jit3A_283 = arith.constant 1.000000e+00 : f32
      %jit3A_284 = arith.constant 0.000000e+00 : f32
      %broadcast_in_dim3A_285 = vector.broadcast %jit3A_283 : f32 to vector<16xf32>
      %broadcast_in_dim3A_286 = vector.broadcast %jit3A_284 : f32 to vector<16xf32>
      %select_n3A_287 = arith.select %eq3A_282, %broadcast_in_dim3A_285, %broadcast_in_dim3A_286 : vector<16xi1>, vector<16xf32>
      %swap3A_288 = arith.constant 0 : i32
      %swap3A_289 = arith.index_cast %swap3A_288 : i32 to index
      %swap3A_290 = arith.index_cast %mul3A_276 : i32 to index
      %swap3A_291 = tpu.vector_load %arg5[%swap3A_289, %swap3A_290] {strides = array<i32>} : memref<4x8192xf32, #tpu.memory_space<vmem>>, vector<1x16xf32>,
      %swap3A_292 = vector.shape_cast %swap3A_291 : vector<1x16xf32> to vector<16xf32>
      %swap3A_293 = vector.shape_cast %select_n3A_287 : vector<16xf32> to vector<1x16xf32>
      tpu.vector_store %arg5[%swap3A_289, %swap3A_290], %swap3A_293 {strides = array<i32>} : memref<4x8192xf32, #tpu.memory_space<vmem>>, vector<1x16xf32>,
      %mul3A_294 = arith.constant 16 : i32
      %mul3A_295 = arith.muli %scan3A_183, %mul3A_294 : i32
      %add3A_296 = arith.constant 5 : i32
      %add3A_297 = arith.addi %mul3A_295, %add3A_296 : i32
      %mul3A_298 = arith.constant 16 : i32
      %mul3A_299 = arith.muli %add3A_297, %mul3A_298 : i32
      %get3A_300 = arith.constant 0 : i32
      %get3A_301 = arith.index_cast %get3A_300 : i32 to index
      %get3A_302 = arith.index_cast %mul3A_299 : i32 to index
      %get3A_303 = tpu.vector_load %arg4[%get3A_301, %get3A_302] {strides = array<i32>} : memref<4x8192xf32, #tpu.memory_space<vmem>>, vector<1x16xf32>,
      %get3A_304 = vector.shape_cast %get3A_303 : vector<1x16xf32> to vector<16xf32>
      %eq3A_305 = arith.cmpf oeq, %get3A_304, %max3A_39 : vector<16xf32>
      %jit3A_306 = arith.constant 1.000000e+00 : f32
      %jit3A_307 = arith.constant 0.000000e+00 : f32
      %broadcast_in_dim3A_308 = vector.broadcast %jit3A_306 : f32 to vector<16xf32>
      %broadcast_in_dim3A_309 = vector.broadcast %jit3A_307 : f32 to vector<16xf32>
      %select_n3A_310 = arith.select %eq3A_305, %broadcast_in_dim3A_308, %broadcast_in_dim3A_309 : vector<16xi1>, vector<16xf32>
      %swap3A_311 = arith.constant 0 : i32
      %swap3A_312 = arith.index_cast %swap3A_311 : i32 to index
      %swap3A_313 = arith.index_cast %mul3A_299 : i32 to index
      %swap3A_314 = tpu.vector_load %arg5[%swap3A_312, %swap3A_313] {strides = array<i32>} : memref<4x8192xf32, #tpu.memory_space<vmem>>, vector<1x16xf32>,
      %swap3A_315 = vector.shape_cast %swap3A_314 : vector<1x16xf32> to vector<16xf32>
      %swap3A_316 = vector.shape_cast %select_n3A_310 : vector<16xf32> to vector<1x16xf32>
      tpu.vector_store %arg5[%swap3A_312, %swap3A_313], %swap3A_316 {strides = array<i32>} : memref<4x8192xf32, #tpu.memory_space<vmem>>, vector<1x16xf32>,
      %mul3A_317 = arith.constant 16 : i32
      %mul3A_318 = arith.muli %scan3A_183, %mul3A_317 : i32
      %add3A_319 = arith.constant 6 : i32
      %add3A_320 = arith.addi %mul3A_318, %add3A_319 : i32
      %mul3A_321 = arith.constant 16 : i32
      %mul3A_322 = arith.muli %add3A_320, %mul3A_321 : i32
      %get3A_323 = arith.constant 0 : i32
      %get3A_324 = arith.index_cast %get3A_323 : i32 to index
      %get3A_325 = arith.index_cast %mul3A_322 : i32 to index
      %get3A_326 = tpu.vector_load %arg4[%get3A_324, %get3A_325] {strides = array<i32>} : memref<4x8192xf32, #tpu.memory_space<vmem>>, vector<1x16xf32>,
      %get3A_327 = vector.shape_cast %get3A_326 : vector<1x16xf32> to vector<16xf32>
      %eq3A_328 = arith.cmpf oeq, %get3A_327, %max3A_39 : vector<16xf32>
      %jit3A_329 = arith.constant 1.000000e+00 : f32
      %jit3A_330 = arith.constant 0.000000e+00 : f32
      %broadcast_in_dim3A_331 = vector.broadcast %jit3A_329 : f32 to vector<16xf32>
      %broadcast_in_dim3A_332 = vector.broadcast %jit3A_330 : f32 to vector<16xf32>
      %select_n3A_333 = arith.select %eq3A_328, %broadcast_in_dim3A_331, %broadcast_in_dim3A_332 : vector<16xi1>, vector<16xf32>
      %swap3A_334 = arith.constant 0 : i32
      %swap3A_335 = arith.index_cast %swap3A_334 : i32 to index
      %swap3A_336 = arith.index_cast %mul3A_322 : i32 to index
      %swap3A_337 = tpu.vector_load %arg5[%swap3A_335, %swap3A_336] {strides = array<i32>} : memref<4x8192xf32, #tpu.memory_space<vmem>>, vector<1x16xf32>,
      %swap3A_338 = vector.shape_cast %swap3A_337 : vector<1x16xf32> to vector<16xf32>
      %swap3A_339 = vector.shape_cast %select_n3A_333 : vector<16xf32> to vector<1x16xf32>
      tpu.vector_store %arg5[%swap3A_335, %swap3A_336], %swap3A_339 {strides = array<i32>} : memref<4x8192xf32, #tpu.memory_space<vmem>>, vector<1x16xf32>,
      %mul3A_340 = arith.constant 16 : i32
      %mul3A_341 = arith.muli %scan3A_183, %mul3A_340 : i32
      %add3A_342 = arith.constant 7 : i32
      %add3A_343 = arith.addi %mul3A_341, %add3A_342 : i32
      %mul3A_344 = arith.constant 16 : i32
      %mul3A_345 = arith.muli %add3A_343, %mul3A_344 : i32
      %get3A_346 = arith.constant 0 : i32
      %get3A_347 = arith.index_cast %get3A_346 : i32 to index
      %get3A_348 = arith.index_cast %mul3A_345 : i32 to index
      %get3A_349 = tpu.vector_load %arg4[%get3A_347, %get3A_348] {strides = array<i32>} : memref<4x8192xf32, #tpu.memory_space<vmem>>, vector<1x16xf32>,
      %get3A_350 = vector.shape_cast %get3A_349 : vector<1x16xf32> to vector<16xf32>
      %eq3A_351 = arith.cmpf oeq, %get3A_350, %max3A_39 : vector<16xf32>
      %jit3A_352 = arith.constant 1.000000e+00 : f32
      %jit3A_353 = arith.constant 0.000000e+00 : f32
      %broadcast_in_dim3A_354 = vector.broadcast %jit3A_352 : f32 to vector<16xf32>
      %broadcast_in_dim3A_355 = vector.broadcast %jit3A_353 : f32 to vector<16xf32>
      %select_n3A_356 = arith.select %eq3A_351, %broadcast_in_dim3A_354, %broadcast_in_dim3A_355 : vector<16xi1>, vector<16xf32>
      %swap3A_357 = arith.constant 0 : i32
      %swap3A_358 = arith.index_cast %swap3A_357 : i32 to index
      %swap3A_359 = arith.index_cast %mul3A_345 : i32 to index
      %swap3A_360 = tpu.vector_load %arg5[%swap3A_358, %swap3A_359] {strides = array<i32>} : memref<4x8192xf32, #tpu.memory_space<vmem>>, vector<1x16xf32>,
      %swap3A_361 = vector.shape_cast %swap3A_360 : vector<1x16xf32> to vector<16xf32>
      %swap3A_362 = vector.shape_cast %select_n3A_356 : vector<16xf32> to vector<1x16xf32>
      tpu.vector_store %arg5[%swap3A_358, %swap3A_359], %swap3A_362 {strides = array<i32>} : memref<4x8192xf32, #tpu.memory_space<vmem>>, vector<1x16xf32>,
      %mul3A_363 = arith.constant 16 : i32
      %mul3A_364 = arith.muli %scan3A_183, %mul3A_363 : i32
      %add3A_365 = arith.constant 8 : i32
      %add3A_366 = arith.addi %mul3A_364, %add3A_365 : i32
      %mul3A_367 = arith.constant 16 : i32
      %mul3A_368 = arith.muli %add3A_366, %mul3A_367 : i32
      %get3A_369 = arith.constant 0 : i32
      %get3A_370 = arith.index_cast %get3A_369 : i32 to index
      %get3A_371 = arith.index_cast %mul3A_368 : i32 to index
      %get3A_372 = tpu.vector_load %arg4[%get3A_370, %get3A_371] {strides = array<i32>} : memref<4x8192xf32, #tpu.memory_space<vmem>>, vector<1x16xf32>,
      %get3A_373 = vector.shape_cast %get3A_372 : vector<1x16xf32> to vector<16xf32>
      %eq3A_374 = arith.cmpf oeq, %get3A_373, %max3A_39 : vector<16xf32>
      %jit3A_375 = arith.constant 1.000000e+00 : f32
      %jit3A_376 = arith.constant 0.000000e+00 : f32
      %broadcast_in_dim3A_377 = vector.broadcast %jit3A_375 : f32 to vector<16xf32>
      %broadcast_in_dim3A_378 = vector.broadcast %jit3A_376 : f32 to vector<16xf32>
      %select_n3A_379 = arith.select %eq3A_374, %broadcast_in_dim3A_377, %broadcast_in_dim3A_378 : vector<16xi1>, vector<16xf32>
      %swap3A_380 = arith.constant 0 : i32
      %swap3A_381 = arith.index_cast %swap3A_380 : i32 to index
      %swap3A_382 = arith.index_cast %mul3A_368 : i32 to index
      %swap3A_383 = tpu.vector_load %arg5[%swap3A_381, %swap3A_382] {strides = array<i32>} : memref<4x8192xf32, #tpu.memory_space<vmem>>, vector<1x16xf32>,
      %swap3A_384 = vector.shape_cast %swap3A_383 : vector<1x16xf32> to vector<16xf32>
      %swap3A_385 = vector.shape_cast %select_n3A_379 : vector<16xf32> to vector<1x16xf32>
      tpu.vector_store %arg5[%swap3A_381, %swap3A_382], %swap3A_385 {strides = array<i32>} : memref<4x8192xf32, #tpu.memory_space<vmem>>, vector<1x16xf32>,
      %mul3A_386 = arith.constant 16 : i32
      %mul3A_387 = arith.muli %scan3A_183, %mul3A_386 : i32
      %add3A_388 = arith.constant 9 : i32
      %add3A_389 = arith.addi %mul3A_387, %add3A_388 : i32
      %mul3A_390 = arith.constant 16 : i32
      %mul3A_391 = arith.muli %add3A_389, %mul3A_390 : i32
      %get3A_392 = arith.constant 0 : i32
      %get3A_393 = arith.index_cast %get3A_392 : i32 to index
      %get3A_394 = arith.index_cast %mul3A_391 : i32 to index
      %get3A_395 = tpu.vector_load %arg4[%get3A_393, %get3A_394] {strides = array<i32>} : memref<4x8192xf32, #tpu.memory_space<vmem>>, vector<1x16xf32>,
      %get3A_396 = vector.shape_cast %get3A_395 : vector<1x16xf32> to vector<16xf32>
      %eq3A_397 = arith.cmpf oeq, %get3A_396, %max3A_39 : vector<16xf32>
      %jit3A_398 = arith.constant 1.000000e+00 : f32
      %jit3A_399 = arith.constant 0.000000e+00 : f32
      %broadcast_in_dim3A_400 = vector.broadcast %jit3A_398 : f32 to vector<16xf32>
      %broadcast_in_dim3A_401 = vector.broadcast %jit3A_399 : f32 to vector<16xf32>
      %select_n3A_402 = arith.select %eq3A_397, %broadcast_in_dim3A_400, %broadcast_in_dim3A_401 : vector<16xi1>, vector<16xf32>
      %swap3A_403 = arith.constant 0 : i32
      %swap3A_404 = arith.index_cast %swap3A_403 : i32 to index
      %swap3A_405 = arith.index_cast %mul3A_391 : i32 to index
      %swap3A_406 = tpu.vector_load %arg5[%swap3A_404, %swap3A_405] {strides = array<i32>} : memref<4x8192xf32, #tpu.memory_space<vmem>>, vector<1x16xf32>,
      %swap3A_407 = vector.shape_cast %swap3A_406 : vector<1x16xf32> to vector<16xf32>
      %swap3A_408 = vector.shape_cast %select_n3A_402 : vector<16xf32> to vector<1x16xf32>
      tpu.vector_store %arg5[%swap3A_404, %swap3A_405], %swap3A_408 {strides = array<i32>} : memref<4x8192xf32, #tpu.memory_space<vmem>>, vector<1x16xf32>,
      %mul3A_409 = arith.constant 16 : i32
      %mul3A_410 = arith.muli %scan3A_183, %mul3A_409 : i32
      %add3A_411 = arith.constant 10 : i32
      %add3A_412 = arith.addi %mul3A_410, %add3A_411 : i32
      %mul3A_413 = arith.constant 16 : i32
      %mul3A_414 = arith.muli %add3A_412, %mul3A_413 : i32
      %get3A_415 = arith.constant 0 : i32
      %get3A_416 = arith.index_cast %get3A_415 : i32 to index
      %get3A_417 = arith.index_cast %mul3A_414 : i32 to index
      %get3A_418 = tpu.vector_load %arg4[%get3A_416, %get3A_417] {strides = array<i32>} : memref<4x8192xf32, #tpu.memory_space<vmem>>, vector<1x16xf32>,
      %get3A_419 = vector.shape_cast %get3A_418 : vector<1x16xf32> to vector<16xf32>
      %eq3A_420 = arith.cmpf oeq, %get3A_419, %max3A_39 : vector<16xf32>
      %jit3A_421 = arith.constant 1.000000e+00 : f32
      %jit3A_422 = arith.constant 0.000000e+00 : f32
      %broadcast_in_dim3A_423 = vector.broadcast %jit3A_421 : f32 to vector<16xf32>
      %broadcast_in_dim3A_424 = vector.broadcast %jit3A_422 : f32 to vector<16xf32>
      %select_n3A_425 = arith.select %eq3A_420, %broadcast_in_dim3A_423, %broadcast_in_dim3A_424 : vector<16xi1>, vector<16xf32>
      %swap3A_426 = arith.constant 0 : i32
      %swap3A_427 = arith.index_cast %swap3A_426 : i32 to index
      %swap3A_428 = arith.index_cast %mul3A_414 : i32 to index
      %swap3A_429 = tpu.vector_load %arg5[%swap3A_427, %swap3A_428] {strides = array<i32>} : memref<4x8192xf32, #tpu.memory_space<vmem>>, vector<1x16xf32>,
      %swap3A_430 = vector.shape_cast %swap3A_429 : vector<1x16xf32> to vector<16xf32>
      %swap3A_431 = vector.shape_cast %select_n3A_425 : vector<16xf32> to vector<1x16xf32>
      tpu.vector_store %arg5[%swap3A_427, %swap3A_428], %swap3A_431 {strides = array<i32>} : memref<4x8192xf32, #tpu.memory_space<vmem>>, vector<1x16xf32>,
      %mul3A_432 = arith.constant 16 : i32
      %mul3A_433 = arith.muli %scan3A_183, %mul3A_432 : i32
      %add3A_434 = arith.constant 11 : i32
      %add3A_435 = arith.addi %mul3A_433, %add3A_434 : i32
      %mul3A_436 = arith.constant 16 : i32
      %mul3A_437 = arith.muli %add3A_435, %mul3A_436 : i32
      %get3A_438 = arith.constant 0 : i32
      %get3A_439 = arith.index_cast %get3A_438 : i32 to index
      %get3A_440 = arith.index_cast %mul3A_437 : i32 to index
      %get3A_441 = tpu.vector_load %arg4[%get3A_439, %get3A_440] {strides = array<i32>} : memref<4x8192xf32, #tpu.memory_space<vmem>>, vector<1x16xf32>,
      %get3A_442 = vector.shape_cast %get3A_441 : vector<1x16xf32> to vector<16xf32>
      %eq3A_443 = arith.cmpf oeq, %get3A_442, %max3A_39 : vector<16xf32>
      %jit3A_444 = arith.constant 1.000000e+00 : f32
      %jit3A_445 = arith.constant 0.000000e+00 : f32
      %broadcast_in_dim3A_446 = vector.broadcast %jit3A_444 : f32 to vector<16xf32>
      %broadcast_in_dim3A_447 = vector.broadcast %jit3A_445 : f32 to vector<16xf32>
      %select_n3A_448 = arith.select %eq3A_443, %broadcast_in_dim3A_446, %broadcast_in_dim3A_447 : vector<16xi1>, vector<16xf32>
      %swap3A_449 = arith.constant 0 : i32
      %swap3A_450 = arith.index_cast %swap3A_449 : i32 to index
      %swap3A_451 = arith.index_cast %mul3A_437 : i32 to index
      %swap3A_452 = tpu.vector_load %arg5[%swap3A_450, %swap3A_451] {strides = array<i32>} : memref<4x8192xf32, #tpu.memory_space<vmem>>, vector<1x16xf32>,
      %swap3A_453 = vector.shape_cast %swap3A_452 : vector<1x16xf32> to vector<16xf32>
      %swap3A_454 = vector.shape_cast %select_n3A_448 : vector<16xf32> to vector<1x16xf32>
      tpu.vector_store %arg5[%swap3A_450, %swap3A_451], %swap3A_454 {strides = array<i32>} : memref<4x8192xf32, #tpu.memory_space<vmem>>, vector<1x16xf32>,
      %mul3A_455 = arith.constant 16 : i32
      %mul3A_456 = arith.muli %scan3A_183, %mul3A_455 : i32
      %add3A_457 = arith.constant 12 : i32
      %add3A_458 = arith.addi %mul3A_456, %add3A_457 : i32
      %mul3A_459 = arith.constant 16 : i32
      %mul3A_460 = arith.muli %add3A_458, %mul3A_459 : i32
      %get3A_461 = arith.constant 0 : i32
      %get3A_462 = arith.index_cast %get3A_461 : i32 to index
      %get3A_463 = arith.index_cast %mul3A_460 : i32 to index
      %get3A_464 = tpu.vector_load %arg4[%get3A_462, %get3A_463] {strides = array<i32>} : memref<4x8192xf32, #tpu.memory_space<vmem>>, vector<1x16xf32>,
      %get3A_465 = vector.shape_cast %get3A_464 : vector<1x16xf32> to vector<16xf32>
      %eq3A_466 = arith.cmpf oeq, %get3A_465, %max3A_39 : vector<16xf32>
      %jit3A_467 = arith.constant 1.000000e+00 : f32
      %jit3A_468 = arith.constant 0.000000e+00 : f32
      %broadcast_in_dim3A_469 = vector.broadcast %jit3A_467 : f32 to vector<16xf32>
      %broadcast_in_dim3A_470 = vector.broadcast %jit3A_468 : f32 to vector<16xf32>
      %select_n3A_471 = arith.select %eq3A_466, %broadcast_in_dim3A_469, %broadcast_in_dim3A_470 : vector<16xi1>, vector<16xf32>
      %swap3A_472 = arith.constant 0 : i32
      %swap3A_473 = arith.index_cast %swap3A_472 : i32 to index
      %swap3A_474 = arith.index_cast %mul3A_460 : i32 to index
      %swap3A_475 = tpu.vector_load %arg5[%swap3A_473, %swap3A_474] {strides = array<i32>} : memref<4x8192xf32, #tpu.memory_space<vmem>>, vector<1x16xf32>,
      %swap3A_476 = vector.shape_cast %swap3A_475 : vector<1x16xf32> to vector<16xf32>
      %swap3A_477 = vector.shape_cast %select_n3A_471 : vector<16xf32> to vector<1x16xf32>
      tpu.vector_store %arg5[%swap3A_473, %swap3A_474], %swap3A_477 {strides = array<i32>} : memref<4x8192xf32, #tpu.memory_space<vmem>>, vector<1x16xf32>,
      %mul3A_478 = arith.constant 16 : i32
      %mul3A_479 = arith.muli %scan3A_183, %mul3A_478 : i32
      %add3A_480 = arith.constant 13 : i32
      %add3A_481 = arith.addi %mul3A_479, %add3A_480 : i32
      %mul3A_482 = arith.constant 16 : i32
      %mul3A_483 = arith.muli %add3A_481, %mul3A_482 : i32
      %get3A_484 = arith.constant 0 : i32
      %get3A_485 = arith.index_cast %get3A_484 : i32 to index
      %get3A_486 = arith.index_cast %mul3A_483 : i32 to index
      %get3A_487 = tpu.vector_load %arg4[%get3A_485, %get3A_486] {strides = array<i32>} : memref<4x8192xf32, #tpu.memory_space<vmem>>, vector<1x16xf32>,
      %get3A_488 = vector.shape_cast %get3A_487 : vector<1x16xf32> to vector<16xf32>
      %eq3A_489 = arith.cmpf oeq, %get3A_488, %max3A_39 : vector<16xf32>
      %jit3A_490 = arith.constant 1.000000e+00 : f32
      %jit3A_491 = arith.constant 0.000000e+00 : f32
      %broadcast_in_dim3A_492 = vector.broadcast %jit3A_490 : f32 to vector<16xf32>
      %broadcast_in_dim3A_493 = vector.broadcast %jit3A_491 : f32 to vector<16xf32>
      %select_n3A_494 = arith.select %eq3A_489, %broadcast_in_dim3A_492, %broadcast_in_dim3A_493 : vector<16xi1>, vector<16xf32>
      %swap3A_495 = arith.constant 0 : i32
      %swap3A_496 = arith.index_cast %swap3A_495 : i32 to index
      %swap3A_497 = arith.index_cast %mul3A_483 : i32 to index
      %swap3A_498 = tpu.vector_load %arg5[%swap3A_496, %swap3A_497] {strides = array<i32>} : memref<4x8192xf32, #tpu.memory_space<vmem>>, vector<1x16xf32>,
      %swap3A_499 = vector.shape_cast %swap3A_498 : vector<1x16xf32> to vector<16xf32>
      %swap3A_500 = vector.shape_cast %select_n3A_494 : vector<16xf32> to vector<1x16xf32>
      tpu.vector_store %arg5[%swap3A_496, %swap3A_497], %swap3A_500 {strides = array<i32>} : memref<4x8192xf32, #tpu.memory_space<vmem>>, vector<1x16xf32>,
      %mul3A_501 = arith.constant 16 : i32
      %mul3A_502 = arith.muli %scan3A_183, %mul3A_501 : i32
      %add3A_503 = arith.constant 14 : i32
      %add3A_504 = arith.addi %mul3A_502, %add3A_503 : i32
      %mul3A_505 = arith.constant 16 : i32
      %mul3A_506 = arith.muli %add3A_504, %mul3A_505 : i32
      %get3A_507 = arith.constant 0 : i32
      %get3A_508 = arith.index_cast %get3A_507 : i32 to index
      %get3A_509 = arith.index_cast %mul3A_506 : i32 to index
      %get3A_510 = tpu.vector_load %arg4[%get3A_508, %get3A_509] {strides = array<i32>} : memref<4x8192xf32, #tpu.memory_space<vmem>>, vector<1x16xf32>,
      %get3A_511 = vector.shape_cast %get3A_510 : vector<1x16xf32> to vector<16xf32>
      %eq3A_512 = arith.cmpf oeq, %get3A_511, %max3A_39 : vector<16xf32>
      %jit3A_513 = arith.constant 1.000000e+00 : f32
      %jit3A_514 = arith.constant 0.000000e+00 : f32
      %broadcast_in_dim3A_515 = vector.broadcast %jit3A_513 : f32 to vector<16xf32>
      %broadcast_in_dim3A_516 = vector.broadcast %jit3A_514 : f32 to vector<16xf32>
      %select_n3A_517 = arith.select %eq3A_512, %broadcast_in_dim3A_515, %broadcast_in_dim3A_516 : vector<16xi1>, vector<16xf32>
      %swap3A_518 = arith.constant 0 : i32
      %swap3A_519 = arith.index_cast %swap3A_518 : i32 to index
      %swap3A_520 = arith.index_cast %mul3A_506 : i32 to index
      %swap3A_521 = tpu.vector_load %arg5[%swap3A_519, %swap3A_520] {strides = array<i32>} : memref<4x8192xf32, #tpu.memory_space<vmem>>, vector<1x16xf32>,
      %swap3A_522 = vector.shape_cast %swap3A_521 : vector<1x16xf32> to vector<16xf32>
      %swap3A_523 = vector.shape_cast %select_n3A_517 : vector<16xf32> to vector<1x16xf32>
      tpu.vector_store %arg5[%swap3A_519, %swap3A_520], %swap3A_523 {strides = array<i32>} : memref<4x8192xf32, #tpu.memory_space<vmem>>, vector<1x16xf32>,
      %mul3A_524 = arith.constant 16 : i32
      %mul3A_525 = arith.muli %scan3A_183, %mul3A_524 : i32
      %add3A_526 = arith.constant 15 : i32
      %add3A_527 = arith.addi %mul3A_525, %add3A_526 : i32
      %mul3A_528 = arith.constant 16 : i32
      %mul3A_529 = arith.muli %add3A_527, %mul3A_528 : i32
      %get3A_530 = arith.constant 0 : i32
      %get3A_531 = arith.index_cast %get3A_530 : i32 to index
      %get3A_532 = arith.index_cast %mul3A_529 : i32 to index
      %get3A_533 = tpu.vector_load %arg4[%get3A_531, %get3A_532] {strides = array<i32>} : memref<4x8192xf32, #tpu.memory_space<vmem>>, vector<1x16xf32>,
      %get3A_534 = vector.shape_cast %get3A_533 : vector<1x16xf32> to vector<16xf32>
      %eq3A_535 = arith.cmpf oeq, %get3A_534, %max3A_39 : vector<16xf32>
      %jit3A_536 = arith.constant 1.000000e+00 : f32
      %jit3A_537 = arith.constant 0.000000e+00 : f32
      %broadcast_in_dim3A_538 = vector.broadcast %jit3A_536 : f32 to vector<16xf32>
      %broadcast_in_dim3A_539 = vector.broadcast %jit3A_537 : f32 to vector<16xf32>
      %select_n3A_540 = arith.select %eq3A_535, %broadcast_in_dim3A_538, %broadcast_in_dim3A_539 : vector<16xi1>, vector<16xf32>
      %swap3A_541 = arith.constant 0 : i32
      %swap3A_542 = arith.index_cast %swap3A_541 : i32 to index
      %swap3A_543 = arith.index_cast %mul3A_529 : i32 to index
      %swap3A_544 = tpu.vector_load %arg5[%swap3A_542, %swap3A_543] {strides = array<i32>} : memref<4x8192xf32, #tpu.memory_space<vmem>>, vector<1x16xf32>,
      %swap3A_545 = vector.shape_cast %swap3A_544 : vector<1x16xf32> to vector<16xf32>
      %swap3A_546 = vector.shape_cast %select_n3A_540 : vector<16xf32> to vector<1x16xf32>
      tpu.vector_store %arg5[%swap3A_542, %swap3A_543], %swap3A_546 {strides = array<i32>} : memref<4x8192xf32, #tpu.memory_space<vmem>>, vector<1x16xf32>,
    }
    %scan3A_45 = arith.constant 32 : i32
    %broadcast_in_dim3A_46 = arith.constant 0xFF800000 : f32
    %broadcast_in_dim3A_47 = vector.broadcast %broadcast_in_dim3A_46 : f32 to vector<16xf32>
    %scan3A_48 = arith.constant 0 : i32
    %scan3A_49 = arith.constant 32 : i32
    %scan3A_50 = arith.addi %scan3A_48, %scan3A_49 : i32
    %scan3A_51 = arith.constant 1 : i32
    %scan3A_52 = scf.for %scan3A_183 = %scan3A_48 to %scan3A_50 step %scan3A_51 iter_args(%scan3A_184 = %broadcast_in_dim3A_47) -> (vector<16xf32>)  : i32 {
      %mul3A_185 = arith.constant 16 : i32
      %mul3A_186 = arith.muli %scan3A_183, %mul3A_185 : i32
      %add3A_187 = arith.constant 0 : i32
      %add3A_188 = arith.addi %mul3A_186, %add3A_187 : i32
      %mul3A_189 = arith.constant 16 : i32
      %mul3A_190 = arith.muli %add3A_188, %mul3A_189 : i32
      %get3A = arith.constant 1 : i32
      %get3A_191 = arith.index_cast %get3A : i32 to index
      %get3A_192 = arith.index_cast %mul3A_190 : i32 to index
      %get3A_193 = tpu.vector_load %arg4[%get3A_191, %get3A_192] {strides = array<i32>} : memref<4x8192xf32, #tpu.memory_space<vmem>>, vector<1x16xf32>,
      %get3A_194 = vector.shape_cast %get3A_193 : vector<1x16xf32> to vector<16xf32>
      %mul3A_195 = arith.constant 16 : i32
      %mul3A_196 = arith.muli %scan3A_183, %mul3A_195 : i32
      %add3A_197 = arith.constant 1 : i32
      %add3A_198 = arith.addi %mul3A_196, %add3A_197 : i32
      %mul3A_199 = arith.constant 16 : i32
      %mul3A_200 = arith.muli %add3A_198, %mul3A_199 : i32
      %get3A_201 = arith.constant 1 : i32
      %get3A_202 = arith.index_cast %get3A_201 : i32 to index
      %get3A_203 = arith.index_cast %mul3A_200 : i32 to index
      %get3A_204 = tpu.vector_load %arg4[%get3A_202, %get3A_203] {strides = array<i32>} : memref<4x8192xf32, #tpu.memory_space<vmem>>, vector<1x16xf32>,
      %get3A_205 = vector.shape_cast %get3A_204 : vector<1x16xf32> to vector<16xf32>
      %mul3A_206 = arith.constant 16 : i32
      %mul3A_207 = arith.muli %scan3A_183, %mul3A_206 : i32
      %add3A_208 = arith.constant 2 : i32
      %add3A_209 = arith.addi %mul3A_207, %add3A_208 : i32
      %mul3A_210 = arith.constant 16 : i32
      %mul3A_211 = arith.muli %add3A_209, %mul3A_210 : i32
      %get3A_212 = arith.constant 1 : i32
      %get3A_213 = arith.index_cast %get3A_212 : i32 to index
      %get3A_214 = arith.index_cast %mul3A_211 : i32 to index
      %get3A_215 = tpu.vector_load %arg4[%get3A_213, %get3A_214] {strides = array<i32>} : memref<4x8192xf32, #tpu.memory_space<vmem>>, vector<1x16xf32>,
      %get3A_216 = vector.shape_cast %get3A_215 : vector<1x16xf32> to vector<16xf32>
      %mul3A_217 = arith.constant 16 : i32
      %mul3A_218 = arith.muli %scan3A_183, %mul3A_217 : i32
      %add3A_219 = arith.constant 3 : i32
      %add3A_220 = arith.addi %mul3A_218, %add3A_219 : i32
      %mul3A_221 = arith.constant 16 : i32
      %mul3A_222 = arith.muli %add3A_220, %mul3A_221 : i32
      %get3A_223 = arith.constant 1 : i32
      %get3A_224 = arith.index_cast %get3A_223 : i32 to index
      %get3A_225 = arith.index_cast %mul3A_222 : i32 to index
      %get3A_226 = tpu.vector_load %arg4[%get3A_224, %get3A_225] {strides = array<i32>} : memref<4x8192xf32, #tpu.memory_space<vmem>>, vector<1x16xf32>,
      %get3A_227 = vector.shape_cast %get3A_226 : vector<1x16xf32> to vector<16xf32>
      %mul3A_228 = arith.constant 16 : i32
      %mul3A_229 = arith.muli %scan3A_183, %mul3A_228 : i32
      %add3A_230 = arith.constant 4 : i32
      %add3A_231 = arith.addi %mul3A_229, %add3A_230 : i32
      %mul3A_232 = arith.constant 16 : i32
      %mul3A_233 = arith.muli %add3A_231, %mul3A_232 : i32
      %get3A_234 = arith.constant 1 : i32
      %get3A_235 = arith.index_cast %get3A_234 : i32 to index
      %get3A_236 = arith.index_cast %mul3A_233 : i32 to index
      %get3A_237 = tpu.vector_load %arg4[%get3A_235, %get3A_236] {strides = array<i32>} : memref<4x8192xf32, #tpu.memory_space<vmem>>, vector<1x16xf32>,
      %get3A_238 = vector.shape_cast %get3A_237 : vector<1x16xf32> to vector<16xf32>
      %mul3A_239 = arith.constant 16 : i32
      %mul3A_240 = arith.muli %scan3A_183, %mul3A_239 : i32
      %add3A_241 = arith.constant 5 : i32
      %add3A_242 = arith.addi %mul3A_240, %add3A_241 : i32
      %mul3A_243 = arith.constant 16 : i32
      %mul3A_244 = arith.muli %add3A_242, %mul3A_243 : i32
      %get3A_245 = arith.constant 1 : i32
      %get3A_246 = arith.index_cast %get3A_245 : i32 to index
      %get3A_247 = arith.index_cast %mul3A_244 : i32 to index
      %get3A_248 = tpu.vector_load %arg4[%get3A_246, %get3A_247] {strides = array<i32>} : memref<4x8192xf32, #tpu.memory_space<vmem>>, vector<1x16xf32>,
      %get3A_249 = vector.shape_cast %get3A_248 : vector<1x16xf32> to vector<16xf32>
      %mul3A_250 = arith.constant 16 : i32
      %mul3A_251 = arith.muli %scan3A_183, %mul3A_250 : i32
      %add3A_252 = arith.constant 6 : i32
      %add3A_253 = arith.addi %mul3A_251, %add3A_252 : i32
      %mul3A_254 = arith.constant 16 : i32
      %mul3A_255 = arith.muli %add3A_253, %mul3A_254 : i32
      %get3A_256 = arith.constant 1 : i32
      %get3A_257 = arith.index_cast %get3A_256 : i32 to index
      %get3A_258 = arith.index_cast %mul3A_255 : i32 to index
      %get3A_259 = tpu.vector_load %arg4[%get3A_257, %get3A_258] {strides = array<i32>} : memref<4x8192xf32, #tpu.memory_space<vmem>>, vector<1x16xf32>,
      %get3A_260 = vector.shape_cast %get3A_259 : vector<1x16xf32> to vector<16xf32>
      %mul3A_261 = arith.constant 16 : i32
      %mul3A_262 = arith.muli %scan3A_183, %mul3A_261 : i32
      %add3A_263 = arith.constant 7 : i32
      %add3A_264 = arith.addi %mul3A_262, %add3A_263 : i32
      %mul3A_265 = arith.constant 16 : i32
      %mul3A_266 = arith.muli %add3A_264, %mul3A_265 : i32
      %get3A_267 = arith.constant 1 : i32
      %get3A_268 = arith.index_cast %get3A_267 : i32 to index
      %get3A_269 = arith.index_cast %mul3A_266 : i32 to index
      %get3A_270 = tpu.vector_load %arg4[%get3A_268, %get3A_269] {strides = array<i32>} : memref<4x8192xf32, #tpu.memory_space<vmem>>, vector<1x16xf32>,
      %get3A_271 = vector.shape_cast %get3A_270 : vector<1x16xf32> to vector<16xf32>
      %mul3A_272 = arith.constant 16 : i32
      %mul3A_273 = arith.muli %scan3A_183, %mul3A_272 : i32
      %add3A_274 = arith.constant 8 : i32
      %add3A_275 = arith.addi %mul3A_273, %add3A_274 : i32
      %mul3A_276 = arith.constant 16 : i32
      %mul3A_277 = arith.muli %add3A_275, %mul3A_276 : i32
      %get3A_278 = arith.constant 1 : i32
      %get3A_279 = arith.index_cast %get3A_278 : i32 to index
      %get3A_280 = arith.index_cast %mul3A_277 : i32 to index
      %get3A_281 = tpu.vector_load %arg4[%get3A_279, %get3A_280] {strides = array<i32>} : memref<4x8192xf32, #tpu.memory_space<vmem>>, vector<1x16xf32>,
      %get3A_282 = vector.shape_cast %get3A_281 : vector<1x16xf32> to vector<16xf32>
      %mul3A_283 = arith.constant 16 : i32
      %mul3A_284 = arith.muli %scan3A_183, %mul3A_283 : i32
      %add3A_285 = arith.constant 9 : i32
      %add3A_286 = arith.addi %mul3A_284, %add3A_285 : i32
      %mul3A_287 = arith.constant 16 : i32
      %mul3A_288 = arith.muli %add3A_286, %mul3A_287 : i32
      %get3A_289 = arith.constant 1 : i32
      %get3A_290 = arith.index_cast %get3A_289 : i32 to index
      %get3A_291 = arith.index_cast %mul3A_288 : i32 to index
      %get3A_292 = tpu.vector_load %arg4[%get3A_290, %get3A_291] {strides = array<i32>} : memref<4x8192xf32, #tpu.memory_space<vmem>>, vector<1x16xf32>,
      %get3A_293 = vector.shape_cast %get3A_292 : vector<1x16xf32> to vector<16xf32>
      %mul3A_294 = arith.constant 16 : i32
      %mul3A_295 = arith.muli %scan3A_183, %mul3A_294 : i32
      %add3A_296 = arith.constant 10 : i32
      %add3A_297 = arith.addi %mul3A_295, %add3A_296 : i32
      %mul3A_298 = arith.constant 16 : i32
      %mul3A_299 = arith.muli %add3A_297, %mul3A_298 : i32
      %get3A_300 = arith.constant 1 : i32
      %get3A_301 = arith.index_cast %get3A_300 : i32 to index
      %get3A_302 = arith.index_cast %mul3A_299 : i32 to index
      %get3A_303 = tpu.vector_load %arg4[%get3A_301, %get3A_302] {strides = array<i32>} : memref<4x8192xf32, #tpu.memory_space<vmem>>, vector<1x16xf32>,
      %get3A_304 = vector.shape_cast %get3A_303 : vector<1x16xf32> to vector<16xf32>
      %mul3A_305 = arith.constant 16 : i32
      %mul3A_306 = arith.muli %scan3A_183, %mul3A_305 : i32
      %add3A_307 = arith.constant 11 : i32
      %add3A_308 = arith.addi %mul3A_306, %add3A_307 : i32
      %mul3A_309 = arith.constant 16 : i32
      %mul3A_310 = arith.muli %add3A_308, %mul3A_309 : i32
      %get3A_311 = arith.constant 1 : i32
      %get3A_312 = arith.index_cast %get3A_311 : i32 to index
      %get3A_313 = arith.index_cast %mul3A_310 : i32 to index
      %get3A_314 = tpu.vector_load %arg4[%get3A_312, %get3A_313] {strides = array<i32>} : memref<4x8192xf32, #tpu.memory_space<vmem>>, vector<1x16xf32>,
      %get3A_315 = vector.shape_cast %get3A_314 : vector<1x16xf32> to vector<16xf32>
      %mul3A_316 = arith.constant 16 : i32
      %mul3A_317 = arith.muli %scan3A_183, %mul3A_316 : i32
      %add3A_318 = arith.constant 12 : i32
      %add3A_319 = arith.addi %mul3A_317, %add3A_318 : i32
      %mul3A_320 = arith.constant 16 : i32
      %mul3A_321 = arith.muli %add3A_319, %mul3A_320 : i32
      %get3A_322 = arith.constant 1 : i32
      %get3A_323 = arith.index_cast %get3A_322 : i32 to index
      %get3A_324 = arith.index_cast %mul3A_321 : i32 to index
      %get3A_325 = tpu.vector_load %arg4[%get3A_323, %get3A_324] {strides = array<i32>} : memref<4x8192xf32, #tpu.memory_space<vmem>>, vector<1x16xf32>,
      %get3A_326 = vector.shape_cast %get3A_325 : vector<1x16xf32> to vector<16xf32>
      %mul3A_327 = arith.constant 16 : i32
      %mul3A_328 = arith.muli %scan3A_183, %mul3A_327 : i32
      %add3A_329 = arith.constant 13 : i32
      %add3A_330 = arith.addi %mul3A_328, %add3A_329 : i32
      %mul3A_331 = arith.constant 16 : i32
      %mul3A_332 = arith.muli %add3A_330, %mul3A_331 : i32
      %get3A_333 = arith.constant 1 : i32
      %get3A_334 = arith.index_cast %get3A_333 : i32 to index
      %get3A_335 = arith.index_cast %mul3A_332 : i32 to index
      %get3A_336 = tpu.vector_load %arg4[%get3A_334, %get3A_335] {strides = array<i32>} : memref<4x8192xf32, #tpu.memory_space<vmem>>, vector<1x16xf32>,
      %get3A_337 = vector.shape_cast %get3A_336 : vector<1x16xf32> to vector<16xf32>
      %mul3A_338 = arith.constant 16 : i32
      %mul3A_339 = arith.muli %scan3A_183, %mul3A_338 : i32
      %add3A_340 = arith.constant 14 : i32
      %add3A_341 = arith.addi %mul3A_339, %add3A_340 : i32
      %mul3A_342 = arith.constant 16 : i32
      %mul3A_343 = arith.muli %add3A_341, %mul3A_342 : i32
      %get3A_344 = arith.constant 1 : i32
      %get3A_345 = arith.index_cast %get3A_344 : i32 to index
      %get3A_346 = arith.index_cast %mul3A_343 : i32 to index
      %get3A_347 = tpu.vector_load %arg4[%get3A_345, %get3A_346] {strides = array<i32>} : memref<4x8192xf32, #tpu.memory_space<vmem>>, vector<1x16xf32>,
      %get3A_348 = vector.shape_cast %get3A_347 : vector<1x16xf32> to vector<16xf32>
      %mul3A_349 = arith.constant 16 : i32
      %mul3A_350 = arith.muli %scan3A_183, %mul3A_349 : i32
      %add3A_351 = arith.constant 15 : i32
      %add3A_352 = arith.addi %mul3A_350, %add3A_351 : i32
      %mul3A_353 = arith.constant 16 : i32
      %mul3A_354 = arith.muli %add3A_352, %mul3A_353 : i32
      %get3A_355 = arith.constant 1 : i32
      %get3A_356 = arith.index_cast %get3A_355 : i32 to index
      %get3A_357 = arith.index_cast %mul3A_354 : i32 to index
      %get3A_358 = tpu.vector_load %arg4[%get3A_356, %get3A_357] {strides = array<i32>} : memref<4x8192xf32, #tpu.memory_space<vmem>>, vector<1x16xf32>,
      %get3A_359 = vector.shape_cast %get3A_358 : vector<1x16xf32> to vector<16xf32>
      %max3A_360 = arith.maximumf %scan3A_184, %get3A_194 : vector<16xf32>
      %max3A_361 = arith.maximumf %max3A_360, %get3A_205 : vector<16xf32>
      %max3A_362 = arith.maximumf %max3A_361, %get3A_216 : vector<16xf32>
      %max3A_363 = arith.maximumf %max3A_362, %get3A_227 : vector<16xf32>
      %max3A_364 = arith.maximumf %max3A_363, %get3A_238 : vector<16xf32>
      %max3A_365 = arith.maximumf %max3A_364, %get3A_249 : vector<16xf32>
      %max3A_366 = arith.maximumf %max3A_365, %get3A_260 : vector<16xf32>
      %max3A_367 = arith.maximumf %max3A_366, %get3A_271 : vector<16xf32>
      %max3A_368 = arith.maximumf %max3A_367, %get3A_282 : vector<16xf32>
      %max3A_369 = arith.maximumf %max3A_368, %get3A_293 : vector<16xf32>
      %max3A_370 = arith.maximumf %max3A_369, %get3A_304 : vector<16xf32>
      %max3A_371 = arith.maximumf %max3A_370, %get3A_315 : vector<16xf32>
      %max3A_372 = arith.maximumf %max3A_371, %get3A_326 : vector<16xf32>
      %max3A_373 = arith.maximumf %max3A_372, %get3A_337 : vector<16xf32>
      %max3A_374 = arith.maximumf %max3A_373, %get3A_348 : vector<16xf32>
      %max3A_375 = arith.maximumf %max3A_374, %get3A_359 : vector<16xf32>
      scf.yield %max3A_375 : vector<16xf32>
    }
    %scan3A_53 = arith.constant 32 : i32
    %iota3A_54 = tpu.iota {dimensions = array<i32: 0>} : vector<16xi32>
    %xor3A_55 = arith.constant 8 : i32
    %xor3A_56 = vector.broadcast %xor3A_55 : i32 to vector<16xi32>
    %xor3A_57 = arith.xori %iota3A_54, %xor3A_56 : vector<16xi32>
    %broadcast_in_dim3A_58 = vector.shape_cast %xor3A_57 : vector<16xi32> to vector<16x1xi32>
    %gather3A_59 = vector.shape_cast %broadcast_in_dim3A_58 : vector<16x1xi32> to vector<16xi32>
    %gather3A_60 = tpu.dynamic_gather %scan3A_52[%gather3A_59] in [0] : vector<16xf32>, vector<16xi32> -> vector<16xf32>
    %max3A_61 = arith.maximumf %scan3A_52, %gather3A_60 : vector<16xf32>
    %xor3A_62 = arith.constant 4 : i32
    %xor3A_63 = vector.broadcast %xor3A_62 : i32 to vector<16xi32>
    %xor3A_64 = arith.xori %iota3A_54, %xor3A_63 : vector<16xi32>
    %broadcast_in_dim3A_65 = vector.shape_cast %xor3A_64 : vector<16xi32> to vector<16x1xi32>
    %gather3A_66 = vector.shape_cast %broadcast_in_dim3A_65 : vector<16x1xi32> to vector<16xi32>
    %gather3A_67 = tpu.dynamic_gather %max3A_61[%gather3A_66] in [0] : vector<16xf32>, vector<16xi32> -> vector<16xf32>
    %max3A_68 = arith.maximumf %max3A_61, %gather3A_67 : vector<16xf32>
    %xor3A_69 = arith.constant 2 : i32
    %xor3A_70 = vector.broadcast %xor3A_69 : i32 to vector<16xi32>
    %xor3A_71 = arith.xori %iota3A_54, %xor3A_70 : vector<16xi32>
    %broadcast_in_dim3A_72 = vector.shape_cast %xor3A_71 : vector<16xi32> to vector<16x1xi32>
    %gather3A_73 = vector.shape_cast %broadcast_in_dim3A_72 : vector<16x1xi32> to vector<16xi32>
    %gather3A_74 = tpu.dynamic_gather %max3A_68[%gather3A_73] in [0] : vector<16xf32>, vector<16xi32> -> vector<16xf32>
    %max3A_75 = arith.maximumf %max3A_68, %gather3A_74 : vector<16xf32>
    %xor3A_76 = arith.constant 1 : i32
    %xor3A_77 = vector.broadcast %xor3A_76 : i32 to vector<16xi32>
    %xor3A_78 = arith.xori %iota3A_54, %xor3A_77 : vector<16xi32>
    %broadcast_in_dim3A_79 = vector.shape_cast %xor3A_78 : vector<16xi32> to vector<16x1xi32>
    %gather3A_80 = vector.shape_cast %broadcast_in_dim3A_79 : vector<16x1xi32> to vector<16xi32>
    %gather3A_81 = tpu.dynamic_gather %max3A_75[%gather3A_80] in [0] : vector<16xf32>, vector<16xi32> -> vector<16xf32>
    %max3A_82 = arith.maximumf %max3A_75, %gather3A_81 : vector<16xf32>
    %scan3A_83 = arith.constant 0 : i32
    %scan3A_84 = arith.constant 0 : i32
    %scan3A_85 = arith.constant 32 : i32
    %scan3A_86 = arith.addi %scan3A_84, %scan3A_85 : i32
    %scan3A_87 = arith.constant 1 : i32
    scf.for %scan3A_183 = %scan3A_84 to %scan3A_86 step %scan3A_87  : i32 {
      %mul3A_184 = arith.constant 16 : i32
      %mul3A_185 = arith.muli %scan3A_183, %mul3A_184 : i32
      %add3A_186 = arith.constant 0 : i32
      %add3A_187 = arith.addi %mul3A_185, %add3A_186 : i32
      %mul3A_188 = arith.constant 16 : i32
      %mul3A_189 = arith.muli %add3A_187, %mul3A_188 : i32
      %get3A = arith.constant 1 : i32
      %get3A_190 = arith.index_cast %get3A : i32 to index
      %get3A_191 = arith.index_cast %mul3A_189 : i32 to index
      %get3A_192 = tpu.vector_load %arg4[%get3A_190, %get3A_191] {strides = array<i32>} : memref<4x8192xf32, #tpu.memory_space<vmem>>, vector<1x16xf32>,
      %get3A_193 = vector.shape_cast %get3A_192 : vector<1x16xf32> to vector<16xf32>
      %eq3A = arith.cmpf oeq, %get3A_193, %max3A_82 : vector<16xf32>
      %jit3A = arith.constant 1.000000e+00 : f32
      %jit3A_194 = arith.constant 0.000000e+00 : f32
      %broadcast_in_dim3A_195 = vector.broadcast %jit3A : f32 to vector<16xf32>
      %broadcast_in_dim3A_196 = vector.broadcast %jit3A_194 : f32 to vector<16xf32>
      %select_n3A = arith.select %eq3A, %broadcast_in_dim3A_195, %broadcast_in_dim3A_196 : vector<16xi1>, vector<16xf32>
      %swap3A = arith.constant 1 : i32
      %swap3A_197 = arith.index_cast %swap3A : i32 to index
      %swap3A_198 = arith.index_cast %mul3A_189 : i32 to index
      %swap3A_199 = tpu.vector_load %arg5[%swap3A_197, %swap3A_198] {strides = array<i32>} : memref<4x8192xf32, #tpu.memory_space<vmem>>, vector<1x16xf32>,
      %swap3A_200 = vector.shape_cast %swap3A_199 : vector<1x16xf32> to vector<16xf32>
      %swap3A_201 = vector.shape_cast %select_n3A : vector<16xf32> to vector<1x16xf32>
      tpu.vector_store %arg5[%swap3A_197, %swap3A_198], %swap3A_201 {strides = array<i32>} : memref<4x8192xf32, #tpu.memory_space<vmem>>, vector<1x16xf32>,
      %mul3A_202 = arith.constant 16 : i32
      %mul3A_203 = arith.muli %scan3A_183, %mul3A_202 : i32
      %add3A_204 = arith.constant 1 : i32
      %add3A_205 = arith.addi %mul3A_203, %add3A_204 : i32
      %mul3A_206 = arith.constant 16 : i32
      %mul3A_207 = arith.muli %add3A_205, %mul3A_206 : i32
      %get3A_208 = arith.constant 1 : i32
      %get3A_209 = arith.index_cast %get3A_208 : i32 to index
      %get3A_210 = arith.index_cast %mul3A_207 : i32 to index
      %get3A_211 = tpu.vector_load %arg4[%get3A_209, %get3A_210] {strides = array<i32>} : memref<4x8192xf32, #tpu.memory_space<vmem>>, vector<1x16xf32>,
      %get3A_212 = vector.shape_cast %get3A_211 : vector<1x16xf32> to vector<16xf32>
      %eq3A_213 = arith.cmpf oeq, %get3A_212, %max3A_82 : vector<16xf32>
      %jit3A_214 = arith.constant 1.000000e+00 : f32
      %jit3A_215 = arith.constant 0.000000e+00 : f32
      %broadcast_in_dim3A_216 = vector.broadcast %jit3A_214 : f32 to vector<16xf32>
      %broadcast_in_dim3A_217 = vector.broadcast %jit3A_215 : f32 to vector<16xf32>
      %select_n3A_218 = arith.select %eq3A_213, %broadcast_in_dim3A_216, %broadcast_in_dim3A_217 : vector<16xi1>, vector<16xf32>
      %swap3A_219 = arith.constant 1 : i32
      %swap3A_220 = arith.index_cast %swap3A_219 : i32 to index
      %swap3A_221 = arith.index_cast %mul3A_207 : i32 to index
      %swap3A_222 = tpu.vector_load %arg5[%swap3A_220, %swap3A_221] {strides = array<i32>} : memref<4x8192xf32, #tpu.memory_space<vmem>>, vector<1x16xf32>,
      %swap3A_223 = vector.shape_cast %swap3A_222 : vector<1x16xf32> to vector<16xf32>
      %swap3A_224 = vector.shape_cast %select_n3A_218 : vector<16xf32> to vector<1x16xf32>
      tpu.vector_store %arg5[%swap3A_220, %swap3A_221], %swap3A_224 {strides = array<i32>} : memref<4x8192xf32, #tpu.memory_space<vmem>>, vector<1x16xf32>,
      %mul3A_225 = arith.constant 16 : i32
      %mul3A_226 = arith.muli %scan3A_183, %mul3A_225 : i32
      %add3A_227 = arith.constant 2 : i32
      %add3A_228 = arith.addi %mul3A_226, %add3A_227 : i32
      %mul3A_229 = arith.constant 16 : i32
      %mul3A_230 = arith.muli %add3A_228, %mul3A_229 : i32
      %get3A_231 = arith.constant 1 : i32
      %get3A_232 = arith.index_cast %get3A_231 : i32 to index
      %get3A_233 = arith.index_cast %mul3A_230 : i32 to index
      %get3A_234 = tpu.vector_load %arg4[%get3A_232, %get3A_233] {strides = array<i32>} : memref<4x8192xf32, #tpu.memory_space<vmem>>, vector<1x16xf32>,
      %get3A_235 = vector.shape_cast %get3A_234 : vector<1x16xf32> to vector<16xf32>
      %eq3A_236 = arith.cmpf oeq, %get3A_235, %max3A_82 : vector<16xf32>
      %jit3A_237 = arith.constant 1.000000e+00 : f32
      %jit3A_238 = arith.constant 0.000000e+00 : f32
      %broadcast_in_dim3A_239 = vector.broadcast %jit3A_237 : f32 to vector<16xf32>
      %broadcast_in_dim3A_240 = vector.broadcast %jit3A_238 : f32 to vector<16xf32>
      %select_n3A_241 = arith.select %eq3A_236, %broadcast_in_dim3A_239, %broadcast_in_dim3A_240 : vector<16xi1>, vector<16xf32>
      %swap3A_242 = arith.constant 1 : i32
      %swap3A_243 = arith.index_cast %swap3A_242 : i32 to index
      %swap3A_244 = arith.index_cast %mul3A_230 : i32 to index
      %swap3A_245 = tpu.vector_load %arg5[%swap3A_243, %swap3A_244] {strides = array<i32>} : memref<4x8192xf32, #tpu.memory_space<vmem>>, vector<1x16xf32>,
      %swap3A_246 = vector.shape_cast %swap3A_245 : vector<1x16xf32> to vector<16xf32>
      %swap3A_247 = vector.shape_cast %select_n3A_241 : vector<16xf32> to vector<1x16xf32>
      tpu.vector_store %arg5[%swap3A_243, %swap3A_244], %swap3A_247 {strides = array<i32>} : memref<4x8192xf32, #tpu.memory_space<vmem>>, vector<1x16xf32>,
      %mul3A_248 = arith.constant 16 : i32
      %mul3A_249 = arith.muli %scan3A_183, %mul3A_248 : i32
      %add3A_250 = arith.constant 3 : i32
      %add3A_251 = arith.addi %mul3A_249, %add3A_250 : i32
      %mul3A_252 = arith.constant 16 : i32
      %mul3A_253 = arith.muli %add3A_251, %mul3A_252 : i32
      %get3A_254 = arith.constant 1 : i32
      %get3A_255 = arith.index_cast %get3A_254 : i32 to index
      %get3A_256 = arith.index_cast %mul3A_253 : i32 to index
      %get3A_257 = tpu.vector_load %arg4[%get3A_255, %get3A_256] {strides = array<i32>} : memref<4x8192xf32, #tpu.memory_space<vmem>>, vector<1x16xf32>,
      %get3A_258 = vector.shape_cast %get3A_257 : vector<1x16xf32> to vector<16xf32>
      %eq3A_259 = arith.cmpf oeq, %get3A_258, %max3A_82 : vector<16xf32>
      %jit3A_260 = arith.constant 1.000000e+00 : f32
      %jit3A_261 = arith.constant 0.000000e+00 : f32
      %broadcast_in_dim3A_262 = vector.broadcast %jit3A_260 : f32 to vector<16xf32>
      %broadcast_in_dim3A_263 = vector.broadcast %jit3A_261 : f32 to vector<16xf32>
      %select_n3A_264 = arith.select %eq3A_259, %broadcast_in_dim3A_262, %broadcast_in_dim3A_263 : vector<16xi1>, vector<16xf32>
      %swap3A_265 = arith.constant 1 : i32
      %swap3A_266 = arith.index_cast %swap3A_265 : i32 to index
      %swap3A_267 = arith.index_cast %mul3A_253 : i32 to index
      %swap3A_268 = tpu.vector_load %arg5[%swap3A_266, %swap3A_267] {strides = array<i32>} : memref<4x8192xf32, #tpu.memory_space<vmem>>, vector<1x16xf32>,
      %swap3A_269 = vector.shape_cast %swap3A_268 : vector<1x16xf32> to vector<16xf32>
      %swap3A_270 = vector.shape_cast %select_n3A_264 : vector<16xf32> to vector<1x16xf32>
      tpu.vector_store %arg5[%swap3A_266, %swap3A_267], %swap3A_270 {strides = array<i32>} : memref<4x8192xf32, #tpu.memory_space<vmem>>, vector<1x16xf32>,
      %mul3A_271 = arith.constant 16 : i32
      %mul3A_272 = arith.muli %scan3A_183, %mul3A_271 : i32
      %add3A_273 = arith.constant 4 : i32
      %add3A_274 = arith.addi %mul3A_272, %add3A_273 : i32
      %mul3A_275 = arith.constant 16 : i32
      %mul3A_276 = arith.muli %add3A_274, %mul3A_275 : i32
      %get3A_277 = arith.constant 1 : i32
      %get3A_278 = arith.index_cast %get3A_277 : i32 to index
      %get3A_279 = arith.index_cast %mul3A_276 : i32 to index
      %get3A_280 = tpu.vector_load %arg4[%get3A_278, %get3A_279] {strides = array<i32>} : memref<4x8192xf32, #tpu.memory_space<vmem>>, vector<1x16xf32>,
      %get3A_281 = vector.shape_cast %get3A_280 : vector<1x16xf32> to vector<16xf32>
      %eq3A_282 = arith.cmpf oeq, %get3A_281, %max3A_82 : vector<16xf32>
      %jit3A_283 = arith.constant 1.000000e+00 : f32
      %jit3A_284 = arith.constant 0.000000e+00 : f32
      %broadcast_in_dim3A_285 = vector.broadcast %jit3A_283 : f32 to vector<16xf32>
      %broadcast_in_dim3A_286 = vector.broadcast %jit3A_284 : f32 to vector<16xf32>
      %select_n3A_287 = arith.select %eq3A_282, %broadcast_in_dim3A_285, %broadcast_in_dim3A_286 : vector<16xi1>, vector<16xf32>
      %swap3A_288 = arith.constant 1 : i32
      %swap3A_289 = arith.index_cast %swap3A_288 : i32 to index
      %swap3A_290 = arith.index_cast %mul3A_276 : i32 to index
      %swap3A_291 = tpu.vector_load %arg5[%swap3A_289, %swap3A_290] {strides = array<i32>} : memref<4x8192xf32, #tpu.memory_space<vmem>>, vector<1x16xf32>,
      %swap3A_292 = vector.shape_cast %swap3A_291 : vector<1x16xf32> to vector<16xf32>
      %swap3A_293 = vector.shape_cast %select_n3A_287 : vector<16xf32> to vector<1x16xf32>
      tpu.vector_store %arg5[%swap3A_289, %swap3A_290], %swap3A_293 {strides = array<i32>} : memref<4x8192xf32, #tpu.memory_space<vmem>>, vector<1x16xf32>,
      %mul3A_294 = arith.constant 16 : i32
      %mul3A_295 = arith.muli %scan3A_183, %mul3A_294 : i32
      %add3A_296 = arith.constant 5 : i32
      %add3A_297 = arith.addi %mul3A_295, %add3A_296 : i32
      %mul3A_298 = arith.constant 16 : i32
      %mul3A_299 = arith.muli %add3A_297, %mul3A_298 : i32
      %get3A_300 = arith.constant 1 : i32
      %get3A_301 = arith.index_cast %get3A_300 : i32 to index
      %get3A_302 = arith.index_cast %mul3A_299 : i32 to index
      %get3A_303 = tpu.vector_load %arg4[%get3A_301, %get3A_302] {strides = array<i32>} : memref<4x8192xf32, #tpu.memory_space<vmem>>, vector<1x16xf32>,
      %get3A_304 = vector.shape_cast %get3A_303 : vector<1x16xf32> to vector<16xf32>
      %eq3A_305 = arith.cmpf oeq, %get3A_304, %max3A_82 : vector<16xf32>
      %jit3A_306 = arith.constant 1.000000e+00 : f32
      %jit3A_307 = arith.constant 0.000000e+00 : f32
      %broadcast_in_dim3A_308 = vector.broadcast %jit3A_306 : f32 to vector<16xf32>
      %broadcast_in_dim3A_309 = vector.broadcast %jit3A_307 : f32 to vector<16xf32>
      %select_n3A_310 = arith.select %eq3A_305, %broadcast_in_dim3A_308, %broadcast_in_dim3A_309 : vector<16xi1>, vector<16xf32>
      %swap3A_311 = arith.constant 1 : i32
      %swap3A_312 = arith.index_cast %swap3A_311 : i32 to index
      %swap3A_313 = arith.index_cast %mul3A_299 : i32 to index
      %swap3A_314 = tpu.vector_load %arg5[%swap3A_312, %swap3A_313] {strides = array<i32>} : memref<4x8192xf32, #tpu.memory_space<vmem>>, vector<1x16xf32>,
      %swap3A_315 = vector.shape_cast %swap3A_314 : vector<1x16xf32> to vector<16xf32>
      %swap3A_316 = vector.shape_cast %select_n3A_310 : vector<16xf32> to vector<1x16xf32>
      tpu.vector_store %arg5[%swap3A_312, %swap3A_313], %swap3A_316 {strides = array<i32>} : memref<4x8192xf32, #tpu.memory_space<vmem>>, vector<1x16xf32>,
      %mul3A_317 = arith.constant 16 : i32
      %mul3A_318 = arith.muli %scan3A_183, %mul3A_317 : i32
      %add3A_319 = arith.constant 6 : i32
      %add3A_320 = arith.addi %mul3A_318, %add3A_319 : i32
      %mul3A_321 = arith.constant 16 : i32
      %mul3A_322 = arith.muli %add3A_320, %mul3A_321 : i32
      %get3A_323 = arith.constant 1 : i32
      %get3A_324 = arith.index_cast %get3A_323 : i32 to index
      %get3A_325 = arith.index_cast %mul3A_322 : i32 to index
      %get3A_326 = tpu.vector_load %arg4[%get3A_324, %get3A_325] {strides = array<i32>} : memref<4x8192xf32, #tpu.memory_space<vmem>>, vector<1x16xf32>,
      %get3A_327 = vector.shape_cast %get3A_326 : vector<1x16xf32> to vector<16xf32>
      %eq3A_328 = arith.cmpf oeq, %get3A_327, %max3A_82 : vector<16xf32>
      %jit3A_329 = arith.constant 1.000000e+00 : f32
      %jit3A_330 = arith.constant 0.000000e+00 : f32
      %broadcast_in_dim3A_331 = vector.broadcast %jit3A_329 : f32 to vector<16xf32>
      %broadcast_in_dim3A_332 = vector.broadcast %jit3A_330 : f32 to vector<16xf32>
      %select_n3A_333 = arith.select %eq3A_328, %broadcast_in_dim3A_331, %broadcast_in_dim3A_332 : vector<16xi1>, vector<16xf32>
      %swap3A_334 = arith.constant 1 : i32
      %swap3A_335 = arith.index_cast %swap3A_334 : i32 to index
      %swap3A_336 = arith.index_cast %mul3A_322 : i32 to index
      %swap3A_337 = tpu.vector_load %arg5[%swap3A_335, %swap3A_336] {strides = array<i32>} : memref<4x8192xf32, #tpu.memory_space<vmem>>, vector<1x16xf32>,
      %swap3A_338 = vector.shape_cast %swap3A_337 : vector<1x16xf32> to vector<16xf32>
      %swap3A_339 = vector.shape_cast %select_n3A_333 : vector<16xf32> to vector<1x16xf32>
      tpu.vector_store %arg5[%swap3A_335, %swap3A_336], %swap3A_339 {strides = array<i32>} : memref<4x8192xf32, #tpu.memory_space<vmem>>, vector<1x16xf32>,
      %mul3A_340 = arith.constant 16 : i32
      %mul3A_341 = arith.muli %scan3A_183, %mul3A_340 : i32
      %add3A_342 = arith.constant 7 : i32
      %add3A_343 = arith.addi %mul3A_341, %add3A_342 : i32
      %mul3A_344 = arith.constant 16 : i32
      %mul3A_345 = arith.muli %add3A_343, %mul3A_344 : i32
      %get3A_346 = arith.constant 1 : i32
      %get3A_347 = arith.index_cast %get3A_346 : i32 to index
      %get3A_348 = arith.index_cast %mul3A_345 : i32 to index
      %get3A_349 = tpu.vector_load %arg4[%get3A_347, %get3A_348] {strides = array<i32>} : memref<4x8192xf32, #tpu.memory_space<vmem>>, vector<1x16xf32>,
      %get3A_350 = vector.shape_cast %get3A_349 : vector<1x16xf32> to vector<16xf32>
      %eq3A_351 = arith.cmpf oeq, %get3A_350, %max3A_82 : vector<16xf32>
      %jit3A_352 = arith.constant 1.000000e+00 : f32
      %jit3A_353 = arith.constant 0.000000e+00 : f32
      %broadcast_in_dim3A_354 = vector.broadcast %jit3A_352 : f32 to vector<16xf32>
      %broadcast_in_dim3A_355 = vector.broadcast %jit3A_353 : f32 to vector<16xf32>
      %select_n3A_356 = arith.select %eq3A_351, %broadcast_in_dim3A_354, %broadcast_in_dim3A_355 : vector<16xi1>, vector<16xf32>
      %swap3A_357 = arith.constant 1 : i32
      %swap3A_358 = arith.index_cast %swap3A_357 : i32 to index
      %swap3A_359 = arith.index_cast %mul3A_345 : i32 to index
      %swap3A_360 = tpu.vector_load %arg5[%swap3A_358, %swap3A_359] {strides = array<i32>} : memref<4x8192xf32, #tpu.memory_space<vmem>>, vector<1x16xf32>,
      %swap3A_361 = vector.shape_cast %swap3A_360 : vector<1x16xf32> to vector<16xf32>
      %swap3A_362 = vector.shape_cast %select_n3A_356 : vector<16xf32> to vector<1x16xf32>
      tpu.vector_store %arg5[%swap3A_358, %swap3A_359], %swap3A_362 {strides = array<i32>} : memref<4x8192xf32, #tpu.memory_space<vmem>>, vector<1x16xf32>,
      %mul3A_363 = arith.constant 16 : i32
      %mul3A_364 = arith.muli %scan3A_183, %mul3A_363 : i32
      %add3A_365 = arith.constant 8 : i32
      %add3A_366 = arith.addi %mul3A_364, %add3A_365 : i32
      %mul3A_367 = arith.constant 16 : i32
      %mul3A_368 = arith.muli %add3A_366, %mul3A_367 : i32
      %get3A_369 = arith.constant 1 : i32
      %get3A_370 = arith.index_cast %get3A_369 : i32 to index
      %get3A_371 = arith.index_cast %mul3A_368 : i32 to index
      %get3A_372 = tpu.vector_load %arg4[%get3A_370, %get3A_371] {strides = array<i32>} : memref<4x8192xf32, #tpu.memory_space<vmem>>, vector<1x16xf32>,
      %get3A_373 = vector.shape_cast %get3A_372 : vector<1x16xf32> to vector<16xf32>
      %eq3A_374 = arith.cmpf oeq, %get3A_373, %max3A_82 : vector<16xf32>
      %jit3A_375 = arith.constant 1.000000e+00 : f32
      %jit3A_376 = arith.constant 0.000000e+00 : f32
      %broadcast_in_dim3A_377 = vector.broadcast %jit3A_375 : f32 to vector<16xf32>
      %broadcast_in_dim3A_378 = vector.broadcast %jit3A_376 : f32 to vector<16xf32>
      %select_n3A_379 = arith.select %eq3A_374, %broadcast_in_dim3A_377, %broadcast_in_dim3A_378 : vector<16xi1>, vector<16xf32>
      %swap3A_380 = arith.constant 1 : i32
      %swap3A_381 = arith.index_cast %swap3A_380 : i32 to index
      %swap3A_382 = arith.index_cast %mul3A_368 : i32 to index
      %swap3A_383 = tpu.vector_load %arg5[%swap3A_381, %swap3A_382] {strides = array<i32>} : memref<4x8192xf32, #tpu.memory_space<vmem>>, vector<1x16xf32>,
      %swap3A_384 = vector.shape_cast %swap3A_383 : vector<1x16xf32> to vector<16xf32>
      %swap3A_385 = vector.shape_cast %select_n3A_379 : vector<16xf32> to vector<1x16xf32>
      tpu.vector_store %arg5[%swap3A_381, %swap3A_382], %swap3A_385 {strides = array<i32>} : memref<4x8192xf32, #tpu.memory_space<vmem>>, vector<1x16xf32>,
      %mul3A_386 = arith.constant 16 : i32
      %mul3A_387 = arith.muli %scan3A_183, %mul3A_386 : i32
      %add3A_388 = arith.constant 9 : i32
      %add3A_389 = arith.addi %mul3A_387, %add3A_388 : i32
      %mul3A_390 = arith.constant 16 : i32
      %mul3A_391 = arith.muli %add3A_389, %mul3A_390 : i32
      %get3A_392 = arith.constant 1 : i32
      %get3A_393 = arith.index_cast %get3A_392 : i32 to index
      %get3A_394 = arith.index_cast %mul3A_391 : i32 to index
      %get3A_395 = tpu.vector_load %arg4[%get3A_393, %get3A_394] {strides = array<i32>} : memref<4x8192xf32, #tpu.memory_space<vmem>>, vector<1x16xf32>,
      %get3A_396 = vector.shape_cast %get3A_395 : vector<1x16xf32> to vector<16xf32>
      %eq3A_397 = arith.cmpf oeq, %get3A_396, %max3A_82 : vector<16xf32>
      %jit3A_398 = arith.constant 1.000000e+00 : f32
      %jit3A_399 = arith.constant 0.000000e+00 : f32
      %broadcast_in_dim3A_400 = vector.broadcast %jit3A_398 : f32 to vector<16xf32>
      %broadcast_in_dim3A_401 = vector.broadcast %jit3A_399 : f32 to vector<16xf32>
      %select_n3A_402 = arith.select %eq3A_397, %broadcast_in_dim3A_400, %broadcast_in_dim3A_401 : vector<16xi1>, vector<16xf32>
      %swap3A_403 = arith.constant 1 : i32
      %swap3A_404 = arith.index_cast %swap3A_403 : i32 to index
      %swap3A_405 = arith.index_cast %mul3A_391 : i32 to index
      %swap3A_406 = tpu.vector_load %arg5[%swap3A_404, %swap3A_405] {strides = array<i32>} : memref<4x8192xf32, #tpu.memory_space<vmem>>, vector<1x16xf32>,
      %swap3A_407 = vector.shape_cast %swap3A_406 : vector<1x16xf32> to vector<16xf32>
      %swap3A_408 = vector.shape_cast %select_n3A_402 : vector<16xf32> to vector<1x16xf32>
      tpu.vector_store %arg5[%swap3A_404, %swap3A_405], %swap3A_408 {strides = array<i32>} : memref<4x8192xf32, #tpu.memory_space<vmem>>, vector<1x16xf32>,
      %mul3A_409 = arith.constant 16 : i32
      %mul3A_410 = arith.muli %scan3A_183, %mul3A_409 : i32
      %add3A_411 = arith.constant 10 : i32
      %add3A_412 = arith.addi %mul3A_410, %add3A_411 : i32
      %mul3A_413 = arith.constant 16 : i32
      %mul3A_414 = arith.muli %add3A_412, %mul3A_413 : i32
      %get3A_415 = arith.constant 1 : i32
      %get3A_416 = arith.index_cast %get3A_415 : i32 to index
      %get3A_417 = arith.index_cast %mul3A_414 : i32 to index
      %get3A_418 = tpu.vector_load %arg4[%get3A_416, %get3A_417] {strides = array<i32>} : memref<4x8192xf32, #tpu.memory_space<vmem>>, vector<1x16xf32>,
      %get3A_419 = vector.shape_cast %get3A_418 : vector<1x16xf32> to vector<16xf32>
      %eq3A_420 = arith.cmpf oeq, %get3A_419, %max3A_82 : vector<16xf32>
      %jit3A_421 = arith.constant 1.000000e+00 : f32
      %jit3A_422 = arith.constant 0.000000e+00 : f32
      %broadcast_in_dim3A_423 = vector.broadcast %jit3A_421 : f32 to vector<16xf32>
      %broadcast_in_dim3A_424 = vector.broadcast %jit3A_422 : f32 to vector<16xf32>
      %select_n3A_425 = arith.select %eq3A_420, %broadcast_in_dim3A_423, %broadcast_in_dim3A_424 : vector<16xi1>, vector<16xf32>
      %swap3A_426 = arith.constant 1 : i32
      %swap3A_427 = arith.index_cast %swap3A_426 : i32 to index
      %swap3A_428 = arith.index_cast %mul3A_414 : i32 to index
      %swap3A_429 = tpu.vector_load %arg5[%swap3A_427, %swap3A_428] {strides = array<i32>} : memref<4x8192xf32, #tpu.memory_space<vmem>>, vector<1x16xf32>,
      %swap3A_430 = vector.shape_cast %swap3A_429 : vector<1x16xf32> to vector<16xf32>
      %swap3A_431 = vector.shape_cast %select_n3A_425 : vector<16xf32> to vector<1x16xf32>
      tpu.vector_store %arg5[%swap3A_427, %swap3A_428], %swap3A_431 {strides = array<i32>} : memref<4x8192xf32, #tpu.memory_space<vmem>>, vector<1x16xf32>,
      %mul3A_432 = arith.constant 16 : i32
      %mul3A_433 = arith.muli %scan3A_183, %mul3A_432 : i32
      %add3A_434 = arith.constant 11 : i32
      %add3A_435 = arith.addi %mul3A_433, %add3A_434 : i32
      %mul3A_436 = arith.constant 16 : i32
      %mul3A_437 = arith.muli %add3A_435, %mul3A_436 : i32
      %get3A_438 = arith.constant 1 : i32
      %get3A_439 = arith.index_cast %get3A_438 : i32 to index
      %get3A_440 = arith.index_cast %mul3A_437 : i32 to index
      %get3A_441 = tpu.vector_load %arg4[%get3A_439, %get3A_440] {strides = array<i32>} : memref<4x8192xf32, #tpu.memory_space<vmem>>, vector<1x16xf32>,
      %get3A_442 = vector.shape_cast %get3A_441 : vector<1x16xf32> to vector<16xf32>
      %eq3A_443 = arith.cmpf oeq, %get3A_442, %max3A_82 : vector<16xf32>
      %jit3A_444 = arith.constant 1.000000e+00 : f32
      %jit3A_445 = arith.constant 0.000000e+00 : f32
      %broadcast_in_dim3A_446 = vector.broadcast %jit3A_444 : f32 to vector<16xf32>
      %broadcast_in_dim3A_447 = vector.broadcast %jit3A_445 : f32 to vector<16xf32>
      %select_n3A_448 = arith.select %eq3A_443, %broadcast_in_dim3A_446, %broadcast_in_dim3A_447 : vector<16xi1>, vector<16xf32>
      %swap3A_449 = arith.constant 1 : i32
      %swap3A_450 = arith.index_cast %swap3A_449 : i32 to index
      %swap3A_451 = arith.index_cast %mul3A_437 : i32 to index
      %swap3A_452 = tpu.vector_load %arg5[%swap3A_450, %swap3A_451] {strides = array<i32>} : memref<4x8192xf32, #tpu.memory_space<vmem>>, vector<1x16xf32>,
      %swap3A_453 = vector.shape_cast %swap3A_452 : vector<1x16xf32> to vector<16xf32>
      %swap3A_454 = vector.shape_cast %select_n3A_448 : vector<16xf32> to vector<1x16xf32>
      tpu.vector_store %arg5[%swap3A_450, %swap3A_451], %swap3A_454 {strides = array<i32>} : memref<4x8192xf32, #tpu.memory_space<vmem>>, vector<1x16xf32>,
      %mul3A_455 = arith.constant 16 : i32
      %mul3A_456 = arith.muli %scan3A_183, %mul3A_455 : i32
      %add3A_457 = arith.constant 12 : i32
      %add3A_458 = arith.addi %mul3A_456, %add3A_457 : i32
      %mul3A_459 = arith.constant 16 : i32
      %mul3A_460 = arith.muli %add3A_458, %mul3A_459 : i32
      %get3A_461 = arith.constant 1 : i32
      %get3A_462 = arith.index_cast %get3A_461 : i32 to index
      %get3A_463 = arith.index_cast %mul3A_460 : i32 to index
      %get3A_464 = tpu.vector_load %arg4[%get3A_462, %get3A_463] {strides = array<i32>} : memref<4x8192xf32, #tpu.memory_space<vmem>>, vector<1x16xf32>,
      %get3A_465 = vector.shape_cast %get3A_464 : vector<1x16xf32> to vector<16xf32>
      %eq3A_466 = arith.cmpf oeq, %get3A_465, %max3A_82 : vector<16xf32>
      %jit3A_467 = arith.constant 1.000000e+00 : f32
      %jit3A_468 = arith.constant 0.000000e+00 : f32
      %broadcast_in_dim3A_469 = vector.broadcast %jit3A_467 : f32 to vector<16xf32>
      %broadcast_in_dim3A_470 = vector.broadcast %jit3A_468 : f32 to vector<16xf32>
      %select_n3A_471 = arith.select %eq3A_466, %broadcast_in_dim3A_469, %broadcast_in_dim3A_470 : vector<16xi1>, vector<16xf32>
      %swap3A_472 = arith.constant 1 : i32
      %swap3A_473 = arith.index_cast %swap3A_472 : i32 to index
      %swap3A_474 = arith.index_cast %mul3A_460 : i32 to index
      %swap3A_475 = tpu.vector_load %arg5[%swap3A_473, %swap3A_474] {strides = array<i32>} : memref<4x8192xf32, #tpu.memory_space<vmem>>, vector<1x16xf32>,
      %swap3A_476 = vector.shape_cast %swap3A_475 : vector<1x16xf32> to vector<16xf32>
      %swap3A_477 = vector.shape_cast %select_n3A_471 : vector<16xf32> to vector<1x16xf32>
      tpu.vector_store %arg5[%swap3A_473, %swap3A_474], %swap3A_477 {strides = array<i32>} : memref<4x8192xf32, #tpu.memory_space<vmem>>, vector<1x16xf32>,
      %mul3A_478 = arith.constant 16 : i32
      %mul3A_479 = arith.muli %scan3A_183, %mul3A_478 : i32
      %add3A_480 = arith.constant 13 : i32
      %add3A_481 = arith.addi %mul3A_479, %add3A_480 : i32
      %mul3A_482 = arith.constant 16 : i32
      %mul3A_483 = arith.muli %add3A_481, %mul3A_482 : i32
      %get3A_484 = arith.constant 1 : i32
      %get3A_485 = arith.index_cast %get3A_484 : i32 to index
      %get3A_486 = arith.index_cast %mul3A_483 : i32 to index
      %get3A_487 = tpu.vector_load %arg4[%get3A_485, %get3A_486] {strides = array<i32>} : memref<4x8192xf32, #tpu.memory_space<vmem>>, vector<1x16xf32>,
      %get3A_488 = vector.shape_cast %get3A_487 : vector<1x16xf32> to vector<16xf32>
      %eq3A_489 = arith.cmpf oeq, %get3A_488, %max3A_82 : vector<16xf32>
      %jit3A_490 = arith.constant 1.000000e+00 : f32
      %jit3A_491 = arith.constant 0.000000e+00 : f32
      %broadcast_in_dim3A_492 = vector.broadcast %jit3A_490 : f32 to vector<16xf32>
      %broadcast_in_dim3A_493 = vector.broadcast %jit3A_491 : f32 to vector<16xf32>
      %select_n3A_494 = arith.select %eq3A_489, %broadcast_in_dim3A_492, %broadcast_in_dim3A_493 : vector<16xi1>, vector<16xf32>
      %swap3A_495 = arith.constant 1 : i32
      %swap3A_496 = arith.index_cast %swap3A_495 : i32 to index
      %swap3A_497 = arith.index_cast %mul3A_483 : i32 to index
      %swap3A_498 = tpu.vector_load %arg5[%swap3A_496, %swap3A_497] {strides = array<i32>} : memref<4x8192xf32, #tpu.memory_space<vmem>>, vector<1x16xf32>,
      %swap3A_499 = vector.shape_cast %swap3A_498 : vector<1x16xf32> to vector<16xf32>
      %swap3A_500 = vector.shape_cast %select_n3A_494 : vector<16xf32> to vector<1x16xf32>
      tpu.vector_store %arg5[%swap3A_496, %swap3A_497], %swap3A_500 {strides = array<i32>} : memref<4x8192xf32, #tpu.memory_space<vmem>>, vector<1x16xf32>,
      %mul3A_501 = arith.constant 16 : i32
      %mul3A_502 = arith.muli %scan3A_183, %mul3A_501 : i32
      %add3A_503 = arith.constant 14 : i32
      %add3A_504 = arith.addi %mul3A_502, %add3A_503 : i32
      %mul3A_505 = arith.constant 16 : i32
      %mul3A_506 = arith.muli %add3A_504, %mul3A_505 : i32
      %get3A_507 = arith.constant 1 : i32
      %get3A_508 = arith.index_cast %get3A_507 : i32 to index
      %get3A_509 = arith.index_cast %mul3A_506 : i32 to index
      %get3A_510 = tpu.vector_load %arg4[%get3A_508, %get3A_509] {strides = array<i32>} : memref<4x8192xf32, #tpu.memory_space<vmem>>, vector<1x16xf32>,
      %get3A_511 = vector.shape_cast %get3A_510 : vector<1x16xf32> to vector<16xf32>
      %eq3A_512 = arith.cmpf oeq, %get3A_511, %max3A_82 : vector<16xf32>
      %jit3A_513 = arith.constant 1.000000e+00 : f32
      %jit3A_514 = arith.constant 0.000000e+00 : f32
      %broadcast_in_dim3A_515 = vector.broadcast %jit3A_513 : f32 to vector<16xf32>
      %broadcast_in_dim3A_516 = vector.broadcast %jit3A_514 : f32 to vector<16xf32>
      %select_n3A_517 = arith.select %eq3A_512, %broadcast_in_dim3A_515, %broadcast_in_dim3A_516 : vector<16xi1>, vector<16xf32>
      %swap3A_518 = arith.constant 1 : i32
      %swap3A_519 = arith.index_cast %swap3A_518 : i32 to index
      %swap3A_520 = arith.index_cast %mul3A_506 : i32 to index
      %swap3A_521 = tpu.vector_load %arg5[%swap3A_519, %swap3A_520] {strides = array<i32>} : memref<4x8192xf32, #tpu.memory_space<vmem>>, vector<1x16xf32>,
      %swap3A_522 = vector.shape_cast %swap3A_521 : vector<1x16xf32> to vector<16xf32>
      %swap3A_523 = vector.shape_cast %select_n3A_517 : vector<16xf32> to vector<1x16xf32>
      tpu.vector_store %arg5[%swap3A_519, %swap3A_520], %swap3A_523 {strides = array<i32>} : memref<4x8192xf32, #tpu.memory_space<vmem>>, vector<1x16xf32>,
      %mul3A_524 = arith.constant 16 : i32
      %mul3A_525 = arith.muli %scan3A_183, %mul3A_524 : i32
      %add3A_526 = arith.constant 15 : i32
      %add3A_527 = arith.addi %mul3A_525, %add3A_526 : i32
      %mul3A_528 = arith.constant 16 : i32
      %mul3A_529 = arith.muli %add3A_527, %mul3A_528 : i32
      %get3A_530 = arith.constant 1 : i32
      %get3A_531 = arith.index_cast %get3A_530 : i32 to index
      %get3A_532 = arith.index_cast %mul3A_529 : i32 to index
      %get3A_533 = tpu.vector_load %arg4[%get3A_531, %get3A_532] {strides = array<i32>} : memref<4x8192xf32, #tpu.memory_space<vmem>>, vector<1x16xf32>,
      %get3A_534 = vector.shape_cast %get3A_533 : vector<1x16xf32> to vector<16xf32>
      %eq3A_535 = arith.cmpf oeq, %get3A_534, %max3A_82 : vector<16xf32>
      %jit3A_536 = arith.constant 1.000000e+00 : f32
      %jit3A_537 = arith.constant 0.000000e+00 : f32
      %broadcast_in_dim3A_538 = vector.broadcast %jit3A_536 : f32 to vector<16xf32>
      %broadcast_in_dim3A_539 = vector.broadcast %jit3A_537 : f32 to vector<16xf32>
      %select_n3A_540 = arith.select %eq3A_535, %broadcast_in_dim3A_538, %broadcast_in_dim3A_539 : vector<16xi1>, vector<16xf32>
      %swap3A_541 = arith.constant 1 : i32
      %swap3A_542 = arith.index_cast %swap3A_541 : i32 to index
      %swap3A_543 = arith.index_cast %mul3A_529 : i32 to index
      %swap3A_544 = tpu.vector_load %arg5[%swap3A_542, %swap3A_543] {strides = array<i32>} : memref<4x8192xf32, #tpu.memory_space<vmem>>, vector<1x16xf32>,
      %swap3A_545 = vector.shape_cast %swap3A_544 : vector<1x16xf32> to vector<16xf32>
      %swap3A_546 = vector.shape_cast %select_n3A_540 : vector<16xf32> to vector<1x16xf32>
      tpu.vector_store %arg5[%swap3A_542, %swap3A_543], %swap3A_546 {strides = array<i32>} : memref<4x8192xf32, #tpu.memory_space<vmem>>, vector<1x16xf32>,
    }
    %scan3A_88 = arith.constant 32 : i32
    %broadcast_in_dim3A_89 = arith.constant 0xFF800000 : f32
    %broadcast_in_dim3A_90 = vector.broadcast %broadcast_in_dim3A_89 : f32 to vector<16xf32>
    %scan3A_91 = arith.constant 0 : i32
    %scan3A_92 = arith.constant 32 : i32
    %scan3A_93 = arith.addi %scan3A_91, %scan3A_92 : i32
    %scan3A_94 = arith.constant 1 : i32
    %scan3A_95 = scf.for %scan3A_183 = %scan3A_91 to %scan3A_93 step %scan3A_94 iter_args(%scan3A_184 = %broadcast_in_dim3A_90) -> (vector<16xf32>)  : i32 {
      %mul3A_185 = arith.constant 16 : i32
      %mul3A_186 = arith.muli %scan3A_183, %mul3A_185 : i32
      %add3A_187 = arith.constant 0 : i32
      %add3A_188 = arith.addi %mul3A_186, %add3A_187 : i32
      %mul3A_189 = arith.constant 16 : i32
      %mul3A_190 = arith.muli %add3A_188, %mul3A_189 : i32
      %get3A = arith.constant 2 : i32
      %get3A_191 = arith.index_cast %get3A : i32 to index
      %get3A_192 = arith.index_cast %mul3A_190 : i32 to index
      %get3A_193 = tpu.vector_load %arg4[%get3A_191, %get3A_192] {strides = array<i32>} : memref<4x8192xf32, #tpu.memory_space<vmem>>, vector<1x16xf32>,
      %get3A_194 = vector.shape_cast %get3A_193 : vector<1x16xf32> to vector<16xf32>
      %mul3A_195 = arith.constant 16 : i32
      %mul3A_196 = arith.muli %scan3A_183, %mul3A_195 : i32
      %add3A_197 = arith.constant 1 : i32
      %add3A_198 = arith.addi %mul3A_196, %add3A_197 : i32
      %mul3A_199 = arith.constant 16 : i32
      %mul3A_200 = arith.muli %add3A_198, %mul3A_199 : i32
      %get3A_201 = arith.constant 2 : i32
      %get3A_202 = arith.index_cast %get3A_201 : i32 to index
      %get3A_203 = arith.index_cast %mul3A_200 : i32 to index
      %get3A_204 = tpu.vector_load %arg4[%get3A_202, %get3A_203] {strides = array<i32>} : memref<4x8192xf32, #tpu.memory_space<vmem>>, vector<1x16xf32>,
      %get3A_205 = vector.shape_cast %get3A_204 : vector<1x16xf32> to vector<16xf32>
      %mul3A_206 = arith.constant 16 : i32
      %mul3A_207 = arith.muli %scan3A_183, %mul3A_206 : i32
      %add3A_208 = arith.constant 2 : i32
      %add3A_209 = arith.addi %mul3A_207, %add3A_208 : i32
      %mul3A_210 = arith.constant 16 : i32
      %mul3A_211 = arith.muli %add3A_209, %mul3A_210 : i32
      %get3A_212 = arith.constant 2 : i32
      %get3A_213 = arith.index_cast %get3A_212 : i32 to index
      %get3A_214 = arith.index_cast %mul3A_211 : i32 to index
      %get3A_215 = tpu.vector_load %arg4[%get3A_213, %get3A_214] {strides = array<i32>} : memref<4x8192xf32, #tpu.memory_space<vmem>>, vector<1x16xf32>,
      %get3A_216 = vector.shape_cast %get3A_215 : vector<1x16xf32> to vector<16xf32>
      %mul3A_217 = arith.constant 16 : i32
      %mul3A_218 = arith.muli %scan3A_183, %mul3A_217 : i32
      %add3A_219 = arith.constant 3 : i32
      %add3A_220 = arith.addi %mul3A_218, %add3A_219 : i32
      %mul3A_221 = arith.constant 16 : i32
      %mul3A_222 = arith.muli %add3A_220, %mul3A_221 : i32
      %get3A_223 = arith.constant 2 : i32
      %get3A_224 = arith.index_cast %get3A_223 : i32 to index
      %get3A_225 = arith.index_cast %mul3A_222 : i32 to index
      %get3A_226 = tpu.vector_load %arg4[%get3A_224, %get3A_225] {strides = array<i32>} : memref<4x8192xf32, #tpu.memory_space<vmem>>, vector<1x16xf32>,
      %get3A_227 = vector.shape_cast %get3A_226 : vector<1x16xf32> to vector<16xf32>
      %mul3A_228 = arith.constant 16 : i32
      %mul3A_229 = arith.muli %scan3A_183, %mul3A_228 : i32
      %add3A_230 = arith.constant 4 : i32
      %add3A_231 = arith.addi %mul3A_229, %add3A_230 : i32
      %mul3A_232 = arith.constant 16 : i32
      %mul3A_233 = arith.muli %add3A_231, %mul3A_232 : i32
      %get3A_234 = arith.constant 2 : i32
      %get3A_235 = arith.index_cast %get3A_234 : i32 to index
      %get3A_236 = arith.index_cast %mul3A_233 : i32 to index
      %get3A_237 = tpu.vector_load %arg4[%get3A_235, %get3A_236] {strides = array<i32>} : memref<4x8192xf32, #tpu.memory_space<vmem>>, vector<1x16xf32>,
      %get3A_238 = vector.shape_cast %get3A_237 : vector<1x16xf32> to vector<16xf32>
      %mul3A_239 = arith.constant 16 : i32
      %mul3A_240 = arith.muli %scan3A_183, %mul3A_239 : i32
      %add3A_241 = arith.constant 5 : i32
      %add3A_242 = arith.addi %mul3A_240, %add3A_241 : i32
      %mul3A_243 = arith.constant 16 : i32
      %mul3A_244 = arith.muli %add3A_242, %mul3A_243 : i32
      %get3A_245 = arith.constant 2 : i32
      %get3A_246 = arith.index_cast %get3A_245 : i32 to index
      %get3A_247 = arith.index_cast %mul3A_244 : i32 to index
      %get3A_248 = tpu.vector_load %arg4[%get3A_246, %get3A_247] {strides = array<i32>} : memref<4x8192xf32, #tpu.memory_space<vmem>>, vector<1x16xf32>,
      %get3A_249 = vector.shape_cast %get3A_248 : vector<1x16xf32> to vector<16xf32>
      %mul3A_250 = arith.constant 16 : i32
      %mul3A_251 = arith.muli %scan3A_183, %mul3A_250 : i32
      %add3A_252 = arith.constant 6 : i32
      %add3A_253 = arith.addi %mul3A_251, %add3A_252 : i32
      %mul3A_254 = arith.constant 16 : i32
      %mul3A_255 = arith.muli %add3A_253, %mul3A_254 : i32
      %get3A_256 = arith.constant 2 : i32
      %get3A_257 = arith.index_cast %get3A_256 : i32 to index
      %get3A_258 = arith.index_cast %mul3A_255 : i32 to index
      %get3A_259 = tpu.vector_load %arg4[%get3A_257, %get3A_258] {strides = array<i32>} : memref<4x8192xf32, #tpu.memory_space<vmem>>, vector<1x16xf32>,
      %get3A_260 = vector.shape_cast %get3A_259 : vector<1x16xf32> to vector<16xf32>
      %mul3A_261 = arith.constant 16 : i32
      %mul3A_262 = arith.muli %scan3A_183, %mul3A_261 : i32
      %add3A_263 = arith.constant 7 : i32
      %add3A_264 = arith.addi %mul3A_262, %add3A_263 : i32
      %mul3A_265 = arith.constant 16 : i32
      %mul3A_266 = arith.muli %add3A_264, %mul3A_265 : i32
      %get3A_267 = arith.constant 2 : i32
      %get3A_268 = arith.index_cast %get3A_267 : i32 to index
      %get3A_269 = arith.index_cast %mul3A_266 : i32 to index
      %get3A_270 = tpu.vector_load %arg4[%get3A_268, %get3A_269] {strides = array<i32>} : memref<4x8192xf32, #tpu.memory_space<vmem>>, vector<1x16xf32>,
      %get3A_271 = vector.shape_cast %get3A_270 : vector<1x16xf32> to vector<16xf32>
      %mul3A_272 = arith.constant 16 : i32
      %mul3A_273 = arith.muli %scan3A_183, %mul3A_272 : i32
      %add3A_274 = arith.constant 8 : i32
      %add3A_275 = arith.addi %mul3A_273, %add3A_274 : i32
      %mul3A_276 = arith.constant 16 : i32
      %mul3A_277 = arith.muli %add3A_275, %mul3A_276 : i32
      %get3A_278 = arith.constant 2 : i32
      %get3A_279 = arith.index_cast %get3A_278 : i32 to index
      %get3A_280 = arith.index_cast %mul3A_277 : i32 to index
      %get3A_281 = tpu.vector_load %arg4[%get3A_279, %get3A_280] {strides = array<i32>} : memref<4x8192xf32, #tpu.memory_space<vmem>>, vector<1x16xf32>,
      %get3A_282 = vector.shape_cast %get3A_281 : vector<1x16xf32> to vector<16xf32>
      %mul3A_283 = arith.constant 16 : i32
      %mul3A_284 = arith.muli %scan3A_183, %mul3A_283 : i32
      %add3A_285 = arith.constant 9 : i32
      %add3A_286 = arith.addi %mul3A_284, %add3A_285 : i32
      %mul3A_287 = arith.constant 16 : i32
      %mul3A_288 = arith.muli %add3A_286, %mul3A_287 : i32
      %get3A_289 = arith.constant 2 : i32
      %get3A_290 = arith.index_cast %get3A_289 : i32 to index
      %get3A_291 = arith.index_cast %mul3A_288 : i32 to index
      %get3A_292 = tpu.vector_load %arg4[%get3A_290, %get3A_291] {strides = array<i32>} : memref<4x8192xf32, #tpu.memory_space<vmem>>, vector<1x16xf32>,
      %get3A_293 = vector.shape_cast %get3A_292 : vector<1x16xf32> to vector<16xf32>
      %mul3A_294 = arith.constant 16 : i32
      %mul3A_295 = arith.muli %scan3A_183, %mul3A_294 : i32
      %add3A_296 = arith.constant 10 : i32
      %add3A_297 = arith.addi %mul3A_295, %add3A_296 : i32
      %mul3A_298 = arith.constant 16 : i32
      %mul3A_299 = arith.muli %add3A_297, %mul3A_298 : i32
      %get3A_300 = arith.constant 2 : i32
      %get3A_301 = arith.index_cast %get3A_300 : i32 to index
      %get3A_302 = arith.index_cast %mul3A_299 : i32 to index
      %get3A_303 = tpu.vector_load %arg4[%get3A_301, %get3A_302] {strides = array<i32>} : memref<4x8192xf32, #tpu.memory_space<vmem>>, vector<1x16xf32>,
      %get3A_304 = vector.shape_cast %get3A_303 : vector<1x16xf32> to vector<16xf32>
      %mul3A_305 = arith.constant 16 : i32
      %mul3A_306 = arith.muli %scan3A_183, %mul3A_305 : i32
      %add3A_307 = arith.constant 11 : i32
      %add3A_308 = arith.addi %mul3A_306, %add3A_307 : i32
      %mul3A_309 = arith.constant 16 : i32
      %mul3A_310 = arith.muli %add3A_308, %mul3A_309 : i32
      %get3A_311 = arith.constant 2 : i32
      %get3A_312 = arith.index_cast %get3A_311 : i32 to index
      %get3A_313 = arith.index_cast %mul3A_310 : i32 to index
      %get3A_314 = tpu.vector_load %arg4[%get3A_312, %get3A_313] {strides = array<i32>} : memref<4x8192xf32, #tpu.memory_space<vmem>>, vector<1x16xf32>,
      %get3A_315 = vector.shape_cast %get3A_314 : vector<1x16xf32> to vector<16xf32>
      %mul3A_316 = arith.constant 16 : i32
      %mul3A_317 = arith.muli %scan3A_183, %mul3A_316 : i32
      %add3A_318 = arith.constant 12 : i32
      %add3A_319 = arith.addi %mul3A_317, %add3A_318 : i32
      %mul3A_320 = arith.constant 16 : i32
      %mul3A_321 = arith.muli %add3A_319, %mul3A_320 : i32
      %get3A_322 = arith.constant 2 : i32
      %get3A_323 = arith.index_cast %get3A_322 : i32 to index
      %get3A_324 = arith.index_cast %mul3A_321 : i32 to index
      %get3A_325 = tpu.vector_load %arg4[%get3A_323, %get3A_324] {strides = array<i32>} : memref<4x8192xf32, #tpu.memory_space<vmem>>, vector<1x16xf32>,
      %get3A_326 = vector.shape_cast %get3A_325 : vector<1x16xf32> to vector<16xf32>
      %mul3A_327 = arith.constant 16 : i32
      %mul3A_328 = arith.muli %scan3A_183, %mul3A_327 : i32
      %add3A_329 = arith.constant 13 : i32
      %add3A_330 = arith.addi %mul3A_328, %add3A_329 : i32
      %mul3A_331 = arith.constant 16 : i32
      %mul3A_332 = arith.muli %add3A_330, %mul3A_331 : i32
      %get3A_333 = arith.constant 2 : i32
      %get3A_334 = arith.index_cast %get3A_333 : i32 to index
      %get3A_335 = arith.index_cast %mul3A_332 : i32 to index
      %get3A_336 = tpu.vector_load %arg4[%get3A_334, %get3A_335] {strides = array<i32>} : memref<4x8192xf32, #tpu.memory_space<vmem>>, vector<1x16xf32>,
      %get3A_337 = vector.shape_cast %get3A_336 : vector<1x16xf32> to vector<16xf32>
      %mul3A_338 = arith.constant 16 : i32
      %mul3A_339 = arith.muli %scan3A_183, %mul3A_338 : i32
      %add3A_340 = arith.constant 14 : i32
      %add3A_341 = arith.addi %mul3A_339, %add3A_340 : i32
      %mul3A_342 = arith.constant 16 : i32
      %mul3A_343 = arith.muli %add3A_341, %mul3A_342 : i32
      %get3A_344 = arith.constant 2 : i32
      %get3A_345 = arith.index_cast %get3A_344 : i32 to index
      %get3A_346 = arith.index_cast %mul3A_343 : i32 to index
      %get3A_347 = tpu.vector_load %arg4[%get3A_345, %get3A_346] {strides = array<i32>} : memref<4x8192xf32, #tpu.memory_space<vmem>>, vector<1x16xf32>,
      %get3A_348 = vector.shape_cast %get3A_347 : vector<1x16xf32> to vector<16xf32>
      %mul3A_349 = arith.constant 16 : i32
      %mul3A_350 = arith.muli %scan3A_183, %mul3A_349 : i32
      %add3A_351 = arith.constant 15 : i32
      %add3A_352 = arith.addi %mul3A_350, %add3A_351 : i32
      %mul3A_353 = arith.constant 16 : i32
      %mul3A_354 = arith.muli %add3A_352, %mul3A_353 : i32
      %get3A_355 = arith.constant 2 : i32
      %get3A_356 = arith.index_cast %get3A_355 : i32 to index
      %get3A_357 = arith.index_cast %mul3A_354 : i32 to index
      %get3A_358 = tpu.vector_load %arg4[%get3A_356, %get3A_357] {strides = array<i32>} : memref<4x8192xf32, #tpu.memory_space<vmem>>, vector<1x16xf32>,
      %get3A_359 = vector.shape_cast %get3A_358 : vector<1x16xf32> to vector<16xf32>
      %max3A_360 = arith.maximumf %scan3A_184, %get3A_194 : vector<16xf32>
      %max3A_361 = arith.maximumf %max3A_360, %get3A_205 : vector<16xf32>
      %max3A_362 = arith.maximumf %max3A_361, %get3A_216 : vector<16xf32>
      %max3A_363 = arith.maximumf %max3A_362, %get3A_227 : vector<16xf32>
      %max3A_364 = arith.maximumf %max3A_363, %get3A_238 : vector<16xf32>
      %max3A_365 = arith.maximumf %max3A_364, %get3A_249 : vector<16xf32>
      %max3A_366 = arith.maximumf %max3A_365, %get3A_260 : vector<16xf32>
      %max3A_367 = arith.maximumf %max3A_366, %get3A_271 : vector<16xf32>
      %max3A_368 = arith.maximumf %max3A_367, %get3A_282 : vector<16xf32>
      %max3A_369 = arith.maximumf %max3A_368, %get3A_293 : vector<16xf32>
      %max3A_370 = arith.maximumf %max3A_369, %get3A_304 : vector<16xf32>
      %max3A_371 = arith.maximumf %max3A_370, %get3A_315 : vector<16xf32>
      %max3A_372 = arith.maximumf %max3A_371, %get3A_326 : vector<16xf32>
      %max3A_373 = arith.maximumf %max3A_372, %get3A_337 : vector<16xf32>
      %max3A_374 = arith.maximumf %max3A_373, %get3A_348 : vector<16xf32>
      %max3A_375 = arith.maximumf %max3A_374, %get3A_359 : vector<16xf32>
      scf.yield %max3A_375 : vector<16xf32>
    }
    %scan3A_96 = arith.constant 32 : i32
    %iota3A_97 = tpu.iota {dimensions = array<i32: 0>} : vector<16xi32>
    %xor3A_98 = arith.constant 8 : i32
    %xor3A_99 = vector.broadcast %xor3A_98 : i32 to vector<16xi32>
    %xor3A_100 = arith.xori %iota3A_97, %xor3A_99 : vector<16xi32>
    %broadcast_in_dim3A_101 = vector.shape_cast %xor3A_100 : vector<16xi32> to vector<16x1xi32>
    %gather3A_102 = vector.shape_cast %broadcast_in_dim3A_101 : vector<16x1xi32> to vector<16xi32>
    %gather3A_103 = tpu.dynamic_gather %scan3A_95[%gather3A_102] in [0] : vector<16xf32>, vector<16xi32> -> vector<16xf32>
    %max3A_104 = arith.maximumf %scan3A_95, %gather3A_103 : vector<16xf32>
    %xor3A_105 = arith.constant 4 : i32
    %xor3A_106 = vector.broadcast %xor3A_105 : i32 to vector<16xi32>
    %xor3A_107 = arith.xori %iota3A_97, %xor3A_106 : vector<16xi32>
    %broadcast_in_dim3A_108 = vector.shape_cast %xor3A_107 : vector<16xi32> to vector<16x1xi32>
    %gather3A_109 = vector.shape_cast %broadcast_in_dim3A_108 : vector<16x1xi32> to vector<16xi32>
    %gather3A_110 = tpu.dynamic_gather %max3A_104[%gather3A_109] in [0] : vector<16xf32>, vector<16xi32> -> vector<16xf32>
    %max3A_111 = arith.maximumf %max3A_104, %gather3A_110 : vector<16xf32>
    %xor3A_112 = arith.constant 2 : i32
    %xor3A_113 = vector.broadcast %xor3A_112 : i32 to vector<16xi32>
    %xor3A_114 = arith.xori %iota3A_97, %xor3A_113 : vector<16xi32>
    %broadcast_in_dim3A_115 = vector.shape_cast %xor3A_114 : vector<16xi32> to vector<16x1xi32>
    %gather3A_116 = vector.shape_cast %broadcast_in_dim3A_115 : vector<16x1xi32> to vector<16xi32>
    %gather3A_117 = tpu.dynamic_gather %max3A_111[%gather3A_116] in [0] : vector<16xf32>, vector<16xi32> -> vector<16xf32>
    %max3A_118 = arith.maximumf %max3A_111, %gather3A_117 : vector<16xf32>
    %xor3A_119 = arith.constant 1 : i32
    %xor3A_120 = vector.broadcast %xor3A_119 : i32 to vector<16xi32>
    %xor3A_121 = arith.xori %iota3A_97, %xor3A_120 : vector<16xi32>
    %broadcast_in_dim3A_122 = vector.shape_cast %xor3A_121 : vector<16xi32> to vector<16x1xi32>
    %gather3A_123 = vector.shape_cast %broadcast_in_dim3A_122 : vector<16x1xi32> to vector<16xi32>
    %gather3A_124 = tpu.dynamic_gather %max3A_118[%gather3A_123] in [0] : vector<16xf32>, vector<16xi32> -> vector<16xf32>
    %max3A_125 = arith.maximumf %max3A_118, %gather3A_124 : vector<16xf32>
    %scan3A_126 = arith.constant 0 : i32
    %scan3A_127 = arith.constant 0 : i32
    %scan3A_128 = arith.constant 32 : i32
    %scan3A_129 = arith.addi %scan3A_127, %scan3A_128 : i32
    %scan3A_130 = arith.constant 1 : i32
    scf.for %scan3A_183 = %scan3A_127 to %scan3A_129 step %scan3A_130  : i32 {
      %mul3A_184 = arith.constant 16 : i32
      %mul3A_185 = arith.muli %scan3A_183, %mul3A_184 : i32
      %add3A_186 = arith.constant 0 : i32
      %add3A_187 = arith.addi %mul3A_185, %add3A_186 : i32
      %mul3A_188 = arith.constant 16 : i32
      %mul3A_189 = arith.muli %add3A_187, %mul3A_188 : i32
      %get3A = arith.constant 2 : i32
      %get3A_190 = arith.index_cast %get3A : i32 to index
      %get3A_191 = arith.index_cast %mul3A_189 : i32 to index
      %get3A_192 = tpu.vector_load %arg4[%get3A_190, %get3A_191] {strides = array<i32>} : memref<4x8192xf32, #tpu.memory_space<vmem>>, vector<1x16xf32>,
      %get3A_193 = vector.shape_cast %get3A_192 : vector<1x16xf32> to vector<16xf32>
      %eq3A = arith.cmpf oeq, %get3A_193, %max3A_125 : vector<16xf32>
      %jit3A = arith.constant 1.000000e+00 : f32
      %jit3A_194 = arith.constant 0.000000e+00 : f32
      %broadcast_in_dim3A_195 = vector.broadcast %jit3A : f32 to vector<16xf32>
      %broadcast_in_dim3A_196 = vector.broadcast %jit3A_194 : f32 to vector<16xf32>
      %select_n3A = arith.select %eq3A, %broadcast_in_dim3A_195, %broadcast_in_dim3A_196 : vector<16xi1>, vector<16xf32>
      %swap3A = arith.constant 2 : i32
      %swap3A_197 = arith.index_cast %swap3A : i32 to index
      %swap3A_198 = arith.index_cast %mul3A_189 : i32 to index
      %swap3A_199 = tpu.vector_load %arg5[%swap3A_197, %swap3A_198] {strides = array<i32>} : memref<4x8192xf32, #tpu.memory_space<vmem>>, vector<1x16xf32>,
      %swap3A_200 = vector.shape_cast %swap3A_199 : vector<1x16xf32> to vector<16xf32>
      %swap3A_201 = vector.shape_cast %select_n3A : vector<16xf32> to vector<1x16xf32>
      tpu.vector_store %arg5[%swap3A_197, %swap3A_198], %swap3A_201 {strides = array<i32>} : memref<4x8192xf32, #tpu.memory_space<vmem>>, vector<1x16xf32>,
      %mul3A_202 = arith.constant 16 : i32
      %mul3A_203 = arith.muli %scan3A_183, %mul3A_202 : i32
      %add3A_204 = arith.constant 1 : i32
      %add3A_205 = arith.addi %mul3A_203, %add3A_204 : i32
      %mul3A_206 = arith.constant 16 : i32
      %mul3A_207 = arith.muli %add3A_205, %mul3A_206 : i32
      %get3A_208 = arith.constant 2 : i32
      %get3A_209 = arith.index_cast %get3A_208 : i32 to index
      %get3A_210 = arith.index_cast %mul3A_207 : i32 to index
      %get3A_211 = tpu.vector_load %arg4[%get3A_209, %get3A_210] {strides = array<i32>} : memref<4x8192xf32, #tpu.memory_space<vmem>>, vector<1x16xf32>,
      %get3A_212 = vector.shape_cast %get3A_211 : vector<1x16xf32> to vector<16xf32>
      %eq3A_213 = arith.cmpf oeq, %get3A_212, %max3A_125 : vector<16xf32>
      %jit3A_214 = arith.constant 1.000000e+00 : f32
      %jit3A_215 = arith.constant 0.000000e+00 : f32
      %broadcast_in_dim3A_216 = vector.broadcast %jit3A_214 : f32 to vector<16xf32>
      %broadcast_in_dim3A_217 = vector.broadcast %jit3A_215 : f32 to vector<16xf32>
      %select_n3A_218 = arith.select %eq3A_213, %broadcast_in_dim3A_216, %broadcast_in_dim3A_217 : vector<16xi1>, vector<16xf32>
      %swap3A_219 = arith.constant 2 : i32
      %swap3A_220 = arith.index_cast %swap3A_219 : i32 to index
      %swap3A_221 = arith.index_cast %mul3A_207 : i32 to index
      %swap3A_222 = tpu.vector_load %arg5[%swap3A_220, %swap3A_221] {strides = array<i32>} : memref<4x8192xf32, #tpu.memory_space<vmem>>, vector<1x16xf32>,
      %swap3A_223 = vector.shape_cast %swap3A_222 : vector<1x16xf32> to vector<16xf32>
      %swap3A_224 = vector.shape_cast %select_n3A_218 : vector<16xf32> to vector<1x16xf32>
      tpu.vector_store %arg5[%swap3A_220, %swap3A_221], %swap3A_224 {strides = array<i32>} : memref<4x8192xf32, #tpu.memory_space<vmem>>, vector<1x16xf32>,
      %mul3A_225 = arith.constant 16 : i32
      %mul3A_226 = arith.muli %scan3A_183, %mul3A_225 : i32
      %add3A_227 = arith.constant 2 : i32
      %add3A_228 = arith.addi %mul3A_226, %add3A_227 : i32
      %mul3A_229 = arith.constant 16 : i32
      %mul3A_230 = arith.muli %add3A_228, %mul3A_229 : i32
      %get3A_231 = arith.constant 2 : i32
      %get3A_232 = arith.index_cast %get3A_231 : i32 to index
      %get3A_233 = arith.index_cast %mul3A_230 : i32 to index
      %get3A_234 = tpu.vector_load %arg4[%get3A_232, %get3A_233] {strides = array<i32>} : memref<4x8192xf32, #tpu.memory_space<vmem>>, vector<1x16xf32>,
      %get3A_235 = vector.shape_cast %get3A_234 : vector<1x16xf32> to vector<16xf32>
      %eq3A_236 = arith.cmpf oeq, %get3A_235, %max3A_125 : vector<16xf32>
      %jit3A_237 = arith.constant 1.000000e+00 : f32
      %jit3A_238 = arith.constant 0.000000e+00 : f32
      %broadcast_in_dim3A_239 = vector.broadcast %jit3A_237 : f32 to vector<16xf32>
      %broadcast_in_dim3A_240 = vector.broadcast %jit3A_238 : f32 to vector<16xf32>
      %select_n3A_241 = arith.select %eq3A_236, %broadcast_in_dim3A_239, %broadcast_in_dim3A_240 : vector<16xi1>, vector<16xf32>
      %swap3A_242 = arith.constant 2 : i32
      %swap3A_243 = arith.index_cast %swap3A_242 : i32 to index
      %swap3A_244 = arith.index_cast %mul3A_230 : i32 to index
      %swap3A_245 = tpu.vector_load %arg5[%swap3A_243, %swap3A_244] {strides = array<i32>} : memref<4x8192xf32, #tpu.memory_space<vmem>>, vector<1x16xf32>,
      %swap3A_246 = vector.shape_cast %swap3A_245 : vector<1x16xf32> to vector<16xf32>
      %swap3A_247 = vector.shape_cast %select_n3A_241 : vector<16xf32> to vector<1x16xf32>
      tpu.vector_store %arg5[%swap3A_243, %swap3A_244], %swap3A_247 {strides = array<i32>} : memref<4x8192xf32, #tpu.memory_space<vmem>>, vector<1x16xf32>,
      %mul3A_248 = arith.constant 16 : i32
      %mul3A_249 = arith.muli %scan3A_183, %mul3A_248 : i32
      %add3A_250 = arith.constant 3 : i32
      %add3A_251 = arith.addi %mul3A_249, %add3A_250 : i32
      %mul3A_252 = arith.constant 16 : i32
      %mul3A_253 = arith.muli %add3A_251, %mul3A_252 : i32
      %get3A_254 = arith.constant 2 : i32
      %get3A_255 = arith.index_cast %get3A_254 : i32 to index
      %get3A_256 = arith.index_cast %mul3A_253 : i32 to index
      %get3A_257 = tpu.vector_load %arg4[%get3A_255, %get3A_256] {strides = array<i32>} : memref<4x8192xf32, #tpu.memory_space<vmem>>, vector<1x16xf32>,
      %get3A_258 = vector.shape_cast %get3A_257 : vector<1x16xf32> to vector<16xf32>
      %eq3A_259 = arith.cmpf oeq, %get3A_258, %max3A_125 : vector<16xf32>
      %jit3A_260 = arith.constant 1.000000e+00 : f32
      %jit3A_261 = arith.constant 0.000000e+00 : f32
      %broadcast_in_dim3A_262 = vector.broadcast %jit3A_260 : f32 to vector<16xf32>
      %broadcast_in_dim3A_263 = vector.broadcast %jit3A_261 : f32 to vector<16xf32>
      %select_n3A_264 = arith.select %eq3A_259, %broadcast_in_dim3A_262, %broadcast_in_dim3A_263 : vector<16xi1>, vector<16xf32>
      %swap3A_265 = arith.constant 2 : i32
      %swap3A_266 = arith.index_cast %swap3A_265 : i32 to index
      %swap3A_267 = arith.index_cast %mul3A_253 : i32 to index
      %swap3A_268 = tpu.vector_load %arg5[%swap3A_266, %swap3A_267] {strides = array<i32>} : memref<4x8192xf32, #tpu.memory_space<vmem>>, vector<1x16xf32>,
      %swap3A_269 = vector.shape_cast %swap3A_268 : vector<1x16xf32> to vector<16xf32>
      %swap3A_270 = vector.shape_cast %select_n3A_264 : vector<16xf32> to vector<1x16xf32>
      tpu.vector_store %arg5[%swap3A_266, %swap3A_267], %swap3A_270 {strides = array<i32>} : memref<4x8192xf32, #tpu.memory_space<vmem>>, vector<1x16xf32>,
      %mul3A_271 = arith.constant 16 : i32
      %mul3A_272 = arith.muli %scan3A_183, %mul3A_271 : i32
      %add3A_273 = arith.constant 4 : i32
      %add3A_274 = arith.addi %mul3A_272, %add3A_273 : i32
      %mul3A_275 = arith.constant 16 : i32
      %mul3A_276 = arith.muli %add3A_274, %mul3A_275 : i32
      %get3A_277 = arith.constant 2 : i32
      %get3A_278 = arith.index_cast %get3A_277 : i32 to index
      %get3A_279 = arith.index_cast %mul3A_276 : i32 to index
      %get3A_280 = tpu.vector_load %arg4[%get3A_278, %get3A_279] {strides = array<i32>} : memref<4x8192xf32, #tpu.memory_space<vmem>>, vector<1x16xf32>,
      %get3A_281 = vector.shape_cast %get3A_280 : vector<1x16xf32> to vector<16xf32>
      %eq3A_282 = arith.cmpf oeq, %get3A_281, %max3A_125 : vector<16xf32>
      %jit3A_283 = arith.constant 1.000000e+00 : f32
      %jit3A_284 = arith.constant 0.000000e+00 : f32
      %broadcast_in_dim3A_285 = vector.broadcast %jit3A_283 : f32 to vector<16xf32>
      %broadcast_in_dim3A_286 = vector.broadcast %jit3A_284 : f32 to vector<16xf32>
      %select_n3A_287 = arith.select %eq3A_282, %broadcast_in_dim3A_285, %broadcast_in_dim3A_286 : vector<16xi1>, vector<16xf32>
      %swap3A_288 = arith.constant 2 : i32
      %swap3A_289 = arith.index_cast %swap3A_288 : i32 to index
      %swap3A_290 = arith.index_cast %mul3A_276 : i32 to index
      %swap3A_291 = tpu.vector_load %arg5[%swap3A_289, %swap3A_290] {strides = array<i32>} : memref<4x8192xf32, #tpu.memory_space<vmem>>, vector<1x16xf32>,
      %swap3A_292 = vector.shape_cast %swap3A_291 : vector<1x16xf32> to vector<16xf32>
      %swap3A_293 = vector.shape_cast %select_n3A_287 : vector<16xf32> to vector<1x16xf32>
      tpu.vector_store %arg5[%swap3A_289, %swap3A_290], %swap3A_293 {strides = array<i32>} : memref<4x8192xf32, #tpu.memory_space<vmem>>, vector<1x16xf32>,
      %mul3A_294 = arith.constant 16 : i32
      %mul3A_295 = arith.muli %scan3A_183, %mul3A_294 : i32
      %add3A_296 = arith.constant 5 : i32
      %add3A_297 = arith.addi %mul3A_295, %add3A_296 : i32
      %mul3A_298 = arith.constant 16 : i32
      %mul3A_299 = arith.muli %add3A_297, %mul3A_298 : i32
      %get3A_300 = arith.constant 2 : i32
      %get3A_301 = arith.index_cast %get3A_300 : i32 to index
      %get3A_302 = arith.index_cast %mul3A_299 : i32 to index
      %get3A_303 = tpu.vector_load %arg4[%get3A_301, %get3A_302] {strides = array<i32>} : memref<4x8192xf32, #tpu.memory_space<vmem>>, vector<1x16xf32>,
      %get3A_304 = vector.shape_cast %get3A_303 : vector<1x16xf32> to vector<16xf32>
      %eq3A_305 = arith.cmpf oeq, %get3A_304, %max3A_125 : vector<16xf32>
      %jit3A_306 = arith.constant 1.000000e+00 : f32
      %jit3A_307 = arith.constant 0.000000e+00 : f32
      %broadcast_in_dim3A_308 = vector.broadcast %jit3A_306 : f32 to vector<16xf32>
      %broadcast_in_dim3A_309 = vector.broadcast %jit3A_307 : f32 to vector<16xf32>
      %select_n3A_310 = arith.select %eq3A_305, %broadcast_in_dim3A_308, %broadcast_in_dim3A_309 : vector<16xi1>, vector<16xf32>
      %swap3A_311 = arith.constant 2 : i32
      %swap3A_312 = arith.index_cast %swap3A_311 : i32 to index
      %swap3A_313 = arith.index_cast %mul3A_299 : i32 to index
      %swap3A_314 = tpu.vector_load %arg5[%swap3A_312, %swap3A_313] {strides = array<i32>} : memref<4x8192xf32, #tpu.memory_space<vmem>>, vector<1x16xf32>,
      %swap3A_315 = vector.shape_cast %swap3A_314 : vector<1x16xf32> to vector<16xf32>
      %swap3A_316 = vector.shape_cast %select_n3A_310 : vector<16xf32> to vector<1x16xf32>
      tpu.vector_store %arg5[%swap3A_312, %swap3A_313], %swap3A_316 {strides = array<i32>} : memref<4x8192xf32, #tpu.memory_space<vmem>>, vector<1x16xf32>,
      %mul3A_317 = arith.constant 16 : i32
      %mul3A_318 = arith.muli %scan3A_183, %mul3A_317 : i32
      %add3A_319 = arith.constant 6 : i32
      %add3A_320 = arith.addi %mul3A_318, %add3A_319 : i32
      %mul3A_321 = arith.constant 16 : i32
      %mul3A_322 = arith.muli %add3A_320, %mul3A_321 : i32
      %get3A_323 = arith.constant 2 : i32
      %get3A_324 = arith.index_cast %get3A_323 : i32 to index
      %get3A_325 = arith.index_cast %mul3A_322 : i32 to index
      %get3A_326 = tpu.vector_load %arg4[%get3A_324, %get3A_325] {strides = array<i32>} : memref<4x8192xf32, #tpu.memory_space<vmem>>, vector<1x16xf32>,
      %get3A_327 = vector.shape_cast %get3A_326 : vector<1x16xf32> to vector<16xf32>
      %eq3A_328 = arith.cmpf oeq, %get3A_327, %max3A_125 : vector<16xf32>
      %jit3A_329 = arith.constant 1.000000e+00 : f32
      %jit3A_330 = arith.constant 0.000000e+00 : f32
      %broadcast_in_dim3A_331 = vector.broadcast %jit3A_329 : f32 to vector<16xf32>
      %broadcast_in_dim3A_332 = vector.broadcast %jit3A_330 : f32 to vector<16xf32>
      %select_n3A_333 = arith.select %eq3A_328, %broadcast_in_dim3A_331, %broadcast_in_dim3A_332 : vector<16xi1>, vector<16xf32>
      %swap3A_334 = arith.constant 2 : i32
      %swap3A_335 = arith.index_cast %swap3A_334 : i32 to index
      %swap3A_336 = arith.index_cast %mul3A_322 : i32 to index
      %swap3A_337 = tpu.vector_load %arg5[%swap3A_335, %swap3A_336] {strides = array<i32>} : memref<4x8192xf32, #tpu.memory_space<vmem>>, vector<1x16xf32>,
      %swap3A_338 = vector.shape_cast %swap3A_337 : vector<1x16xf32> to vector<16xf32>
      %swap3A_339 = vector.shape_cast %select_n3A_333 : vector<16xf32> to vector<1x16xf32>
      tpu.vector_store %arg5[%swap3A_335, %swap3A_336], %swap3A_339 {strides = array<i32>} : memref<4x8192xf32, #tpu.memory_space<vmem>>, vector<1x16xf32>,
      %mul3A_340 = arith.constant 16 : i32
      %mul3A_341 = arith.muli %scan3A_183, %mul3A_340 : i32
      %add3A_342 = arith.constant 7 : i32
      %add3A_343 = arith.addi %mul3A_341, %add3A_342 : i32
      %mul3A_344 = arith.constant 16 : i32
      %mul3A_345 = arith.muli %add3A_343, %mul3A_344 : i32
      %get3A_346 = arith.constant 2 : i32
      %get3A_347 = arith.index_cast %get3A_346 : i32 to index
      %get3A_348 = arith.index_cast %mul3A_345 : i32 to index
      %get3A_349 = tpu.vector_load %arg4[%get3A_347, %get3A_348] {strides = array<i32>} : memref<4x8192xf32, #tpu.memory_space<vmem>>, vector<1x16xf32>,
      %get3A_350 = vector.shape_cast %get3A_349 : vector<1x16xf32> to vector<16xf32>
      %eq3A_351 = arith.cmpf oeq, %get3A_350, %max3A_125 : vector<16xf32>
      %jit3A_352 = arith.constant 1.000000e+00 : f32
      %jit3A_353 = arith.constant 0.000000e+00 : f32
      %broadcast_in_dim3A_354 = vector.broadcast %jit3A_352 : f32 to vector<16xf32>
      %broadcast_in_dim3A_355 = vector.broadcast %jit3A_353 : f32 to vector<16xf32>
      %select_n3A_356 = arith.select %eq3A_351, %broadcast_in_dim3A_354, %broadcast_in_dim3A_355 : vector<16xi1>, vector<16xf32>
      %swap3A_357 = arith.constant 2 : i32
      %swap3A_358 = arith.index_cast %swap3A_357 : i32 to index
      %swap3A_359 = arith.index_cast %mul3A_345 : i32 to index
      %swap3A_360 = tpu.vector_load %arg5[%swap3A_358, %swap3A_359] {strides = array<i32>} : memref<4x8192xf32, #tpu.memory_space<vmem>>, vector<1x16xf32>,
      %swap3A_361 = vector.shape_cast %swap3A_360 : vector<1x16xf32> to vector<16xf32>
      %swap3A_362 = vector.shape_cast %select_n3A_356 : vector<16xf32> to vector<1x16xf32>
      tpu.vector_store %arg5[%swap3A_358, %swap3A_359], %swap3A_362 {strides = array<i32>} : memref<4x8192xf32, #tpu.memory_space<vmem>>, vector<1x16xf32>,
      %mul3A_363 = arith.constant 16 : i32
      %mul3A_364 = arith.muli %scan3A_183, %mul3A_363 : i32
      %add3A_365 = arith.constant 8 : i32
      %add3A_366 = arith.addi %mul3A_364, %add3A_365 : i32
      %mul3A_367 = arith.constant 16 : i32
      %mul3A_368 = arith.muli %add3A_366, %mul3A_367 : i32
      %get3A_369 = arith.constant 2 : i32
      %get3A_370 = arith.index_cast %get3A_369 : i32 to index
      %get3A_371 = arith.index_cast %mul3A_368 : i32 to index
      %get3A_372 = tpu.vector_load %arg4[%get3A_370, %get3A_371] {strides = array<i32>} : memref<4x8192xf32, #tpu.memory_space<vmem>>, vector<1x16xf32>,
      %get3A_373 = vector.shape_cast %get3A_372 : vector<1x16xf32> to vector<16xf32>
      %eq3A_374 = arith.cmpf oeq, %get3A_373, %max3A_125 : vector<16xf32>
      %jit3A_375 = arith.constant 1.000000e+00 : f32
      %jit3A_376 = arith.constant 0.000000e+00 : f32
      %broadcast_in_dim3A_377 = vector.broadcast %jit3A_375 : f32 to vector<16xf32>
      %broadcast_in_dim3A_378 = vector.broadcast %jit3A_376 : f32 to vector<16xf32>
      %select_n3A_379 = arith.select %eq3A_374, %broadcast_in_dim3A_377, %broadcast_in_dim3A_378 : vector<16xi1>, vector<16xf32>
      %swap3A_380 = arith.constant 2 : i32
      %swap3A_381 = arith.index_cast %swap3A_380 : i32 to index
      %swap3A_382 = arith.index_cast %mul3A_368 : i32 to index
      %swap3A_383 = tpu.vector_load %arg5[%swap3A_381, %swap3A_382] {strides = array<i32>} : memref<4x8192xf32, #tpu.memory_space<vmem>>, vector<1x16xf32>,
      %swap3A_384 = vector.shape_cast %swap3A_383 : vector<1x16xf32> to vector<16xf32>
      %swap3A_385 = vector.shape_cast %select_n3A_379 : vector<16xf32> to vector<1x16xf32>
      tpu.vector_store %arg5[%swap3A_381, %swap3A_382], %swap3A_385 {strides = array<i32>} : memref<4x8192xf32, #tpu.memory_space<vmem>>, vector<1x16xf32>,
      %mul3A_386 = arith.constant 16 : i32
      %mul3A_387 = arith.muli %scan3A_183, %mul3A_386 : i32
      %add3A_388 = arith.constant 9 : i32
      %add3A_389 = arith.addi %mul3A_387, %add3A_388 : i32
      %mul3A_390 = arith.constant 16 : i32
      %mul3A_391 = arith.muli %add3A_389, %mul3A_390 : i32
      %get3A_392 = arith.constant 2 : i32
      %get3A_393 = arith.index_cast %get3A_392 : i32 to index
      %get3A_394 = arith.index_cast %mul3A_391 : i32 to index
      %get3A_395 = tpu.vector_load %arg4[%get3A_393, %get3A_394] {strides = array<i32>} : memref<4x8192xf32, #tpu.memory_space<vmem>>, vector<1x16xf32>,
      %get3A_396 = vector.shape_cast %get3A_395 : vector<1x16xf32> to vector<16xf32>
      %eq3A_397 = arith.cmpf oeq, %get3A_396, %max3A_125 : vector<16xf32>
      %jit3A_398 = arith.constant 1.000000e+00 : f32
      %jit3A_399 = arith.constant 0.000000e+00 : f32
      %broadcast_in_dim3A_400 = vector.broadcast %jit3A_398 : f32 to vector<16xf32>
      %broadcast_in_dim3A_401 = vector.broadcast %jit3A_399 : f32 to vector<16xf32>
      %select_n3A_402 = arith.select %eq3A_397, %broadcast_in_dim3A_400, %broadcast_in_dim3A_401 : vector<16xi1>, vector<16xf32>
      %swap3A_403 = arith.constant 2 : i32
      %swap3A_404 = arith.index_cast %swap3A_403 : i32 to index
      %swap3A_405 = arith.index_cast %mul3A_391 : i32 to index
      %swap3A_406 = tpu.vector_load %arg5[%swap3A_404, %swap3A_405] {strides = array<i32>} : memref<4x8192xf32, #tpu.memory_space<vmem>>, vector<1x16xf32>,
      %swap3A_407 = vector.shape_cast %swap3A_406 : vector<1x16xf32> to vector<16xf32>
      %swap3A_408 = vector.shape_cast %select_n3A_402 : vector<16xf32> to vector<1x16xf32>
      tpu.vector_store %arg5[%swap3A_404, %swap3A_405], %swap3A_408 {strides = array<i32>} : memref<4x8192xf32, #tpu.memory_space<vmem>>, vector<1x16xf32>,
      %mul3A_409 = arith.constant 16 : i32
      %mul3A_410 = arith.muli %scan3A_183, %mul3A_409 : i32
      %add3A_411 = arith.constant 10 : i32
      %add3A_412 = arith.addi %mul3A_410, %add3A_411 : i32
      %mul3A_413 = arith.constant 16 : i32
      %mul3A_414 = arith.muli %add3A_412, %mul3A_413 : i32
      %get3A_415 = arith.constant 2 : i32
      %get3A_416 = arith.index_cast %get3A_415 : i32 to index
      %get3A_417 = arith.index_cast %mul3A_414 : i32 to index
      %get3A_418 = tpu.vector_load %arg4[%get3A_416, %get3A_417] {strides = array<i32>} : memref<4x8192xf32, #tpu.memory_space<vmem>>, vector<1x16xf32>,
      %get3A_419 = vector.shape_cast %get3A_418 : vector<1x16xf32> to vector<16xf32>
      %eq3A_420 = arith.cmpf oeq, %get3A_419, %max3A_125 : vector<16xf32>
      %jit3A_421 = arith.constant 1.000000e+00 : f32
      %jit3A_422 = arith.constant 0.000000e+00 : f32
      %broadcast_in_dim3A_423 = vector.broadcast %jit3A_421 : f32 to vector<16xf32>
      %broadcast_in_dim3A_424 = vector.broadcast %jit3A_422 : f32 to vector<16xf32>
      %select_n3A_425 = arith.select %eq3A_420, %broadcast_in_dim3A_423, %broadcast_in_dim3A_424 : vector<16xi1>, vector<16xf32>
      %swap3A_426 = arith.constant 2 : i32
      %swap3A_427 = arith.index_cast %swap3A_426 : i32 to index
      %swap3A_428 = arith.index_cast %mul3A_414 : i32 to index
      %swap3A_429 = tpu.vector_load %arg5[%swap3A_427, %swap3A_428] {strides = array<i32>} : memref<4x8192xf32, #tpu.memory_space<vmem>>, vector<1x16xf32>,
      %swap3A_430 = vector.shape_cast %swap3A_429 : vector<1x16xf32> to vector<16xf32>
      %swap3A_431 = vector.shape_cast %select_n3A_425 : vector<16xf32> to vector<1x16xf32>
      tpu.vector_store %arg5[%swap3A_427, %swap3A_428], %swap3A_431 {strides = array<i32>} : memref<4x8192xf32, #tpu.memory_space<vmem>>, vector<1x16xf32>,
      %mul3A_432 = arith.constant 16 : i32
      %mul3A_433 = arith.muli %scan3A_183, %mul3A_432 : i32
      %add3A_434 = arith.constant 11 : i32
      %add3A_435 = arith.addi %mul3A_433, %add3A_434 : i32
      %mul3A_436 = arith.constant 16 : i32
      %mul3A_437 = arith.muli %add3A_435, %mul3A_436 : i32
      %get3A_438 = arith.constant 2 : i32
      %get3A_439 = arith.index_cast %get3A_438 : i32 to index
      %get3A_440 = arith.index_cast %mul3A_437 : i32 to index
      %get3A_441 = tpu.vector_load %arg4[%get3A_439, %get3A_440] {strides = array<i32>} : memref<4x8192xf32, #tpu.memory_space<vmem>>, vector<1x16xf32>,
      %get3A_442 = vector.shape_cast %get3A_441 : vector<1x16xf32> to vector<16xf32>
      %eq3A_443 = arith.cmpf oeq, %get3A_442, %max3A_125 : vector<16xf32>
      %jit3A_444 = arith.constant 1.000000e+00 : f32
      %jit3A_445 = arith.constant 0.000000e+00 : f32
      %broadcast_in_dim3A_446 = vector.broadcast %jit3A_444 : f32 to vector<16xf32>
      %broadcast_in_dim3A_447 = vector.broadcast %jit3A_445 : f32 to vector<16xf32>
      %select_n3A_448 = arith.select %eq3A_443, %broadcast_in_dim3A_446, %broadcast_in_dim3A_447 : vector<16xi1>, vector<16xf32>
      %swap3A_449 = arith.constant 2 : i32
      %swap3A_450 = arith.index_cast %swap3A_449 : i32 to index
      %swap3A_451 = arith.index_cast %mul3A_437 : i32 to index
      %swap3A_452 = tpu.vector_load %arg5[%swap3A_450, %swap3A_451] {strides = array<i32>} : memref<4x8192xf32, #tpu.memory_space<vmem>>, vector<1x16xf32>,
      %swap3A_453 = vector.shape_cast %swap3A_452 : vector<1x16xf32> to vector<16xf32>
      %swap3A_454 = vector.shape_cast %select_n3A_448 : vector<16xf32> to vector<1x16xf32>
      tpu.vector_store %arg5[%swap3A_450, %swap3A_451], %swap3A_454 {strides = array<i32>} : memref<4x8192xf32, #tpu.memory_space<vmem>>, vector<1x16xf32>,
      %mul3A_455 = arith.constant 16 : i32
      %mul3A_456 = arith.muli %scan3A_183, %mul3A_455 : i32
      %add3A_457 = arith.constant 12 : i32
      %add3A_458 = arith.addi %mul3A_456, %add3A_457 : i32
      %mul3A_459 = arith.constant 16 : i32
      %mul3A_460 = arith.muli %add3A_458, %mul3A_459 : i32
      %get3A_461 = arith.constant 2 : i32
      %get3A_462 = arith.index_cast %get3A_461 : i32 to index
      %get3A_463 = arith.index_cast %mul3A_460 : i32 to index
      %get3A_464 = tpu.vector_load %arg4[%get3A_462, %get3A_463] {strides = array<i32>} : memref<4x8192xf32, #tpu.memory_space<vmem>>, vector<1x16xf32>,
      %get3A_465 = vector.shape_cast %get3A_464 : vector<1x16xf32> to vector<16xf32>
      %eq3A_466 = arith.cmpf oeq, %get3A_465, %max3A_125 : vector<16xf32>
      %jit3A_467 = arith.constant 1.000000e+00 : f32
      %jit3A_468 = arith.constant 0.000000e+00 : f32
      %broadcast_in_dim3A_469 = vector.broadcast %jit3A_467 : f32 to vector<16xf32>
      %broadcast_in_dim3A_470 = vector.broadcast %jit3A_468 : f32 to vector<16xf32>
      %select_n3A_471 = arith.select %eq3A_466, %broadcast_in_dim3A_469, %broadcast_in_dim3A_470 : vector<16xi1>, vector<16xf32>
      %swap3A_472 = arith.constant 2 : i32
      %swap3A_473 = arith.index_cast %swap3A_472 : i32 to index
      %swap3A_474 = arith.index_cast %mul3A_460 : i32 to index
      %swap3A_475 = tpu.vector_load %arg5[%swap3A_473, %swap3A_474] {strides = array<i32>} : memref<4x8192xf32, #tpu.memory_space<vmem>>, vector<1x16xf32>,
      %swap3A_476 = vector.shape_cast %swap3A_475 : vector<1x16xf32> to vector<16xf32>
      %swap3A_477 = vector.shape_cast %select_n3A_471 : vector<16xf32> to vector<1x16xf32>
      tpu.vector_store %arg5[%swap3A_473, %swap3A_474], %swap3A_477 {strides = array<i32>} : memref<4x8192xf32, #tpu.memory_space<vmem>>, vector<1x16xf32>,
      %mul3A_478 = arith.constant 16 : i32
      %mul3A_479 = arith.muli %scan3A_183, %mul3A_478 : i32
      %add3A_480 = arith.constant 13 : i32
      %add3A_481 = arith.addi %mul3A_479, %add3A_480 : i32
      %mul3A_482 = arith.constant 16 : i32
      %mul3A_483 = arith.muli %add3A_481, %mul3A_482 : i32
      %get3A_484 = arith.constant 2 : i32
      %get3A_485 = arith.index_cast %get3A_484 : i32 to index
      %get3A_486 = arith.index_cast %mul3A_483 : i32 to index
      %get3A_487 = tpu.vector_load %arg4[%get3A_485, %get3A_486] {strides = array<i32>} : memref<4x8192xf32, #tpu.memory_space<vmem>>, vector<1x16xf32>,
      %get3A_488 = vector.shape_cast %get3A_487 : vector<1x16xf32> to vector<16xf32>
      %eq3A_489 = arith.cmpf oeq, %get3A_488, %max3A_125 : vector<16xf32>
      %jit3A_490 = arith.constant 1.000000e+00 : f32
      %jit3A_491 = arith.constant 0.000000e+00 : f32
      %broadcast_in_dim3A_492 = vector.broadcast %jit3A_490 : f32 to vector<16xf32>
      %broadcast_in_dim3A_493 = vector.broadcast %jit3A_491 : f32 to vector<16xf32>
      %select_n3A_494 = arith.select %eq3A_489, %broadcast_in_dim3A_492, %broadcast_in_dim3A_493 : vector<16xi1>, vector<16xf32>
      %swap3A_495 = arith.constant 2 : i32
      %swap3A_496 = arith.index_cast %swap3A_495 : i32 to index
      %swap3A_497 = arith.index_cast %mul3A_483 : i32 to index
      %swap3A_498 = tpu.vector_load %arg5[%swap3A_496, %swap3A_497] {strides = array<i32>} : memref<4x8192xf32, #tpu.memory_space<vmem>>, vector<1x16xf32>,
      %swap3A_499 = vector.shape_cast %swap3A_498 : vector<1x16xf32> to vector<16xf32>
      %swap3A_500 = vector.shape_cast %select_n3A_494 : vector<16xf32> to vector<1x16xf32>
      tpu.vector_store %arg5[%swap3A_496, %swap3A_497], %swap3A_500 {strides = array<i32>} : memref<4x8192xf32, #tpu.memory_space<vmem>>, vector<1x16xf32>,
      %mul3A_501 = arith.constant 16 : i32
      %mul3A_502 = arith.muli %scan3A_183, %mul3A_501 : i32
      %add3A_503 = arith.constant 14 : i32
      %add3A_504 = arith.addi %mul3A_502, %add3A_503 : i32
      %mul3A_505 = arith.constant 16 : i32
      %mul3A_506 = arith.muli %add3A_504, %mul3A_505 : i32
      %get3A_507 = arith.constant 2 : i32
      %get3A_508 = arith.index_cast %get3A_507 : i32 to index
      %get3A_509 = arith.index_cast %mul3A_506 : i32 to index
      %get3A_510 = tpu.vector_load %arg4[%get3A_508, %get3A_509] {strides = array<i32>} : memref<4x8192xf32, #tpu.memory_space<vmem>>, vector<1x16xf32>,
      %get3A_511 = vector.shape_cast %get3A_510 : vector<1x16xf32> to vector<16xf32>
      %eq3A_512 = arith.cmpf oeq, %get3A_511, %max3A_125 : vector<16xf32>
      %jit3A_513 = arith.constant 1.000000e+00 : f32
      %jit3A_514 = arith.constant 0.000000e+00 : f32
      %broadcast_in_dim3A_515 = vector.broadcast %jit3A_513 : f32 to vector<16xf32>
      %broadcast_in_dim3A_516 = vector.broadcast %jit3A_514 : f32 to vector<16xf32>
      %select_n3A_517 = arith.select %eq3A_512, %broadcast_in_dim3A_515, %broadcast_in_dim3A_516 : vector<16xi1>, vector<16xf32>
      %swap3A_518 = arith.constant 2 : i32
      %swap3A_519 = arith.index_cast %swap3A_518 : i32 to index
      %swap3A_520 = arith.index_cast %mul3A_506 : i32 to index
      %swap3A_521 = tpu.vector_load %arg5[%swap3A_519, %swap3A_520] {strides = array<i32>} : memref<4x8192xf32, #tpu.memory_space<vmem>>, vector<1x16xf32>,
      %swap3A_522 = vector.shape_cast %swap3A_521 : vector<1x16xf32> to vector<16xf32>
      %swap3A_523 = vector.shape_cast %select_n3A_517 : vector<16xf32> to vector<1x16xf32>
      tpu.vector_store %arg5[%swap3A_519, %swap3A_520], %swap3A_523 {strides = array<i32>} : memref<4x8192xf32, #tpu.memory_space<vmem>>, vector<1x16xf32>,
      %mul3A_524 = arith.constant 16 : i32
      %mul3A_525 = arith.muli %scan3A_183, %mul3A_524 : i32
      %add3A_526 = arith.constant 15 : i32
      %add3A_527 = arith.addi %mul3A_525, %add3A_526 : i32
      %mul3A_528 = arith.constant 16 : i32
      %mul3A_529 = arith.muli %add3A_527, %mul3A_528 : i32
      %get3A_530 = arith.constant 2 : i32
      %get3A_531 = arith.index_cast %get3A_530 : i32 to index
      %get3A_532 = arith.index_cast %mul3A_529 : i32 to index
      %get3A_533 = tpu.vector_load %arg4[%get3A_531, %get3A_532] {strides = array<i32>} : memref<4x8192xf32, #tpu.memory_space<vmem>>, vector<1x16xf32>,
      %get3A_534 = vector.shape_cast %get3A_533 : vector<1x16xf32> to vector<16xf32>
      %eq3A_535 = arith.cmpf oeq, %get3A_534, %max3A_125 : vector<16xf32>
      %jit3A_536 = arith.constant 1.000000e+00 : f32
      %jit3A_537 = arith.constant 0.000000e+00 : f32
      %broadcast_in_dim3A_538 = vector.broadcast %jit3A_536 : f32 to vector<16xf32>
      %broadcast_in_dim3A_539 = vector.broadcast %jit3A_537 : f32 to vector<16xf32>
      %select_n3A_540 = arith.select %eq3A_535, %broadcast_in_dim3A_538, %broadcast_in_dim3A_539 : vector<16xi1>, vector<16xf32>
      %swap3A_541 = arith.constant 2 : i32
      %swap3A_542 = arith.index_cast %swap3A_541 : i32 to index
      %swap3A_543 = arith.index_cast %mul3A_529 : i32 to index
      %swap3A_544 = tpu.vector_load %arg5[%swap3A_542, %swap3A_543] {strides = array<i32>} : memref<4x8192xf32, #tpu.memory_space<vmem>>, vector<1x16xf32>,
      %swap3A_545 = vector.shape_cast %swap3A_544 : vector<1x16xf32> to vector<16xf32>
      %swap3A_546 = vector.shape_cast %select_n3A_540 : vector<16xf32> to vector<1x16xf32>
      tpu.vector_store %arg5[%swap3A_542, %swap3A_543], %swap3A_546 {strides = array<i32>} : memref<4x8192xf32, #tpu.memory_space<vmem>>, vector<1x16xf32>,
    }
    %scan3A_131 = arith.constant 32 : i32
    %broadcast_in_dim3A_132 = arith.constant 0xFF800000 : f32
    %broadcast_in_dim3A_133 = vector.broadcast %broadcast_in_dim3A_132 : f32 to vector<16xf32>
    %scan3A_134 = arith.constant 0 : i32
    %scan3A_135 = arith.constant 32 : i32
    %scan3A_136 = arith.addi %scan3A_134, %scan3A_135 : i32
    %scan3A_137 = arith.constant 1 : i32
    %scan3A_138 = scf.for %scan3A_183 = %scan3A_134 to %scan3A_136 step %scan3A_137 iter_args(%scan3A_184 = %broadcast_in_dim3A_133) -> (vector<16xf32>)  : i32 {
      %mul3A_185 = arith.constant 16 : i32
      %mul3A_186 = arith.muli %scan3A_183, %mul3A_185 : i32
      %add3A_187 = arith.constant 0 : i32
      %add3A_188 = arith.addi %mul3A_186, %add3A_187 : i32
      %mul3A_189 = arith.constant 16 : i32
      %mul3A_190 = arith.muli %add3A_188, %mul3A_189 : i32
      %get3A = arith.constant 3 : i32
      %get3A_191 = arith.index_cast %get3A : i32 to index
      %get3A_192 = arith.index_cast %mul3A_190 : i32 to index
      %get3A_193 = tpu.vector_load %arg4[%get3A_191, %get3A_192] {strides = array<i32>} : memref<4x8192xf32, #tpu.memory_space<vmem>>, vector<1x16xf32>,
      %get3A_194 = vector.shape_cast %get3A_193 : vector<1x16xf32> to vector<16xf32>
      %mul3A_195 = arith.constant 16 : i32
      %mul3A_196 = arith.muli %scan3A_183, %mul3A_195 : i32
      %add3A_197 = arith.constant 1 : i32
      %add3A_198 = arith.addi %mul3A_196, %add3A_197 : i32
      %mul3A_199 = arith.constant 16 : i32
      %mul3A_200 = arith.muli %add3A_198, %mul3A_199 : i32
      %get3A_201 = arith.constant 3 : i32
      %get3A_202 = arith.index_cast %get3A_201 : i32 to index
      %get3A_203 = arith.index_cast %mul3A_200 : i32 to index
      %get3A_204 = tpu.vector_load %arg4[%get3A_202, %get3A_203] {strides = array<i32>} : memref<4x8192xf32, #tpu.memory_space<vmem>>, vector<1x16xf32>,
      %get3A_205 = vector.shape_cast %get3A_204 : vector<1x16xf32> to vector<16xf32>
      %mul3A_206 = arith.constant 16 : i32
      %mul3A_207 = arith.muli %scan3A_183, %mul3A_206 : i32
      %add3A_208 = arith.constant 2 : i32
      %add3A_209 = arith.addi %mul3A_207, %add3A_208 : i32
      %mul3A_210 = arith.constant 16 : i32
      %mul3A_211 = arith.muli %add3A_209, %mul3A_210 : i32
      %get3A_212 = arith.constant 3 : i32
      %get3A_213 = arith.index_cast %get3A_212 : i32 to index
      %get3A_214 = arith.index_cast %mul3A_211 : i32 to index
      %get3A_215 = tpu.vector_load %arg4[%get3A_213, %get3A_214] {strides = array<i32>} : memref<4x8192xf32, #tpu.memory_space<vmem>>, vector<1x16xf32>,
      %get3A_216 = vector.shape_cast %get3A_215 : vector<1x16xf32> to vector<16xf32>
      %mul3A_217 = arith.constant 16 : i32
      %mul3A_218 = arith.muli %scan3A_183, %mul3A_217 : i32
      %add3A_219 = arith.constant 3 : i32
      %add3A_220 = arith.addi %mul3A_218, %add3A_219 : i32
      %mul3A_221 = arith.constant 16 : i32
      %mul3A_222 = arith.muli %add3A_220, %mul3A_221 : i32
      %get3A_223 = arith.constant 3 : i32
      %get3A_224 = arith.index_cast %get3A_223 : i32 to index
      %get3A_225 = arith.index_cast %mul3A_222 : i32 to index
      %get3A_226 = tpu.vector_load %arg4[%get3A_224, %get3A_225] {strides = array<i32>} : memref<4x8192xf32, #tpu.memory_space<vmem>>, vector<1x16xf32>,
      %get3A_227 = vector.shape_cast %get3A_226 : vector<1x16xf32> to vector<16xf32>
      %mul3A_228 = arith.constant 16 : i32
      %mul3A_229 = arith.muli %scan3A_183, %mul3A_228 : i32
      %add3A_230 = arith.constant 4 : i32
      %add3A_231 = arith.addi %mul3A_229, %add3A_230 : i32
      %mul3A_232 = arith.constant 16 : i32
      %mul3A_233 = arith.muli %add3A_231, %mul3A_232 : i32
      %get3A_234 = arith.constant 3 : i32
      %get3A_235 = arith.index_cast %get3A_234 : i32 to index
      %get3A_236 = arith.index_cast %mul3A_233 : i32 to index
      %get3A_237 = tpu.vector_load %arg4[%get3A_235, %get3A_236] {strides = array<i32>} : memref<4x8192xf32, #tpu.memory_space<vmem>>, vector<1x16xf32>,
      %get3A_238 = vector.shape_cast %get3A_237 : vector<1x16xf32> to vector<16xf32>
      %mul3A_239 = arith.constant 16 : i32
      %mul3A_240 = arith.muli %scan3A_183, %mul3A_239 : i32
      %add3A_241 = arith.constant 5 : i32
      %add3A_242 = arith.addi %mul3A_240, %add3A_241 : i32
      %mul3A_243 = arith.constant 16 : i32
      %mul3A_244 = arith.muli %add3A_242, %mul3A_243 : i32
      %get3A_245 = arith.constant 3 : i32
      %get3A_246 = arith.index_cast %get3A_245 : i32 to index
      %get3A_247 = arith.index_cast %mul3A_244 : i32 to index
      %get3A_248 = tpu.vector_load %arg4[%get3A_246, %get3A_247] {strides = array<i32>} : memref<4x8192xf32, #tpu.memory_space<vmem>>, vector<1x16xf32>,
      %get3A_249 = vector.shape_cast %get3A_248 : vector<1x16xf32> to vector<16xf32>
      %mul3A_250 = arith.constant 16 : i32
      %mul3A_251 = arith.muli %scan3A_183, %mul3A_250 : i32
      %add3A_252 = arith.constant 6 : i32
      %add3A_253 = arith.addi %mul3A_251, %add3A_252 : i32
      %mul3A_254 = arith.constant 16 : i32
      %mul3A_255 = arith.muli %add3A_253, %mul3A_254 : i32
      %get3A_256 = arith.constant 3 : i32
      %get3A_257 = arith.index_cast %get3A_256 : i32 to index
      %get3A_258 = arith.index_cast %mul3A_255 : i32 to index
      %get3A_259 = tpu.vector_load %arg4[%get3A_257, %get3A_258] {strides = array<i32>} : memref<4x8192xf32, #tpu.memory_space<vmem>>, vector<1x16xf32>,
      %get3A_260 = vector.shape_cast %get3A_259 : vector<1x16xf32> to vector<16xf32>
      %mul3A_261 = arith.constant 16 : i32
      %mul3A_262 = arith.muli %scan3A_183, %mul3A_261 : i32
      %add3A_263 = arith.constant 7 : i32
      %add3A_264 = arith.addi %mul3A_262, %add3A_263 : i32
      %mul3A_265 = arith.constant 16 : i32
      %mul3A_266 = arith.muli %add3A_264, %mul3A_265 : i32
      %get3A_267 = arith.constant 3 : i32
      %get3A_268 = arith.index_cast %get3A_267 : i32 to index
      %get3A_269 = arith.index_cast %mul3A_266 : i32 to index
      %get3A_270 = tpu.vector_load %arg4[%get3A_268, %get3A_269] {strides = array<i32>} : memref<4x8192xf32, #tpu.memory_space<vmem>>, vector<1x16xf32>,
      %get3A_271 = vector.shape_cast %get3A_270 : vector<1x16xf32> to vector<16xf32>
      %mul3A_272 = arith.constant 16 : i32
      %mul3A_273 = arith.muli %scan3A_183, %mul3A_272 : i32
      %add3A_274 = arith.constant 8 : i32
      %add3A_275 = arith.addi %mul3A_273, %add3A_274 : i32
      %mul3A_276 = arith.constant 16 : i32
      %mul3A_277 = arith.muli %add3A_275, %mul3A_276 : i32
      %get3A_278 = arith.constant 3 : i32
      %get3A_279 = arith.index_cast %get3A_278 : i32 to index
      %get3A_280 = arith.index_cast %mul3A_277 : i32 to index
      %get3A_281 = tpu.vector_load %arg4[%get3A_279, %get3A_280] {strides = array<i32>} : memref<4x8192xf32, #tpu.memory_space<vmem>>, vector<1x16xf32>,
      %get3A_282 = vector.shape_cast %get3A_281 : vector<1x16xf32> to vector<16xf32>
      %mul3A_283 = arith.constant 16 : i32
      %mul3A_284 = arith.muli %scan3A_183, %mul3A_283 : i32
      %add3A_285 = arith.constant 9 : i32
      %add3A_286 = arith.addi %mul3A_284, %add3A_285 : i32
      %mul3A_287 = arith.constant 16 : i32
      %mul3A_288 = arith.muli %add3A_286, %mul3A_287 : i32
      %get3A_289 = arith.constant 3 : i32
      %get3A_290 = arith.index_cast %get3A_289 : i32 to index
      %get3A_291 = arith.index_cast %mul3A_288 : i32 to index
      %get3A_292 = tpu.vector_load %arg4[%get3A_290, %get3A_291] {strides = array<i32>} : memref<4x8192xf32, #tpu.memory_space<vmem>>, vector<1x16xf32>,
      %get3A_293 = vector.shape_cast %get3A_292 : vector<1x16xf32> to vector<16xf32>
      %mul3A_294 = arith.constant 16 : i32
      %mul3A_295 = arith.muli %scan3A_183, %mul3A_294 : i32
      %add3A_296 = arith.constant 10 : i32
      %add3A_297 = arith.addi %mul3A_295, %add3A_296 : i32
      %mul3A_298 = arith.constant 16 : i32
      %mul3A_299 = arith.muli %add3A_297, %mul3A_298 : i32
      %get3A_300 = arith.constant 3 : i32
      %get3A_301 = arith.index_cast %get3A_300 : i32 to index
      %get3A_302 = arith.index_cast %mul3A_299 : i32 to index
      %get3A_303 = tpu.vector_load %arg4[%get3A_301, %get3A_302] {strides = array<i32>} : memref<4x8192xf32, #tpu.memory_space<vmem>>, vector<1x16xf32>,
      %get3A_304 = vector.shape_cast %get3A_303 : vector<1x16xf32> to vector<16xf32>
      %mul3A_305 = arith.constant 16 : i32
      %mul3A_306 = arith.muli %scan3A_183, %mul3A_305 : i32
      %add3A_307 = arith.constant 11 : i32
      %add3A_308 = arith.addi %mul3A_306, %add3A_307 : i32
      %mul3A_309 = arith.constant 16 : i32
      %mul3A_310 = arith.muli %add3A_308, %mul3A_309 : i32
      %get3A_311 = arith.constant 3 : i32
      %get3A_312 = arith.index_cast %get3A_311 : i32 to index
      %get3A_313 = arith.index_cast %mul3A_310 : i32 to index
      %get3A_314 = tpu.vector_load %arg4[%get3A_312, %get3A_313] {strides = array<i32>} : memref<4x8192xf32, #tpu.memory_space<vmem>>, vector<1x16xf32>,
      %get3A_315 = vector.shape_cast %get3A_314 : vector<1x16xf32> to vector<16xf32>
      %mul3A_316 = arith.constant 16 : i32
      %mul3A_317 = arith.muli %scan3A_183, %mul3A_316 : i32
      %add3A_318 = arith.constant 12 : i32
      %add3A_319 = arith.addi %mul3A_317, %add3A_318 : i32
      %mul3A_320 = arith.constant 16 : i32
      %mul3A_321 = arith.muli %add3A_319, %mul3A_320 : i32
      %get3A_322 = arith.constant 3 : i32
      %get3A_323 = arith.index_cast %get3A_322 : i32 to index
      %get3A_324 = arith.index_cast %mul3A_321 : i32 to index
      %get3A_325 = tpu.vector_load %arg4[%get3A_323, %get3A_324] {strides = array<i32>} : memref<4x8192xf32, #tpu.memory_space<vmem>>, vector<1x16xf32>,
      %get3A_326 = vector.shape_cast %get3A_325 : vector<1x16xf32> to vector<16xf32>
      %mul3A_327 = arith.constant 16 : i32
      %mul3A_328 = arith.muli %scan3A_183, %mul3A_327 : i32
      %add3A_329 = arith.constant 13 : i32
      %add3A_330 = arith.addi %mul3A_328, %add3A_329 : i32
      %mul3A_331 = arith.constant 16 : i32
      %mul3A_332 = arith.muli %add3A_330, %mul3A_331 : i32
      %get3A_333 = arith.constant 3 : i32
      %get3A_334 = arith.index_cast %get3A_333 : i32 to index
      %get3A_335 = arith.index_cast %mul3A_332 : i32 to index
      %get3A_336 = tpu.vector_load %arg4[%get3A_334, %get3A_335] {strides = array<i32>} : memref<4x8192xf32, #tpu.memory_space<vmem>>, vector<1x16xf32>,
      %get3A_337 = vector.shape_cast %get3A_336 : vector<1x16xf32> to vector<16xf32>
      %mul3A_338 = arith.constant 16 : i32
      %mul3A_339 = arith.muli %scan3A_183, %mul3A_338 : i32
      %add3A_340 = arith.constant 14 : i32
      %add3A_341 = arith.addi %mul3A_339, %add3A_340 : i32
      %mul3A_342 = arith.constant 16 : i32
      %mul3A_343 = arith.muli %add3A_341, %mul3A_342 : i32
      %get3A_344 = arith.constant 3 : i32
      %get3A_345 = arith.index_cast %get3A_344 : i32 to index
      %get3A_346 = arith.index_cast %mul3A_343 : i32 to index
      %get3A_347 = tpu.vector_load %arg4[%get3A_345, %get3A_346] {strides = array<i32>} : memref<4x8192xf32, #tpu.memory_space<vmem>>, vector<1x16xf32>,
      %get3A_348 = vector.shape_cast %get3A_347 : vector<1x16xf32> to vector<16xf32>
      %mul3A_349 = arith.constant 16 : i32
      %mul3A_350 = arith.muli %scan3A_183, %mul3A_349 : i32
      %add3A_351 = arith.constant 15 : i32
      %add3A_352 = arith.addi %mul3A_350, %add3A_351 : i32
      %mul3A_353 = arith.constant 16 : i32
      %mul3A_354 = arith.muli %add3A_352, %mul3A_353 : i32
      %get3A_355 = arith.constant 3 : i32
      %get3A_356 = arith.index_cast %get3A_355 : i32 to index
      %get3A_357 = arith.index_cast %mul3A_354 : i32 to index
      %get3A_358 = tpu.vector_load %arg4[%get3A_356, %get3A_357] {strides = array<i32>} : memref<4x8192xf32, #tpu.memory_space<vmem>>, vector<1x16xf32>,
      %get3A_359 = vector.shape_cast %get3A_358 : vector<1x16xf32> to vector<16xf32>
      %max3A_360 = arith.maximumf %scan3A_184, %get3A_194 : vector<16xf32>
      %max3A_361 = arith.maximumf %max3A_360, %get3A_205 : vector<16xf32>
      %max3A_362 = arith.maximumf %max3A_361, %get3A_216 : vector<16xf32>
      %max3A_363 = arith.maximumf %max3A_362, %get3A_227 : vector<16xf32>
      %max3A_364 = arith.maximumf %max3A_363, %get3A_238 : vector<16xf32>
      %max3A_365 = arith.maximumf %max3A_364, %get3A_249 : vector<16xf32>
      %max3A_366 = arith.maximumf %max3A_365, %get3A_260 : vector<16xf32>
      %max3A_367 = arith.maximumf %max3A_366, %get3A_271 : vector<16xf32>
      %max3A_368 = arith.maximumf %max3A_367, %get3A_282 : vector<16xf32>
      %max3A_369 = arith.maximumf %max3A_368, %get3A_293 : vector<16xf32>
      %max3A_370 = arith.maximumf %max3A_369, %get3A_304 : vector<16xf32>
      %max3A_371 = arith.maximumf %max3A_370, %get3A_315 : vector<16xf32>
      %max3A_372 = arith.maximumf %max3A_371, %get3A_326 : vector<16xf32>
      %max3A_373 = arith.maximumf %max3A_372, %get3A_337 : vector<16xf32>
      %max3A_374 = arith.maximumf %max3A_373, %get3A_348 : vector<16xf32>
      %max3A_375 = arith.maximumf %max3A_374, %get3A_359 : vector<16xf32>
      scf.yield %max3A_375 : vector<16xf32>
    }
    %scan3A_139 = arith.constant 32 : i32
    %iota3A_140 = tpu.iota {dimensions = array<i32: 0>} : vector<16xi32>
    %xor3A_141 = arith.constant 8 : i32
    %xor3A_142 = vector.broadcast %xor3A_141 : i32 to vector<16xi32>
    %xor3A_143 = arith.xori %iota3A_140, %xor3A_142 : vector<16xi32>
    %broadcast_in_dim3A_144 = vector.shape_cast %xor3A_143 : vector<16xi32> to vector<16x1xi32>
    %gather3A_145 = vector.shape_cast %broadcast_in_dim3A_144 : vector<16x1xi32> to vector<16xi32>
    %gather3A_146 = tpu.dynamic_gather %scan3A_138[%gather3A_145] in [0] : vector<16xf32>, vector<16xi32> -> vector<16xf32>
    %max3A_147 = arith.maximumf %scan3A_138, %gather3A_146 : vector<16xf32>
    %xor3A_148 = arith.constant 4 : i32
    %xor3A_149 = vector.broadcast %xor3A_148 : i32 to vector<16xi32>
    %xor3A_150 = arith.xori %iota3A_140, %xor3A_149 : vector<16xi32>
    %broadcast_in_dim3A_151 = vector.shape_cast %xor3A_150 : vector<16xi32> to vector<16x1xi32>
    %gather3A_152 = vector.shape_cast %broadcast_in_dim3A_151 : vector<16x1xi32> to vector<16xi32>
    %gather3A_153 = tpu.dynamic_gather %max3A_147[%gather3A_152] in [0] : vector<16xf32>, vector<16xi32> -> vector<16xf32>
    %max3A_154 = arith.maximumf %max3A_147, %gather3A_153 : vector<16xf32>
    %xor3A_155 = arith.constant 2 : i32
    %xor3A_156 = vector.broadcast %xor3A_155 : i32 to vector<16xi32>
    %xor3A_157 = arith.xori %iota3A_140, %xor3A_156 : vector<16xi32>
    %broadcast_in_dim3A_158 = vector.shape_cast %xor3A_157 : vector<16xi32> to vector<16x1xi32>
    %gather3A_159 = vector.shape_cast %broadcast_in_dim3A_158 : vector<16x1xi32> to vector<16xi32>
    %gather3A_160 = tpu.dynamic_gather %max3A_154[%gather3A_159] in [0] : vector<16xf32>, vector<16xi32> -> vector<16xf32>
    %max3A_161 = arith.maximumf %max3A_154, %gather3A_160 : vector<16xf32>
    %xor3A_162 = arith.constant 1 : i32
    %xor3A_163 = vector.broadcast %xor3A_162 : i32 to vector<16xi32>
    %xor3A_164 = arith.xori %iota3A_140, %xor3A_163 : vector<16xi32>
    %broadcast_in_dim3A_165 = vector.shape_cast %xor3A_164 : vector<16xi32> to vector<16x1xi32>
    %gather3A_166 = vector.shape_cast %broadcast_in_dim3A_165 : vector<16x1xi32> to vector<16xi32>
    %gather3A_167 = tpu.dynamic_gather %max3A_161[%gather3A_166] in [0] : vector<16xf32>, vector<16xi32> -> vector<16xf32>
    %max3A_168 = arith.maximumf %max3A_161, %gather3A_167 : vector<16xf32>
    %scan3A_169 = arith.constant 0 : i32
    %scan3A_170 = arith.constant 0 : i32
    %scan3A_171 = arith.constant 32 : i32
    %scan3A_172 = arith.addi %scan3A_170, %scan3A_171 : i32
    %scan3A_173 = arith.constant 1 : i32
    scf.for %scan3A_183 = %scan3A_170 to %scan3A_172 step %scan3A_173  : i32 {
      %mul3A_184 = arith.constant 16 : i32
      %mul3A_185 = arith.muli %scan3A_183, %mul3A_184 : i32
      %add3A_186 = arith.constant 0 : i32
      %add3A_187 = arith.addi %mul3A_185, %add3A_186 : i32
      %mul3A_188 = arith.constant 16 : i32
      %mul3A_189 = arith.muli %add3A_187, %mul3A_188 : i32
      %get3A = arith.constant 3 : i32
      %get3A_190 = arith.index_cast %get3A : i32 to index
      %get3A_191 = arith.index_cast %mul3A_189 : i32 to index
      %get3A_192 = tpu.vector_load %arg4[%get3A_190, %get3A_191] {strides = array<i32>} : memref<4x8192xf32, #tpu.memory_space<vmem>>, vector<1x16xf32>,
      %get3A_193 = vector.shape_cast %get3A_192 : vector<1x16xf32> to vector<16xf32>
      %eq3A = arith.cmpf oeq, %get3A_193, %max3A_168 : vector<16xf32>
      %jit3A = arith.constant 1.000000e+00 : f32
      %jit3A_194 = arith.constant 0.000000e+00 : f32
      %broadcast_in_dim3A_195 = vector.broadcast %jit3A : f32 to vector<16xf32>
      %broadcast_in_dim3A_196 = vector.broadcast %jit3A_194 : f32 to vector<16xf32>
      %select_n3A = arith.select %eq3A, %broadcast_in_dim3A_195, %broadcast_in_dim3A_196 : vector<16xi1>, vector<16xf32>
      %swap3A = arith.constant 3 : i32
      %swap3A_197 = arith.index_cast %swap3A : i32 to index
      %swap3A_198 = arith.index_cast %mul3A_189 : i32 to index
      %swap3A_199 = tpu.vector_load %arg5[%swap3A_197, %swap3A_198] {strides = array<i32>} : memref<4x8192xf32, #tpu.memory_space<vmem>>, vector<1x16xf32>,
      %swap3A_200 = vector.shape_cast %swap3A_199 : vector<1x16xf32> to vector<16xf32>
      %swap3A_201 = vector.shape_cast %select_n3A : vector<16xf32> to vector<1x16xf32>
      tpu.vector_store %arg5[%swap3A_197, %swap3A_198], %swap3A_201 {strides = array<i32>} : memref<4x8192xf32, #tpu.memory_space<vmem>>, vector<1x16xf32>,
      %mul3A_202 = arith.constant 16 : i32
      %mul3A_203 = arith.muli %scan3A_183, %mul3A_202 : i32
      %add3A_204 = arith.constant 1 : i32
      %add3A_205 = arith.addi %mul3A_203, %add3A_204 : i32
      %mul3A_206 = arith.constant 16 : i32
      %mul3A_207 = arith.muli %add3A_205, %mul3A_206 : i32
      %get3A_208 = arith.constant 3 : i32
      %get3A_209 = arith.index_cast %get3A_208 : i32 to index
      %get3A_210 = arith.index_cast %mul3A_207 : i32 to index
      %get3A_211 = tpu.vector_load %arg4[%get3A_209, %get3A_210] {strides = array<i32>} : memref<4x8192xf32, #tpu.memory_space<vmem>>, vector<1x16xf32>,
      %get3A_212 = vector.shape_cast %get3A_211 : vector<1x16xf32> to vector<16xf32>
      %eq3A_213 = arith.cmpf oeq, %get3A_212, %max3A_168 : vector<16xf32>
      %jit3A_214 = arith.constant 1.000000e+00 : f32
      %jit3A_215 = arith.constant 0.000000e+00 : f32
      %broadcast_in_dim3A_216 = vector.broadcast %jit3A_214 : f32 to vector<16xf32>
      %broadcast_in_dim3A_217 = vector.broadcast %jit3A_215 : f32 to vector<16xf32>
      %select_n3A_218 = arith.select %eq3A_213, %broadcast_in_dim3A_216, %broadcast_in_dim3A_217 : vector<16xi1>, vector<16xf32>
      %swap3A_219 = arith.constant 3 : i32
      %swap3A_220 = arith.index_cast %swap3A_219 : i32 to index
      %swap3A_221 = arith.index_cast %mul3A_207 : i32 to index
      %swap3A_222 = tpu.vector_load %arg5[%swap3A_220, %swap3A_221] {strides = array<i32>} : memref<4x8192xf32, #tpu.memory_space<vmem>>, vector<1x16xf32>,
      %swap3A_223 = vector.shape_cast %swap3A_222 : vector<1x16xf32> to vector<16xf32>
      %swap3A_224 = vector.shape_cast %select_n3A_218 : vector<16xf32> to vector<1x16xf32>
      tpu.vector_store %arg5[%swap3A_220, %swap3A_221], %swap3A_224 {strides = array<i32>} : memref<4x8192xf32, #tpu.memory_space<vmem>>, vector<1x16xf32>,
      %mul3A_225 = arith.constant 16 : i32
      %mul3A_226 = arith.muli %scan3A_183, %mul3A_225 : i32
      %add3A_227 = arith.constant 2 : i32
      %add3A_228 = arith.addi %mul3A_226, %add3A_227 : i32
      %mul3A_229 = arith.constant 16 : i32
      %mul3A_230 = arith.muli %add3A_228, %mul3A_229 : i32
      %get3A_231 = arith.constant 3 : i32
      %get3A_232 = arith.index_cast %get3A_231 : i32 to index
      %get3A_233 = arith.index_cast %mul3A_230 : i32 to index
      %get3A_234 = tpu.vector_load %arg4[%get3A_232, %get3A_233] {strides = array<i32>} : memref<4x8192xf32, #tpu.memory_space<vmem>>, vector<1x16xf32>,
      %get3A_235 = vector.shape_cast %get3A_234 : vector<1x16xf32> to vector<16xf32>
      %eq3A_236 = arith.cmpf oeq, %get3A_235, %max3A_168 : vector<16xf32>
      %jit3A_237 = arith.constant 1.000000e+00 : f32
      %jit3A_238 = arith.constant 0.000000e+00 : f32
      %broadcast_in_dim3A_239 = vector.broadcast %jit3A_237 : f32 to vector<16xf32>
      %broadcast_in_dim3A_240 = vector.broadcast %jit3A_238 : f32 to vector<16xf32>
      %select_n3A_241 = arith.select %eq3A_236, %broadcast_in_dim3A_239, %broadcast_in_dim3A_240 : vector<16xi1>, vector<16xf32>
      %swap3A_242 = arith.constant 3 : i32
      %swap3A_243 = arith.index_cast %swap3A_242 : i32 to index
      %swap3A_244 = arith.index_cast %mul3A_230 : i32 to index
      %swap3A_245 = tpu.vector_load %arg5[%swap3A_243, %swap3A_244] {strides = array<i32>} : memref<4x8192xf32, #tpu.memory_space<vmem>>, vector<1x16xf32>,
      %swap3A_246 = vector.shape_cast %swap3A_245 : vector<1x16xf32> to vector<16xf32>
      %swap3A_247 = vector.shape_cast %select_n3A_241 : vector<16xf32> to vector<1x16xf32>
      tpu.vector_store %arg5[%swap3A_243, %swap3A_244], %swap3A_247 {strides = array<i32>} : memref<4x8192xf32, #tpu.memory_space<vmem>>, vector<1x16xf32>,
      %mul3A_248 = arith.constant 16 : i32
      %mul3A_249 = arith.muli %scan3A_183, %mul3A_248 : i32
      %add3A_250 = arith.constant 3 : i32
      %add3A_251 = arith.addi %mul3A_249, %add3A_250 : i32
      %mul3A_252 = arith.constant 16 : i32
      %mul3A_253 = arith.muli %add3A_251, %mul3A_252 : i32
      %get3A_254 = arith.constant 3 : i32
      %get3A_255 = arith.index_cast %get3A_254 : i32 to index
      %get3A_256 = arith.index_cast %mul3A_253 : i32 to index
      %get3A_257 = tpu.vector_load %arg4[%get3A_255, %get3A_256] {strides = array<i32>} : memref<4x8192xf32, #tpu.memory_space<vmem>>, vector<1x16xf32>,
      %get3A_258 = vector.shape_cast %get3A_257 : vector<1x16xf32> to vector<16xf32>
      %eq3A_259 = arith.cmpf oeq, %get3A_258, %max3A_168 : vector<16xf32>
      %jit3A_260 = arith.constant 1.000000e+00 : f32
      %jit3A_261 = arith.constant 0.000000e+00 : f32
      %broadcast_in_dim3A_262 = vector.broadcast %jit3A_260 : f32 to vector<16xf32>
      %broadcast_in_dim3A_263 = vector.broadcast %jit3A_261 : f32 to vector<16xf32>
      %select_n3A_264 = arith.select %eq3A_259, %broadcast_in_dim3A_262, %broadcast_in_dim3A_263 : vector<16xi1>, vector<16xf32>
      %swap3A_265 = arith.constant 3 : i32
      %swap3A_266 = arith.index_cast %swap3A_265 : i32 to index
      %swap3A_267 = arith.index_cast %mul3A_253 : i32 to index
      %swap3A_268 = tpu.vector_load %arg5[%swap3A_266, %swap3A_267] {strides = array<i32>} : memref<4x8192xf32, #tpu.memory_space<vmem>>, vector<1x16xf32>,
      %swap3A_269 = vector.shape_cast %swap3A_268 : vector<1x16xf32> to vector<16xf32>
      %swap3A_270 = vector.shape_cast %select_n3A_264 : vector<16xf32> to vector<1x16xf32>
      tpu.vector_store %arg5[%swap3A_266, %swap3A_267], %swap3A_270 {strides = array<i32>} : memref<4x8192xf32, #tpu.memory_space<vmem>>, vector<1x16xf32>,
      %mul3A_271 = arith.constant 16 : i32
      %mul3A_272 = arith.muli %scan3A_183, %mul3A_271 : i32
      %add3A_273 = arith.constant 4 : i32
      %add3A_274 = arith.addi %mul3A_272, %add3A_273 : i32
      %mul3A_275 = arith.constant 16 : i32
      %mul3A_276 = arith.muli %add3A_274, %mul3A_275 : i32
      %get3A_277 = arith.constant 3 : i32
      %get3A_278 = arith.index_cast %get3A_277 : i32 to index
      %get3A_279 = arith.index_cast %mul3A_276 : i32 to index
      %get3A_280 = tpu.vector_load %arg4[%get3A_278, %get3A_279] {strides = array<i32>} : memref<4x8192xf32, #tpu.memory_space<vmem>>, vector<1x16xf32>,
      %get3A_281 = vector.shape_cast %get3A_280 : vector<1x16xf32> to vector<16xf32>
      %eq3A_282 = arith.cmpf oeq, %get3A_281, %max3A_168 : vector<16xf32>
      %jit3A_283 = arith.constant 1.000000e+00 : f32
      %jit3A_284 = arith.constant 0.000000e+00 : f32
      %broadcast_in_dim3A_285 = vector.broadcast %jit3A_283 : f32 to vector<16xf32>
      %broadcast_in_dim3A_286 = vector.broadcast %jit3A_284 : f32 to vector<16xf32>
      %select_n3A_287 = arith.select %eq3A_282, %broadcast_in_dim3A_285, %broadcast_in_dim3A_286 : vector<16xi1>, vector<16xf32>
      %swap3A_288 = arith.constant 3 : i32
      %swap3A_289 = arith.index_cast %swap3A_288 : i32 to index
      %swap3A_290 = arith.index_cast %mul3A_276 : i32 to index
      %swap3A_291 = tpu.vector_load %arg5[%swap3A_289, %swap3A_290] {strides = array<i32>} : memref<4x8192xf32, #tpu.memory_space<vmem>>, vector<1x16xf32>,
      %swap3A_292 = vector.shape_cast %swap3A_291 : vector<1x16xf32> to vector<16xf32>
      %swap3A_293 = vector.shape_cast %select_n3A_287 : vector<16xf32> to vector<1x16xf32>
      tpu.vector_store %arg5[%swap3A_289, %swap3A_290], %swap3A_293 {strides = array<i32>} : memref<4x8192xf32, #tpu.memory_space<vmem>>, vector<1x16xf32>,
      %mul3A_294 = arith.constant 16 : i32
      %mul3A_295 = arith.muli %scan3A_183, %mul3A_294 : i32
      %add3A_296 = arith.constant 5 : i32
      %add3A_297 = arith.addi %mul3A_295, %add3A_296 : i32
      %mul3A_298 = arith.constant 16 : i32
      %mul3A_299 = arith.muli %add3A_297, %mul3A_298 : i32
      %get3A_300 = arith.constant 3 : i32
      %get3A_301 = arith.index_cast %get3A_300 : i32 to index
      %get3A_302 = arith.index_cast %mul3A_299 : i32 to index
      %get3A_303 = tpu.vector_load %arg4[%get3A_301, %get3A_302] {strides = array<i32>} : memref<4x8192xf32, #tpu.memory_space<vmem>>, vector<1x16xf32>,
      %get3A_304 = vector.shape_cast %get3A_303 : vector<1x16xf32> to vector<16xf32>
      %eq3A_305 = arith.cmpf oeq, %get3A_304, %max3A_168 : vector<16xf32>
      %jit3A_306 = arith.constant 1.000000e+00 : f32
      %jit3A_307 = arith.constant 0.000000e+00 : f32
      %broadcast_in_dim3A_308 = vector.broadcast %jit3A_306 : f32 to vector<16xf32>
      %broadcast_in_dim3A_309 = vector.broadcast %jit3A_307 : f32 to vector<16xf32>
      %select_n3A_310 = arith.select %eq3A_305, %broadcast_in_dim3A_308, %broadcast_in_dim3A_309 : vector<16xi1>, vector<16xf32>
      %swap3A_311 = arith.constant 3 : i32
      %swap3A_312 = arith.index_cast %swap3A_311 : i32 to index
      %swap3A_313 = arith.index_cast %mul3A_299 : i32 to index
      %swap3A_314 = tpu.vector_load %arg5[%swap3A_312, %swap3A_313] {strides = array<i32>} : memref<4x8192xf32, #tpu.memory_space<vmem>>, vector<1x16xf32>,
      %swap3A_315 = vector.shape_cast %swap3A_314 : vector<1x16xf32> to vector<16xf32>
      %swap3A_316 = vector.shape_cast %select_n3A_310 : vector<16xf32> to vector<1x16xf32>
      tpu.vector_store %arg5[%swap3A_312, %swap3A_313], %swap3A_316 {strides = array<i32>} : memref<4x8192xf32, #tpu.memory_space<vmem>>, vector<1x16xf32>,
      %mul3A_317 = arith.constant 16 : i32
      %mul3A_318 = arith.muli %scan3A_183, %mul3A_317 : i32
      %add3A_319 = arith.constant 6 : i32
      %add3A_320 = arith.addi %mul3A_318, %add3A_319 : i32
      %mul3A_321 = arith.constant 16 : i32
      %mul3A_322 = arith.muli %add3A_320, %mul3A_321 : i32
      %get3A_323 = arith.constant 3 : i32
      %get3A_324 = arith.index_cast %get3A_323 : i32 to index
      %get3A_325 = arith.index_cast %mul3A_322 : i32 to index
      %get3A_326 = tpu.vector_load %arg4[%get3A_324, %get3A_325] {strides = array<i32>} : memref<4x8192xf32, #tpu.memory_space<vmem>>, vector<1x16xf32>,
      %get3A_327 = vector.shape_cast %get3A_326 : vector<1x16xf32> to vector<16xf32>
      %eq3A_328 = arith.cmpf oeq, %get3A_327, %max3A_168 : vector<16xf32>
      %jit3A_329 = arith.constant 1.000000e+00 : f32
      %jit3A_330 = arith.constant 0.000000e+00 : f32
      %broadcast_in_dim3A_331 = vector.broadcast %jit3A_329 : f32 to vector<16xf32>
      %broadcast_in_dim3A_332 = vector.broadcast %jit3A_330 : f32 to vector<16xf32>
      %select_n3A_333 = arith.select %eq3A_328, %broadcast_in_dim3A_331, %broadcast_in_dim3A_332 : vector<16xi1>, vector<16xf32>
      %swap3A_334 = arith.constant 3 : i32
      %swap3A_335 = arith.index_cast %swap3A_334 : i32 to index
      %swap3A_336 = arith.index_cast %mul3A_322 : i32 to index
      %swap3A_337 = tpu.vector_load %arg5[%swap3A_335, %swap3A_336] {strides = array<i32>} : memref<4x8192xf32, #tpu.memory_space<vmem>>, vector<1x16xf32>,
      %swap3A_338 = vector.shape_cast %swap3A_337 : vector<1x16xf32> to vector<16xf32>
      %swap3A_339 = vector.shape_cast %select_n3A_333 : vector<16xf32> to vector<1x16xf32>
      tpu.vector_store %arg5[%swap3A_335, %swap3A_336], %swap3A_339 {strides = array<i32>} : memref<4x8192xf32, #tpu.memory_space<vmem>>, vector<1x16xf32>,
      %mul3A_340 = arith.constant 16 : i32
      %mul3A_341 = arith.muli %scan3A_183, %mul3A_340 : i32
      %add3A_342 = arith.constant 7 : i32
      %add3A_343 = arith.addi %mul3A_341, %add3A_342 : i32
      %mul3A_344 = arith.constant 16 : i32
      %mul3A_345 = arith.muli %add3A_343, %mul3A_344 : i32
      %get3A_346 = arith.constant 3 : i32
      %get3A_347 = arith.index_cast %get3A_346 : i32 to index
      %get3A_348 = arith.index_cast %mul3A_345 : i32 to index
      %get3A_349 = tpu.vector_load %arg4[%get3A_347, %get3A_348] {strides = array<i32>} : memref<4x8192xf32, #tpu.memory_space<vmem>>, vector<1x16xf32>,
      %get3A_350 = vector.shape_cast %get3A_349 : vector<1x16xf32> to vector<16xf32>
      %eq3A_351 = arith.cmpf oeq, %get3A_350, %max3A_168 : vector<16xf32>
      %jit3A_352 = arith.constant 1.000000e+00 : f32
      %jit3A_353 = arith.constant 0.000000e+00 : f32
      %broadcast_in_dim3A_354 = vector.broadcast %jit3A_352 : f32 to vector<16xf32>
      %broadcast_in_dim3A_355 = vector.broadcast %jit3A_353 : f32 to vector<16xf32>
      %select_n3A_356 = arith.select %eq3A_351, %broadcast_in_dim3A_354, %broadcast_in_dim3A_355 : vector<16xi1>, vector<16xf32>
      %swap3A_357 = arith.constant 3 : i32
      %swap3A_358 = arith.index_cast %swap3A_357 : i32 to index
      %swap3A_359 = arith.index_cast %mul3A_345 : i32 to index
      %swap3A_360 = tpu.vector_load %arg5[%swap3A_358, %swap3A_359] {strides = array<i32>} : memref<4x8192xf32, #tpu.memory_space<vmem>>, vector<1x16xf32>,
      %swap3A_361 = vector.shape_cast %swap3A_360 : vector<1x16xf32> to vector<16xf32>
      %swap3A_362 = vector.shape_cast %select_n3A_356 : vector<16xf32> to vector<1x16xf32>
      tpu.vector_store %arg5[%swap3A_358, %swap3A_359], %swap3A_362 {strides = array<i32>} : memref<4x8192xf32, #tpu.memory_space<vmem>>, vector<1x16xf32>,
      %mul3A_363 = arith.constant 16 : i32
      %mul3A_364 = arith.muli %scan3A_183, %mul3A_363 : i32
      %add3A_365 = arith.constant 8 : i32
      %add3A_366 = arith.addi %mul3A_364, %add3A_365 : i32
      %mul3A_367 = arith.constant 16 : i32
      %mul3A_368 = arith.muli %add3A_366, %mul3A_367 : i32
      %get3A_369 = arith.constant 3 : i32
      %get3A_370 = arith.index_cast %get3A_369 : i32 to index
      %get3A_371 = arith.index_cast %mul3A_368 : i32 to index
      %get3A_372 = tpu.vector_load %arg4[%get3A_370, %get3A_371] {strides = array<i32>} : memref<4x8192xf32, #tpu.memory_space<vmem>>, vector<1x16xf32>,
      %get3A_373 = vector.shape_cast %get3A_372 : vector<1x16xf32> to vector<16xf32>
      %eq3A_374 = arith.cmpf oeq, %get3A_373, %max3A_168 : vector<16xf32>
      %jit3A_375 = arith.constant 1.000000e+00 : f32
      %jit3A_376 = arith.constant 0.000000e+00 : f32
      %broadcast_in_dim3A_377 = vector.broadcast %jit3A_375 : f32 to vector<16xf32>
      %broadcast_in_dim3A_378 = vector.broadcast %jit3A_376 : f32 to vector<16xf32>
      %select_n3A_379 = arith.select %eq3A_374, %broadcast_in_dim3A_377, %broadcast_in_dim3A_378 : vector<16xi1>, vector<16xf32>
      %swap3A_380 = arith.constant 3 : i32
      %swap3A_381 = arith.index_cast %swap3A_380 : i32 to index
      %swap3A_382 = arith.index_cast %mul3A_368 : i32 to index
      %swap3A_383 = tpu.vector_load %arg5[%swap3A_381, %swap3A_382] {strides = array<i32>} : memref<4x8192xf32, #tpu.memory_space<vmem>>, vector<1x16xf32>,
      %swap3A_384 = vector.shape_cast %swap3A_383 : vector<1x16xf32> to vector<16xf32>
      %swap3A_385 = vector.shape_cast %select_n3A_379 : vector<16xf32> to vector<1x16xf32>
      tpu.vector_store %arg5[%swap3A_381, %swap3A_382], %swap3A_385 {strides = array<i32>} : memref<4x8192xf32, #tpu.memory_space<vmem>>, vector<1x16xf32>,
      %mul3A_386 = arith.constant 16 : i32
      %mul3A_387 = arith.muli %scan3A_183, %mul3A_386 : i32
      %add3A_388 = arith.constant 9 : i32
      %add3A_389 = arith.addi %mul3A_387, %add3A_388 : i32
      %mul3A_390 = arith.constant 16 : i32
      %mul3A_391 = arith.muli %add3A_389, %mul3A_390 : i32
      %get3A_392 = arith.constant 3 : i32
      %get3A_393 = arith.index_cast %get3A_392 : i32 to index
      %get3A_394 = arith.index_cast %mul3A_391 : i32 to index
      %get3A_395 = tpu.vector_load %arg4[%get3A_393, %get3A_394] {strides = array<i32>} : memref<4x8192xf32, #tpu.memory_space<vmem>>, vector<1x16xf32>,
      %get3A_396 = vector.shape_cast %get3A_395 : vector<1x16xf32> to vector<16xf32>
      %eq3A_397 = arith.cmpf oeq, %get3A_396, %max3A_168 : vector<16xf32>
      %jit3A_398 = arith.constant 1.000000e+00 : f32
      %jit3A_399 = arith.constant 0.000000e+00 : f32
      %broadcast_in_dim3A_400 = vector.broadcast %jit3A_398 : f32 to vector<16xf32>
      %broadcast_in_dim3A_401 = vector.broadcast %jit3A_399 : f32 to vector<16xf32>
      %select_n3A_402 = arith.select %eq3A_397, %broadcast_in_dim3A_400, %broadcast_in_dim3A_401 : vector<16xi1>, vector<16xf32>
      %swap3A_403 = arith.constant 3 : i32
      %swap3A_404 = arith.index_cast %swap3A_403 : i32 to index
      %swap3A_405 = arith.index_cast %mul3A_391 : i32 to index
      %swap3A_406 = tpu.vector_load %arg5[%swap3A_404, %swap3A_405] {strides = array<i32>} : memref<4x8192xf32, #tpu.memory_space<vmem>>, vector<1x16xf32>,
      %swap3A_407 = vector.shape_cast %swap3A_406 : vector<1x16xf32> to vector<16xf32>
      %swap3A_408 = vector.shape_cast %select_n3A_402 : vector<16xf32> to vector<1x16xf32>
      tpu.vector_store %arg5[%swap3A_404, %swap3A_405], %swap3A_408 {strides = array<i32>} : memref<4x8192xf32, #tpu.memory_space<vmem>>, vector<1x16xf32>,
      %mul3A_409 = arith.constant 16 : i32
      %mul3A_410 = arith.muli %scan3A_183, %mul3A_409 : i32
      %add3A_411 = arith.constant 10 : i32
      %add3A_412 = arith.addi %mul3A_410, %add3A_411 : i32
      %mul3A_413 = arith.constant 16 : i32
      %mul3A_414 = arith.muli %add3A_412, %mul3A_413 : i32
      %get3A_415 = arith.constant 3 : i32
      %get3A_416 = arith.index_cast %get3A_415 : i32 to index
      %get3A_417 = arith.index_cast %mul3A_414 : i32 to index
      %get3A_418 = tpu.vector_load %arg4[%get3A_416, %get3A_417] {strides = array<i32>} : memref<4x8192xf32, #tpu.memory_space<vmem>>, vector<1x16xf32>,
      %get3A_419 = vector.shape_cast %get3A_418 : vector<1x16xf32> to vector<16xf32>
      %eq3A_420 = arith.cmpf oeq, %get3A_419, %max3A_168 : vector<16xf32>
      %jit3A_421 = arith.constant 1.000000e+00 : f32
      %jit3A_422 = arith.constant 0.000000e+00 : f32
      %broadcast_in_dim3A_423 = vector.broadcast %jit3A_421 : f32 to vector<16xf32>
      %broadcast_in_dim3A_424 = vector.broadcast %jit3A_422 : f32 to vector<16xf32>
      %select_n3A_425 = arith.select %eq3A_420, %broadcast_in_dim3A_423, %broadcast_in_dim3A_424 : vector<16xi1>, vector<16xf32>
      %swap3A_426 = arith.constant 3 : i32
      %swap3A_427 = arith.index_cast %swap3A_426 : i32 to index
      %swap3A_428 = arith.index_cast %mul3A_414 : i32 to index
      %swap3A_429 = tpu.vector_load %arg5[%swap3A_427, %swap3A_428] {strides = array<i32>} : memref<4x8192xf32, #tpu.memory_space<vmem>>, vector<1x16xf32>,
      %swap3A_430 = vector.shape_cast %swap3A_429 : vector<1x16xf32> to vector<16xf32>
      %swap3A_431 = vector.shape_cast %select_n3A_425 : vector<16xf32> to vector<1x16xf32>
      tpu.vector_store %arg5[%swap3A_427, %swap3A_428], %swap3A_431 {strides = array<i32>} : memref<4x8192xf32, #tpu.memory_space<vmem>>, vector<1x16xf32>,
      %mul3A_432 = arith.constant 16 : i32
      %mul3A_433 = arith.muli %scan3A_183, %mul3A_432 : i32
      %add3A_434 = arith.constant 11 : i32
      %add3A_435 = arith.addi %mul3A_433, %add3A_434 : i32
      %mul3A_436 = arith.constant 16 : i32
      %mul3A_437 = arith.muli %add3A_435, %mul3A_436 : i32
      %get3A_438 = arith.constant 3 : i32
      %get3A_439 = arith.index_cast %get3A_438 : i32 to index
      %get3A_440 = arith.index_cast %mul3A_437 : i32 to index
      %get3A_441 = tpu.vector_load %arg4[%get3A_439, %get3A_440] {strides = array<i32>} : memref<4x8192xf32, #tpu.memory_space<vmem>>, vector<1x16xf32>,
      %get3A_442 = vector.shape_cast %get3A_441 : vector<1x16xf32> to vector<16xf32>
      %eq3A_443 = arith.cmpf oeq, %get3A_442, %max3A_168 : vector<16xf32>
      %jit3A_444 = arith.constant 1.000000e+00 : f32
      %jit3A_445 = arith.constant 0.000000e+00 : f32
      %broadcast_in_dim3A_446 = vector.broadcast %jit3A_444 : f32 to vector<16xf32>
      %broadcast_in_dim3A_447 = vector.broadcast %jit3A_445 : f32 to vector<16xf32>
      %select_n3A_448 = arith.select %eq3A_443, %broadcast_in_dim3A_446, %broadcast_in_dim3A_447 : vector<16xi1>, vector<16xf32>
      %swap3A_449 = arith.constant 3 : i32
      %swap3A_450 = arith.index_cast %swap3A_449 : i32 to index
      %swap3A_451 = arith.index_cast %mul3A_437 : i32 to index
      %swap3A_452 = tpu.vector_load %arg5[%swap3A_450, %swap3A_451] {strides = array<i32>} : memref<4x8192xf32, #tpu.memory_space<vmem>>, vector<1x16xf32>,
      %swap3A_453 = vector.shape_cast %swap3A_452 : vector<1x16xf32> to vector<16xf32>
      %swap3A_454 = vector.shape_cast %select_n3A_448 : vector<16xf32> to vector<1x16xf32>
      tpu.vector_store %arg5[%swap3A_450, %swap3A_451], %swap3A_454 {strides = array<i32>} : memref<4x8192xf32, #tpu.memory_space<vmem>>, vector<1x16xf32>,
      %mul3A_455 = arith.constant 16 : i32
      %mul3A_456 = arith.muli %scan3A_183, %mul3A_455 : i32
      %add3A_457 = arith.constant 12 : i32
      %add3A_458 = arith.addi %mul3A_456, %add3A_457 : i32
      %mul3A_459 = arith.constant 16 : i32
      %mul3A_460 = arith.muli %add3A_458, %mul3A_459 : i32
      %get3A_461 = arith.constant 3 : i32
      %get3A_462 = arith.index_cast %get3A_461 : i32 to index
      %get3A_463 = arith.index_cast %mul3A_460 : i32 to index
      %get3A_464 = tpu.vector_load %arg4[%get3A_462, %get3A_463] {strides = array<i32>} : memref<4x8192xf32, #tpu.memory_space<vmem>>, vector<1x16xf32>,
      %get3A_465 = vector.shape_cast %get3A_464 : vector<1x16xf32> to vector<16xf32>
      %eq3A_466 = arith.cmpf oeq, %get3A_465, %max3A_168 : vector<16xf32>
      %jit3A_467 = arith.constant 1.000000e+00 : f32
      %jit3A_468 = arith.constant 0.000000e+00 : f32
      %broadcast_in_dim3A_469 = vector.broadcast %jit3A_467 : f32 to vector<16xf32>
      %broadcast_in_dim3A_470 = vector.broadcast %jit3A_468 : f32 to vector<16xf32>
      %select_n3A_471 = arith.select %eq3A_466, %broadcast_in_dim3A_469, %broadcast_in_dim3A_470 : vector<16xi1>, vector<16xf32>
      %swap3A_472 = arith.constant 3 : i32
      %swap3A_473 = arith.index_cast %swap3A_472 : i32 to index
      %swap3A_474 = arith.index_cast %mul3A_460 : i32 to index
      %swap3A_475 = tpu.vector_load %arg5[%swap3A_473, %swap3A_474] {strides = array<i32>} : memref<4x8192xf32, #tpu.memory_space<vmem>>, vector<1x16xf32>,
      %swap3A_476 = vector.shape_cast %swap3A_475 : vector<1x16xf32> to vector<16xf32>
      %swap3A_477 = vector.shape_cast %select_n3A_471 : vector<16xf32> to vector<1x16xf32>
      tpu.vector_store %arg5[%swap3A_473, %swap3A_474], %swap3A_477 {strides = array<i32>} : memref<4x8192xf32, #tpu.memory_space<vmem>>, vector<1x16xf32>,
      %mul3A_478 = arith.constant 16 : i32
      %mul3A_479 = arith.muli %scan3A_183, %mul3A_478 : i32
      %add3A_480 = arith.constant 13 : i32
      %add3A_481 = arith.addi %mul3A_479, %add3A_480 : i32
      %mul3A_482 = arith.constant 16 : i32
      %mul3A_483 = arith.muli %add3A_481, %mul3A_482 : i32
      %get3A_484 = arith.constant 3 : i32
      %get3A_485 = arith.index_cast %get3A_484 : i32 to index
      %get3A_486 = arith.index_cast %mul3A_483 : i32 to index
      %get3A_487 = tpu.vector_load %arg4[%get3A_485, %get3A_486] {strides = array<i32>} : memref<4x8192xf32, #tpu.memory_space<vmem>>, vector<1x16xf32>,
      %get3A_488 = vector.shape_cast %get3A_487 : vector<1x16xf32> to vector<16xf32>
      %eq3A_489 = arith.cmpf oeq, %get3A_488, %max3A_168 : vector<16xf32>
      %jit3A_490 = arith.constant 1.000000e+00 : f32
      %jit3A_491 = arith.constant 0.000000e+00 : f32
      %broadcast_in_dim3A_492 = vector.broadcast %jit3A_490 : f32 to vector<16xf32>
      %broadcast_in_dim3A_493 = vector.broadcast %jit3A_491 : f32 to vector<16xf32>
      %select_n3A_494 = arith.select %eq3A_489, %broadcast_in_dim3A_492, %broadcast_in_dim3A_493 : vector<16xi1>, vector<16xf32>
      %swap3A_495 = arith.constant 3 : i32
      %swap3A_496 = arith.index_cast %swap3A_495 : i32 to index
      %swap3A_497 = arith.index_cast %mul3A_483 : i32 to index
      %swap3A_498 = tpu.vector_load %arg5[%swap3A_496, %swap3A_497] {strides = array<i32>} : memref<4x8192xf32, #tpu.memory_space<vmem>>, vector<1x16xf32>,
      %swap3A_499 = vector.shape_cast %swap3A_498 : vector<1x16xf32> to vector<16xf32>
      %swap3A_500 = vector.shape_cast %select_n3A_494 : vector<16xf32> to vector<1x16xf32>
      tpu.vector_store %arg5[%swap3A_496, %swap3A_497], %swap3A_500 {strides = array<i32>} : memref<4x8192xf32, #tpu.memory_space<vmem>>, vector<1x16xf32>,
      %mul3A_501 = arith.constant 16 : i32
      %mul3A_502 = arith.muli %scan3A_183, %mul3A_501 : i32
      %add3A_503 = arith.constant 14 : i32
      %add3A_504 = arith.addi %mul3A_502, %add3A_503 : i32
      %mul3A_505 = arith.constant 16 : i32
      %mul3A_506 = arith.muli %add3A_504, %mul3A_505 : i32
      %get3A_507 = arith.constant 3 : i32
      %get3A_508 = arith.index_cast %get3A_507 : i32 to index
      %get3A_509 = arith.index_cast %mul3A_506 : i32 to index
      %get3A_510 = tpu.vector_load %arg4[%get3A_508, %get3A_509] {strides = array<i32>} : memref<4x8192xf32, #tpu.memory_space<vmem>>, vector<1x16xf32>,
      %get3A_511 = vector.shape_cast %get3A_510 : vector<1x16xf32> to vector<16xf32>
      %eq3A_512 = arith.cmpf oeq, %get3A_511, %max3A_168 : vector<16xf32>
      %jit3A_513 = arith.constant 1.000000e+00 : f32
      %jit3A_514 = arith.constant 0.000000e+00 : f32
      %broadcast_in_dim3A_515 = vector.broadcast %jit3A_513 : f32 to vector<16xf32>
      %broadcast_in_dim3A_516 = vector.broadcast %jit3A_514 : f32 to vector<16xf32>
      %select_n3A_517 = arith.select %eq3A_512, %broadcast_in_dim3A_515, %broadcast_in_dim3A_516 : vector<16xi1>, vector<16xf32>
      %swap3A_518 = arith.constant 3 : i32
      %swap3A_519 = arith.index_cast %swap3A_518 : i32 to index
      %swap3A_520 = arith.index_cast %mul3A_506 : i32 to index
      %swap3A_521 = tpu.vector_load %arg5[%swap3A_519, %swap3A_520] {strides = array<i32>} : memref<4x8192xf32, #tpu.memory_space<vmem>>, vector<1x16xf32>,
      %swap3A_522 = vector.shape_cast %swap3A_521 : vector<1x16xf32> to vector<16xf32>
      %swap3A_523 = vector.shape_cast %select_n3A_517 : vector<16xf32> to vector<1x16xf32>
      tpu.vector_store %arg5[%swap3A_519, %swap3A_520], %swap3A_523 {strides = array<i32>} : memref<4x8192xf32, #tpu.memory_space<vmem>>, vector<1x16xf32>,
      %mul3A_524 = arith.constant 16 : i32
      %mul3A_525 = arith.muli %scan3A_183, %mul3A_524 : i32
      %add3A_526 = arith.constant 15 : i32
      %add3A_527 = arith.addi %mul3A_525, %add3A_526 : i32
      %mul3A_528 = arith.constant 16 : i32
      %mul3A_529 = arith.muli %add3A_527, %mul3A_528 : i32
      %get3A_530 = arith.constant 3 : i32
      %get3A_531 = arith.index_cast %get3A_530 : i32 to index
      %get3A_532 = arith.index_cast %mul3A_529 : i32 to index
      %get3A_533 = tpu.vector_load %arg4[%get3A_531, %get3A_532] {strides = array<i32>} : memref<4x8192xf32, #tpu.memory_space<vmem>>, vector<1x16xf32>,
      %get3A_534 = vector.shape_cast %get3A_533 : vector<1x16xf32> to vector<16xf32>
      %eq3A_535 = arith.cmpf oeq, %get3A_534, %max3A_168 : vector<16xf32>
      %jit3A_536 = arith.constant 1.000000e+00 : f32
      %jit3A_537 = arith.constant 0.000000e+00 : f32
      %broadcast_in_dim3A_538 = vector.broadcast %jit3A_536 : f32 to vector<16xf32>
      %broadcast_in_dim3A_539 = vector.broadcast %jit3A_537 : f32 to vector<16xf32>
      %select_n3A_540 = arith.select %eq3A_535, %broadcast_in_dim3A_538, %broadcast_in_dim3A_539 : vector<16xi1>, vector<16xf32>
      %swap3A_541 = arith.constant 3 : i32
      %swap3A_542 = arith.index_cast %swap3A_541 : i32 to index
      %swap3A_543 = arith.index_cast %mul3A_529 : i32 to index
      %swap3A_544 = tpu.vector_load %arg5[%swap3A_542, %swap3A_543] {strides = array<i32>} : memref<4x8192xf32, #tpu.memory_space<vmem>>, vector<1x16xf32>,
      %swap3A_545 = vector.shape_cast %swap3A_544 : vector<1x16xf32> to vector<16xf32>
      %swap3A_546 = vector.shape_cast %select_n3A_540 : vector<16xf32> to vector<1x16xf32>
      tpu.vector_store %arg5[%swap3A_542, %swap3A_543], %swap3A_546 {strides = array<i32>} : memref<4x8192xf32, #tpu.memory_space<vmem>>, vector<1x16xf32>,
    }
    %scan3A_174 = arith.constant 32 : i32
    %dma_start3A_175 = arith.constant 0 : i32
    %dma_start3A_176 = tpu.memref_slice %arg3[%mul3A_2, %dma_start3A_175] : memref<128x8192xf32, #tpu.memory_space<hbm>> -> memref<4x8192xf32, #tpu.memory_space<hbm>>
    %dma_start3A_177 = arith.constant 0 : i32
    %dma_start3A_178 = tpu.memref_slice %arg3[%mul3A_2, %dma_start3A_177] : memref<128x8192xf32, #tpu.memory_space<hbm>> -> memref<4x8192xf32, #tpu.memory_space<hbm>>
    tpu.enqueue_dma source(%arg5 : memref<4x8192xf32, #tpu.memory_space<vmem>>) target(%dma_start3A_178 : memref<4x8192xf32, #tpu.memory_space<hbm>>) target_semaphore(%arg6 : memref<!tpu.dma_semaphore, #tpu.memory_space<semaphore_mem>>)
    %dma_wait3A_179 = arith.constant 0 : i32
    %dma_wait3A_180 = tpu.memref_slice %arg3[%mul3A_2, %dma_wait3A_179] : memref<128x8192xf32, #tpu.memory_space<hbm>> -> memref<4x8192xf32, #tpu.memory_space<hbm>>
    %dma_wait3A_181 = arith.constant 0 : i32
    %dma_wait3A_182 = tpu.memref_slice %arg3[%mul3A_2, %dma_wait3A_181] : memref<128x8192xf32, #tpu.memory_space<hbm>> -> memref<4x8192xf32, #tpu.memory_space<hbm>>
    tpu.wait_dma2 semaphore(%arg6 : memref<!tpu.dma_semaphore, #tpu.memory_space<semaphore_mem>>) src(%arg5 : memref<4x8192xf32, #tpu.memory_space<vmem>>) dst(%dma_wait3A_182 : memref<4x8192xf32, #tpu.memory_space<hbm>>)
    return
  }
}

</mosaic_0001>

<sc_bundles>
// kernel: kernel.3.cloned.1.call-start
scs
__scs_entry_jumppad:
0x0: {  	(pc) =	sbr.rel $0x88, $3  }
0x1: {  	(tag) =	ssettag $0x0;
	lr =	simm.s32 $0x1  }
0x2: {  	[smem:$0x3FA0] =	sst lr;
	_ =	strace $0xD0000000  }
0x3: {  	_ = 	snop  }
0x4: {  	_ = 	snop  }
0x5: {  	_ = 	snop  }
0x6: {  	_ = 	snop  }
0x7: {  	_ = 	snop  }
__scs_overlays_trampoline_lowered:
0x8: {  	[smem:$0x3FAF] =	sst s0  }
0x9: {  	[smem:$0x3FB0] =	sst s1  }
0xa: {  	[smem:$0x3FB1] =	sst s2  }
0xb: {  	[smem:$0x3FB2] =	sst s3  }
0xc: {  	[smem:$0x3FB3] =	sst s4  }
0xd: {  	[smem:$0x3FB4] =	sst s5  }
0xe: {  	[smem:$0x3FB5] =	sst s6  }
0xf: {  	[smem:$0x3FB6] =	sst s7  }
0x10: {  	[smem:$0x3FB7] =	sst s8  }
0x11: {  	[smem:$0x3FB8] =	sst s9;
	s0 =	simm.s32 @!p0 $0x0  }
0x12: {  	s1 =	sld [smem:$0x3F9E];
	s0 =	simm.s32 @p0 $0x1  }
0x13: {  	[smem:$0x3FB9] =	sst s0;
	s0 =	simm.s32 @!p1 $0x0  }
0x14: {  	s2 =	sld [smem:$0x3F9D];
	s0 =	simm.s32 @p1 $0x1  }
0x15: {  	[smem:$0x3FBA] =	sst s0;
	s0 =	simm.s32 @!p2 $0x0  }
0x16: {  	s3 =	sld [smem:$0x3FDB];
	s0 =	simm.s32 @p2 $0x1  }
0x17: {  	s4 =	simm.s32 $0x1BF5;
	[smem:$0x3FBC] =	sst s0  }
0x18: {  	s0 =	sld [smem:$0x3F9F];
	_ =	swait.ge [sflag:s4], $0x0  }
0x19: {  	s7 =	sld [smem:$0x3FA0]  }
0x1a: {  	s8 =	sadd.s32 $0xFFFFE003, lr  }
0x1b: {  	s9 =	sadd.s32 $0xFFFFFEF7, lr;
	s5 =	simm.s32 $0xFFFFFFFF;
	p2 =	slt.u32 s8, $0xFFFFF086  }
0x1c: {  	p1 =	slt.u32 s9, $0xF7A;
	s5 =	simm.s32 @!p2 $0x0  }
0x1d: {  	s5 =	simm.s32 @p1 $0x1;
	p0 =	seq.s32 s7, s2  }
0x1e: {  	s7 =	smul.u32 @!p0 $0xF7A, s2;
	p2 =	seq.s32 @!p0 s5, $0x0  }
0x1f: {  	s9 =	smul.u32 $0xF7A, s1;
	s8 =	simm.s32 @!p0 $0x1BF5;
	p2 =	por !p2, p0  }
0x20: {  	[sflag:s8] =	ssyncset.s32 @!p0 $0xFFFFF086;
	s6 =	sadd.s32 @!p0 s3, s7;
	s7 =	simm.s32 @!p0 $0x108  }
0x21: {  	s3 =	sadd.s32 s3, s9;
	s6 =	sadd.s32 @!p0 $0x88, s6;
	s7 =	simm.s32 @p2 $0x1082  }
0x22: {  	[simem:s7], [sflag:s8] =	dma.local @!p0 [hbm:s6], $0xF7A  }
0x23: {  	s9 =	sor.u32 $0xD0000000, s2;
	s6 =	simm.s32 $0x108;
	_ =	swait.ge @!p0 [sflag:s8], $0x0  }
0x24: {  	s3 =	sadd.s32 $0x88, s3;
	s6 =	simm.s32 @!p1 $0x1082;
	[sflag:s4] =	ssyncset.s32 $0xFFFFF086  }
0x25: {  	[simem:s6], [sflag:s4] =	dma.local [hbm:s3], $0xF7A  }
0x26: {  	[smem:$0x3FA0] =	sst s1;
	(tag) =	ssettag s2;
	_ =	strace s9  }
0x27: {  	s1 =	sld [smem:$0x3FB0]  }
0x28: {  	s2 =	sld [smem:$0x3FB1]  }
0x29: {  	s4 =	sld [smem:$0x3FB3]  }
0x2a: {  	p0 =	seq.s32 s5, $0x0;
	s5 =	sld [smem:$0x3FB4]  }
0x2b: {  	s6 =	sld [smem:$0x3FB5]  }
0x2c: {  	s7 =	sld [smem:$0x3FB6]  }
0x2d: {  	s3 =	simm.s32 $0x108;
	s8 =	sld [smem:$0x3FB7]  }
0x2e: {  	s3 =	simm.s32 @!p0 $0x1082;
	s9 =	sld [smem:$0x3FB8]  }
0x2f: {  	lr =	sadd.s32 s0, s3;
	s0 =	sld [smem:$0x3FAF]  }
0x30: {  	s3 =	sld [smem:$0x3FB2]  }
0x31: {  	[smem:$0x3FBB] =	sst s10  }
0x32: {  	s10 =	sld [smem:$0x3FB9];
	_ =	sdelay $0x3  }
0x33: {  	p0 =	seq.s32 s10, $0x1;
	s10 =	sld [smem:$0x3FBB];
	_ =	sdelay $0x3  }
0x34: {  	[smem:$0x3FBB] =	sst s10  }
0x35: {  	s10 =	sld [smem:$0x3FBA];
	_ =	sdelay $0x3  }
0x36: {  	p1 =	seq.s32 s10, $0x1;
	s10 =	sld [smem:$0x3FBB];
	_ =	sdelay $0x3  }
0x37: {  	[smem:$0x3FBB] =	sst s10  }
0x38: {  	s10 =	sld [smem:$0x3FBC]  }
0x39: {  	_ = 	snop;
	(pc) =	sbr.ind lr, $3  }
0x3a: {  	_ = 	snop  }
0x3b: {  	_ = 	snop  }
0x3c: {  	p2 =	seq.s32 s10, $0x1;
	s10 =	sld [smem:$0x3FBB]  }
0x3d: {  	_ =	shalt  }
0x3e: {  	_ =	shalt  }
0x3f: {  	_ =	shalt  }
0x40: {  	_ =	shalt  }
0x41: {  	_ =	shalt  }
0x42: {  	_ =	shalt  }
0x43: {  	_ =	shalt  }
0x44: {  	_ =	shalt  }
0x45: {  	_ =	shalt  }
0x46: {  	_ =	shalt  }
0x47: {  	_ =	shalt  }
0x48: {  	_ =	shalt  }
0x49: {  	_ =	shalt  }
0x4a: {  	_ =	shalt  }
0x4b: {  	_ =	shalt  }
0x4c: {  	_ =	shalt  }
0x4d: {  	_ =	shalt  }
0x4e: {  	_ =	shalt  }
0x4f: {  	_ =	shalt  }
0x50: {  	_ =	shalt  }
0x51: {  	_ =	shalt  }
0x52: {  	_ =	shalt  }
0x53: {  	_ =	shalt  }
0x54: {  	_ =	shalt  }
0x55: {  	_ =	shalt  }
0x56: {  	_ =	shalt  }
0x57: {  	_ =	shalt  }
0x58: {  	_ =	shalt  }
0x59: {  	_ =	shalt  }
0x5a: {  	_ =	shalt  }
0x5b: {  	_ =	shalt  }
0x5c: {  	_ =	shalt  }
0x5d: {  	_ =	shalt  }
0x5e: {  	_ =	shalt  }
0x5f: {  	_ =	shalt  }
0x60: {  	_ =	shalt  }
0x61: {  	_ =	shalt  }
0x62: {  	_ =	shalt  }
0x63: {  	_ =	shalt  }
0x64: {  	_ =	shalt  }
0x65: {  	_ =	shalt  }
0x66: {  	_ =	shalt  }
0x67: {  	_ =	shalt  }
0x68: {  	_ =	shalt  }
0x69: {  	_ =	shalt  }
0x6a: {  	_ =	shalt  }
0x6b: {  	_ =	shalt  }
0x6c: {  	_ =	shalt  }
0x6d: {  	_ =	shalt  }
0x6e: {  	_ =	shalt  }
0x6f: {  	_ =	shalt  }
0x70: {  	_ =	shalt  }
0x71: {  	_ =	shalt  }
0x72: {  	_ =	shalt  }
0x73: {  	_ =	shalt  }
0x74: {  	_ =	shalt  }
0x75: {  	_ =	shalt  }
0x76: {  	_ =	shalt  }
0x77: {  	_ =	shalt  }
0x78: {  	_ =	shalt  }
0x79: {  	_ =	shalt  }
0x7a: {  	_ =	shalt  }
0x7b: {  	_ =	shalt  }
0x7c: {  	_ =	shalt  }
0x7d: {  	_ =	shalt  }
0x7e: {  	_ =	shalt  }
0x7f: {  	_ =	shalt  }
0x80: {  	_ =	shalt  }
0x81: {  	_ =	shalt  }
0x82: {  	_ =	shalt  }
0x83: {  	_ =	shalt  }
0x84: {  	_ =	shalt  }
0x85: {  	_ =	shalt  }
0x86: {  	_ =	shalt  }
0x87: {  	_ =	shalt  }
.Lfunc_end0:
.L_simem_size_0:
called_computation_lowered:
.L_overlay_start_0:
0x88: {  	s2 =	sld [smem:$0x3FD9]  }
0x89: {  	s3 =	sld [smem:$0x3FFE];
	_ =	sdelay $0x1  }
0x8a: {  	s1 =	srdreg.scid  }
0x8b: {  	s0 =	sand.u32 $0x1, s1  }
0x8c: {  	s18 =	sshll.u32 s0, $0xA;
	s2 =	sadd.s32 s3, s2  }
0x8d: {  	s2 =	sadd.s32 s2, s18  }
0x8e: {  	[smem:$0x3FC7] =	sst s2  }
0x8f: {  	_ = 	snop  }
0x90: {  	s2 =	sld [smem:$0x3FC9]  }
0x91: {  	s19 =	sld [smem:$0x3FD0];
	(tm) =	ssettm $0x1  }
0x92: {  	s4 =	sld [smem:$0x3FFB];
	_ =	sdelay $0x3  }
0x93: {  	_ =	strace s4  }
0x94: {  	s4 =	sld [smem:$0x3FFC];
	_ =	sdelay $0x3  }
0x95: {  	_ =	strace s4  }
0x96: {  	s4 =	sld [smem:$0x3FFD];
	_ =	sdelay $0x3  }
0x97: {  	_ =	strace s4  }
0x98: {  	_ =	strace $0x8FFFFFFF  }
0x99: {  	s20 =	sld [smem:$0x3FDB];
	_ =	sdelay $0x1  }
0x9a: {  	s5 =	simm.s32 $_scs_section_size  }
0x9b: {  	s6 =	simm.s32 $_size__tile_overlayer_lowered;
	s7 =	simm.s32 $_tile_overlayer_lowered  }
0x9c: {  	s23 =	simm.s32 $0x1BFF;
	s22 =	sshll.u32 s7, $0x1;
	s4 =	sadd.s32 s5, s20  }
0x9d: {  	s8 =	simm.s32 $0x0;
	s21 =	sshll.u32 s6, $0x1;
	s6 =	sadd.s32 s22, s4  }
0x9e: {  	[timem:s8], [sflag:s23] =	dma.local [hbm:s6], s21  }
0x9f: {  	_ =	swait.ge [sflag:s23], s21  }
0xa0: {  	s5 =	ssub.s32 $0x0, s21;
	[sflag:s23] =	ssyncset.done $0x0  }
0xa1: {  	[sflag:s23] =	ssyncadd.s32 s5;
	_ =	sdelay $0x1  }
0xa2: {  	s24 =	simm.s32 $0x1B8B  }
0xa3: {  	_ =	swait.ge [sflag:s24], $0x1  }
0xa4: {  	[sflag:s24] =	ssyncset.done $0x0  }
0xa5: {  	s25 =	simm.s32 $0x1B8E;
	[sflag:s24] =	ssyncadd.s32 $0xFFFFFFFF  }
0xa6: {  	s26 =	simm.s32 $execute0_lowered;
	[smem:$0x3FD2] =	sst s25  }
0xa7: {  	s5 =	sshll.u32 s26, $0x1;
	_ =	strace $0x80000046;
	[dreg:$0x1] =	wrdreg $0xFFFFFFFF  }
0xa8: {  	s28 =	simm.s32 $_size_execute0_lowered;
	s4 =	sadd.s32 s4, s5;
	[dreg:$0x0] =	wrdreg $0x0  }
0xa9: {  	s5 =	sshll.u32 s28, $0x1;
	[dreg:$0x2] =	wrdreg s4  }
0xaa: {  	[dreg:$0x3] =	wrdreg s5  }
0xab: {  	[dreg:$0x4] =	wrdreg $0xC0  }
0xac: {  	_ =	task [dreg:s8], $0x5FFFF  }
0xad: {  	[dreg:$0x1] =	wrdreg $0xFFFFFFFF  }
0xae: {  	[dreg:$0x0] =	wrdreg $0x60  }
0xaf: {  	[dreg:$0x2] =	wrdreg s2  }
0xb0: {  	[dreg:$0x3] =	wrdreg s19  }
0xb1: {  	[dreg:$0x4] =	wrdreg $0x9  }
0xb2: {  	_ =	task.clear_ibuf [dreg:s8], $0x5FFFF;
	_ =	strace $0x90000046  }
0xb3: {  	s29 =	simm.s32 $0x9;
	_ =	strace $0x80000048  }
0xb4: {  	_ =	swait.ge [sflag:s29], $0x1  }
0xb5: {  	[sflag:s29] =	ssyncadd.s32 $0xFFFFFFFF  }
0xb6: {  	_ =	strace $0x90000048  }
0xb7: {  	_ =	sfence  }
0xb8: {  	s30 =	sld [smem:$0x0];
	_ =	sdelay $0x2  }
0xb9: {  	s31 =	sshll.u32 s1, $0xD;
	s1 =	sshrl.u32 s1, $0x2  }
0xba: {  	s3 =	sand.u32 $0x4000, s31;
	s1 =	sadd.s32 s1, s30  }
0xbb: {  	s0 =	sor.u32 s3, s0;
	s1 =	sshll.u32 s1, $0x11  }
0xbc: {  	s0 =	sor.u32 s1, s0  }
0xbd: {  	s0 =	sadd.s32 $0x8F2B, s0  }
0xbe: {  	[sflag:s0] =	ssyncadd.remote.s32 $0x1  }
0xbf: {  	_ =	sfence.sel $0xFFFF  }
0xc0: {  	[dreg:$0x0] =	wrdreg $0xFFFFFFFF;
	(pc) =	sbr.abs _section_cstart, $3  }
0xc1: {  	[dreg:$0x1] =	wrdreg $0xFFFFFFFF  }
0xc2: {  	_ =	task.clear_ibuf [dreg:s8], $0x2FFFF;
	_ =	strace $0x9FFFFFFF  }
0xc3: {  	(tm) =	ssettm $0x7FFFFFFF  }
tec
execute0_lowered:
.L_overlay_start_1:
0x0: {  	(tag) =	ssettag $0x1  }
0x1: {  	v0 =	vimm.s32 $0xFEDCBA98  }
0x2: {  	v1 =	vimm.s32 $0x76543210;
	v2 =	vimm.s32 $0xBA98FEDC;
	v3 =	vimm.s32 $0x32107654  }
0x3: {  	s3 =	rddreg [dreg:$0x0];
	v4 =	vimm.s32 $0xDCFE98BA;
	v5 =	vimm.s32 $0x54761032;
	v6 =	vimm.s32 $0xEFCDAB89  }
0x4: {  	s4 =	rddreg [dreg:$0x1];
	v7 =	vimm.s32 $0x67452301;
	v0 =	vunpack.c.l.s4.s8 v0;
	v1 =	vunpack.c.l.s4.s8 v1  }
0x5: {  	s0 =	simm.s32 $0x0;
	s5 =	srdreg.scid;
	s1 =	rddreg [dreg:$0x2];
	v2 =	vunpack.c.l.s4.s8 v2;
	v3 =	vunpack.c.l.s4.s8 v3;
	v4 =	vunpack.c.l.s4.s8 v4  }
0x6: {  	s2 =	stileid.u32;
	s9 =	simm.s32 $0x8000;
	s10 =	simm.s32 $0x0;
	v5 =	vunpack.c.l.s4.s8 v5;
	v6 =	vunpack.c.l.s4.s8 v6;
	v7 =	vunpack.c.l.s4.s8 v7  }
0x7: {  	[smem:$0x7FF] =	sst s0;
	s5 =	sand.u32 $0x1, s5;
	s7 =	sshll.u32 s2, $0xD;
	v0 =	vunpack.c.0.s8.s32 v0;
	v1 =	vunpack.c.0.s8.s32 v1;
	v2 =	vunpack.c.0.s8.s32 v2  }
0x8: {  	s6 =	ssub.s32 $0x2, s5;
	s5 =	sshll.u32 s5, $0x6;
	_ =	strace $0x80000047;
	v3 =	vunpack.c.0.s8.s32 v3;
	v4 =	vunpack.c.0.s8.s32 v4;
	v5 =	vunpack.c.0.s8.s32 v5  }
0x9: {  	s8 =	sshrl.u32 s6, $0x1;
	s5 =	sor.u32 s5, s7;
	v6 =	vunpack.c.0.s8.s32 v6;
	v7 =	vunpack.c.0.s8.s32 v7;
	s7 =	simm.s32 $0x400;
	v0 =	vand.u32 $0xF, v0  }
0xa: {  	s6 =	ssub.s32 s6, s8;
	s3 =	sadd.s32 s3, s5;
	s4 =	sadd.s32 s4, s5;
	v0 =	vcombine.low v0, v1;
	v1 =	vcombine.low v3, v2  }
0xb: {  	s8 =	simm.s32 $0x1;
	s5 =	smax.u32 s6, $0x1;
	s6 =	simm.s32 $0x200;
	v2 =	vcombine.low v5, v4;
	v3 =	vcombine.low v7, v6;
	v4 =	vimm.f32 $0.0e+00  }
.LBB2_1:
0xc: {  	[tilespmem:s0], [sflag:$0x1] =	stream.strided.gather [hbm4b:s3+s6], $0x8000, s7, s6, $0x38;
	[tilespmem:$0x10000] =	vst v63  }
0xd: {  	_ =	swait.ge [sflag:s8], $0x8000  }
0xe: {  	[sflag:s8] =	ssyncset.done $0x0  }
0xf: {  	s13 =	simm.s32 $0x0;
	[sflag:s8] =	ssyncadd.s32 $0xFFFF8000  }
0x10: {  	v5 =	vld [tilespmem:s13+$0x0]  }
0x11: {  	v6 =	vld [tilespmem:s13+$0x10]  }
0x12: {  	v7 =	vld [tilespmem:s13+$0x20]  }
0x13: {  	v8 =	vld [tilespmem:s13+$0x30]  }
0x14: {  	v9 =	vimm.f32 $-Inf;
	v10 =	vld [tilespmem:s13+$0x40]  }
0x15: {  	v11 =	vld [tilespmem:s13+$0x50];
	v5 =	vmax.f32 v9, v5  }
0x16: {  	v9 =	vld [tilespmem:s13+$0x60];
	v5 =	vmax.f32 v5, v6  }
0x17: {  	v12 =	vld [tilespmem:s13+$0x70];
	v5 =	vmax.f32 v5, v7  }
0x18: {  	v13 =	vld [tilespmem:s13+$0x200];
	v5 =	vmax.f32 v5, v8  }
0x19: {  	v14 =	vld [tilespmem:s13+$0x210];
	v5 =	vmax.f32 v5, v10  }
0x1a: {  	v10 =	vld [tilespmem:s13+$0x220];
	v6 =	vmax.f32 v5, v11  }
0x1b: {  	v5 =	vld [tilespmem:s13+$0x230];
	v7 =	vmax.f32 v6, v9  }
0x1c: {  	v6 =	vld [tilespmem:s13+$0x240];
	v8 =	vmax.f32 v7, v12  }
0x1d: {  	v7 =	vld [tilespmem:s13+$0x250];
	v9 =	vmax.f32 v8, v13  }
0x1e: {  	v8 =	vld [tilespmem:s13+$0x260];
	v11 =	vmax.f32 v9, v14  }
0x1f: {  	s11 =	simm.s32 $0x400;
	s12 =	simm.s32 $0x2000;
	v9 =	vld [tilespmem:s13+$0x270];
	v10 =	vmax.f32 v11, v10  }
.LBB2_2:
0x20: {  	p0 =	sne.s32 s12, $0x1F000;
	v11 =	vld [tilespmem:s11+$0x0];
	v5 =	vmax.f32 v10, v5  }
0x21: {  	v10 =	vld [tilespmem:s11+$0x10];
	v5 =	vmax.f32 v5, v6  }
0x22: {  	v6 =	vld [tilespmem:s11+$0x20];
	v5 =	vmax.f32 v5, v7  }
0x23: {  	v7 =	vld [tilespmem:s11+$0x30];
	v5 =	vmax.f32 v5, v8  }
0x24: {  	v8 =	vld [tilespmem:s11+$0x40];
	v5 =	vmax.f32 v5, v9  }
0x25: {  	v9 =	vld [tilespmem:s11+$0x50];
	v5 =	vmax.f32 v5, v11  }
0x26: {  	v11 =	vld [tilespmem:s11+$0x60];
	v5 =	vmax.f32 v5, v10  }
0x27: {  	v10 =	vld [tilespmem:s11+$0x70];
	v5 =	vmax.f32 v5, v6  }
0x28: {  	v12 =	vld [tilespmem:s11+$0x200];
	v5 =	vmax.f32 v5, v7  }
0x29: {  	v13 =	vld [tilespmem:s11+$0x210];
	v5 =	vmax.f32 v5, v8  }
0x2a: {  	v14 =	vld [tilespmem:s11+$0x220];
	v6 =	vmax.f32 v5, v9  }
.Ltmp0:
0x2b: {  	v5 =	vld [tilespmem:s11+$0x230];
	v7 =	vmax.f32 v6, v11;
	(pc) =	sbr.rel @p0 .LBB2_2-.Ltmp0, $4  }
0x2c: {  	v6 =	vld [tilespmem:s11+$0x240];
	v8 =	vmax.f32 v7, v10  }
0x2d: {  	v7 =	vld [tilespmem:s11+$0x250];
	v9 =	vmax.f32 v8, v12  }
0x2e: {  	v8 =	vld [tilespmem:s11+$0x260];
	v10 =	vmax.f32 v9, v13  }
0x2f: {  	v9 =	vld [tilespmem:s11+$0x270];
	s11 =	sshra.s32 s12, $0x2;
	s12 =	sadd.s32 $0x1000, s12;
	v10 =	vmax.f32 v10, v14  }
0x30: {  	v11 =	vld [tilespmem:s11+$0x0];
	v5 =	vmax.f32 v10, v5  }
0x31: {  	v10 =	vld [tilespmem:s11+$0x10];
	v5 =	vmax.f32 v5, v6  }
0x32: {  	v6 =	vld [tilespmem:s11+$0x20];
	v5 =	vmax.f32 v5, v7  }
0x33: {  	v7 =	vld [tilespmem:s11+$0x30];
	v5 =	vmax.f32 v5, v8  }
0x34: {  	v8 =	vld [tilespmem:s11+$0x40];
	v5 =	vmax.f32 v5, v9  }
0x35: {  	v9 =	vld [tilespmem:s11+$0x50];
	v5 =	vmax.f32 v5, v11  }
0x36: {  	v11 =	vld [tilespmem:s11+$0x60];
	v5 =	vmax.f32 v5, v10  }
0x37: {  	v10 =	vld [tilespmem:s11+$0x70];
	v5 =	vmax.f32 v5, v6  }
0x38: {  	v6 =	vld [tilespmem:s11+$0x200];
	v5 =	vmax.f32 v5, v7  }
0x39: {  	v7 =	vld [tilespmem:s11+$0x210];
	v5 =	vmax.f32 v5, v8  }
0x3a: {  	v8 =	vld [tilespmem:s11+$0x220];
	v5 =	vmax.f32 v5, v9  }
0x3b: {  	v9 =	vld [tilespmem:s11+$0x230];
	v5 =	vmax.f32 v5, v11  }
0x3c: {  	v11 =	vld [tilespmem:s11+$0x240];
	v5 =	vmax.f32 v5, v10  }
0x3d: {  	v10 =	vld [tilespmem:s11+$0x250];
	v5 =	vmax.f32 v5, v6  }
0x3e: {  	v6 =	vld [tilespmem:s11+$0x260];
	v5 =	vmax.f32 v5, v7  }
0x3f: {  	v7 =	vld [tilespmem:s11+$0x270];
	v5 =	vmax.f32 v5, v8  }
0x40: {  	v5 =	vmax.f32 v5, v9  }
0x41: {  	v5 =	vmax.f32 v5, v11  }
0x42: {  	v5 =	vmax.f32 v5, v10  }
0x43: {  	v5 =	vmax.f32 v5, v6  }
0x44: {  	v5 =	vmax.f32 v5, v7  }
0x45: {  	v6 =	vperm.xlane v5, v0;
	_ =	sdelay $0x1  }
0x46: {  	v5 =	vmax.f32 v5, v6  }
0x47: {  	v6 =	vperm.xlane v5, v1;
	_ =	sdelay $0x1  }
0x48: {  	v5 =	vmax.f32 v5, v6  }
0x49: {  	s11 =	simm.s32 $0x0;
	v6 =	vperm.xlane v5, v2  }
0x4a: {  	v7 =	vld [tilespmem:s11+$0x270]  }
0x4b: {  	v5 =	vmax.f32 v5, v6;
	v6 =	vld [tilespmem:s11+$0x0]  }
0x4c: {  	v9 =	vld [tilespmem:s11+$0x10];
	v8 =	vperm.xlane v5, v3  }
0x4d: {  	v10 =	vld [tilespmem:s11+$0x20]  }
0x4e: {  	v5 =	vmax.f32 v5, v8;
	v8 =	vld [tilespmem:s11+$0x30]  }
0x4f: {  	v11 =	vld [tilespmem:s11+$0x40];
	vm0 =	veq.f32 v7, v5  }
0x50: {  	vm1 =	veq.f32 v6, v5;
	v6 =	vld [tilespmem:s11+$0x50];
	v7 =	vsel vm0, $0x3F800000, v4  }
0x51: {  	vm0 =	veq.f32 v9, v5;
	v9 =	vld [tilespmem:s11+$0x60];
	v12 =	vsel vm1, $0x3F800000, v4;
	[tilespmem:s11+$0x8270] =	vst v7  }
0x52: {  	v7 =	vsel vm0, $0x3F800000, v4;
	vm0 =	veq.f32 v10, v5;
	v10 =	vld [tilespmem:s11+$0x70];
	[tilespmem:s11+$0x8000] =	vst v12  }
0x53: {  	v63 =	vld [tilespmem:s11+$0x200];
	[tilespmem:s11+$0x8010] =	vst v7;
	v7 =	vsel vm0, $0x3F800000, v4;
	vm0 =	veq.f32 v8, v5  }
0x54: {  	v13 =	vld [tilespmem:s11+$0x210];
	[tilespmem:s11+$0x8020] =	vst v7;
	v7 =	vsel vm0, $0x3F800000, v4;
	vm0 =	veq.f32 v11, v5  }
0x55: {  	[tilespmem:s11+$0x8030] =	vst v7;
	v7 =	vsel vm0, $0x3F800000, v4;
	vm0 =	veq.f32 v6, v5;
	v6 =	vld [tilespmem:s11+$0x220]  }
0x56: {  	[tilespmem:s11+$0x8040] =	vst v7;
	v8 =	vsel vm0, $0x3F800000, v4;
	vm0 =	veq.f32 v9, v5;
	v7 =	vld [tilespmem:s11+$0x230]  }
0x57: {  	[tilespmem:s11+$0x8050] =	vst v8;
	v9 =	vsel vm0, $0x3F800000, v4;
	vm0 =	veq.f32 v10, v5;
	v8 =	vld [tilespmem:s11+$0x240]  }
0x58: {  	[tilespmem:s11+$0x8060] =	vst v9;
	v10 =	vsel vm0, $0x3F800000, v4;
	vm0 =	veq.f32 v63, v5;
	v9 =	vld [tilespmem:s11+$0x250]  }
0x59: {  	s12 =	simm.s32 $0x400;
	s14 =	simm.s32 $0x2000;
	s13 =	simm.s32 $0x0;
	[tilespmem:s11+$0x8070] =	vst v10;
	v11 =	vsel vm0, $0x3F800000, v4;
	vm0 =	veq.f32 v13, v5;
	v10 =	vld [tilespmem:s11+$0x260]  }
.LBB2_4:
0x5a: {  	p0 =	sne.s32 s14, $0x1F000;
	v12 =	vld [tilespmem:s12+$0x270];
	[tilespmem:s13+$0x8200] =	vst v11;
	v11 =	vsel vm0, $0x3F800000, v4;
	vm0 =	veq.f32 v6, v5  }
0x5b: {  	v6 =	vld [tilespmem:s12+$0x0];
	[tilespmem:s13+$0x8210] =	vst v11;
	v11 =	vsel vm0, $0x3F800000, v4;
	vm0 =	veq.f32 v7, v5  }
0x5c: {  	v7 =	vld [tilespmem:s12+$0x10];
	[tilespmem:s13+$0x8220] =	vst v11;
	v11 =	vsel vm0, $0x3F800000, v4;
	vm0 =	veq.f32 v8, v5  }
0x5d: {  	v8 =	vld [tilespmem:s12+$0x20];
	[tilespmem:s13+$0x8230] =	vst v11;
	v11 =	vsel vm0, $0x3F800000, v4;
	vm0 =	veq.f32 v9, v5  }
0x5e: {  	v9 =	vld [tilespmem:s12+$0x30];
	[tilespmem:s13+$0x8240] =	vst v11;
	v11 =	vsel vm0, $0x3F800000, v4;
	vm0 =	veq.f32 v10, v5  }
0x5f: {  	v10 =	vld [tilespmem:s12+$0x40];
	vm1 =	veq.f32 v12, v5;
	[tilespmem:s13+$0x8250] =	vst v11;
	v11 =	vsel vm0, $0x3F800000, v4  }
0x60: {  	vm0 =	veq.f32 v6, v5;
	v6 =	vld [tilespmem:s12+$0x50];
	v12 =	vsel vm1, $0x3F800000, v4;
	[tilespmem:s13+$0x8260] =	vst v11;
	s13 =	smov.u32 s12  }
0x61: {  	v11 =	vsel vm0, $0x3F800000, v4;
	vm0 =	veq.f32 v7, v5;
	v7 =	vld [tilespmem:s13+$0x60];
	[tilespmem:s13+$0x8270] =	vst v12  }
0x62: {  	[tilespmem:s13+$0x8000] =	vst v11;
	v11 =	vsel vm0, $0x3F800000, v4;
	vm0 =	veq.f32 v8, v5;
	v8 =	vld [tilespmem:s13+$0x70]  }
0x63: {  	[tilespmem:s13+$0x8010] =	vst v11;
	v11 =	vsel vm0, $0x3F800000, v4;
	vm0 =	veq.f32 v9, v5;
	v9 =	vld [tilespmem:s13+$0x200]  }
0x64: {  	[tilespmem:s13+$0x8020] =	vst v11;
	v11 =	vsel vm0, $0x3F800000, v4;
	vm0 =	veq.f32 v10, v5;
	v10 =	vld [tilespmem:s13+$0x210]  }
.Ltmp1:
0x65: {  	[tilespmem:s13+$0x8030] =	vst v11;
	v11 =	vsel vm0, $0x3F800000, v4;
	vm0 =	veq.f32 v6, v5;
	v6 =	vld [tilespmem:s13+$0x220];
	(pc) =	sbr.rel @p0 .LBB2_4-.Ltmp1, $4  }
0x66: {  	[tilespmem:s13+$0x8040] =	vst v11;
	v11 =	vsel vm0, $0x3F800000, v4;
	vm0 =	veq.f32 v7, v5;
	v7 =	vld [tilespmem:s13+$0x230]  }
0x67: {  	[tilespmem:s13+$0x8050] =	vst v11;
	v11 =	vsel vm0, $0x3F800000, v4;
	vm0 =	veq.f32 v8, v5;
	v8 =	vld [tilespmem:s13+$0x240]  }
0x68: {  	[tilespmem:s13+$0x8060] =	vst v11;
	v11 =	vsel vm0, $0x3F800000, v4;
	vm0 =	veq.f32 v9, v5;
	v9 =	vld [tilespmem:s13+$0x250]  }
0x69: {  	s12 =	sshra.s32 s14, $0x2;
	s14 =	sadd.s32 $0x1000, s14;
	[tilespmem:s13+$0x8070] =	vst v11;
	v11 =	vsel vm0, $0x3F800000, v4;
	vm0 =	veq.f32 v10, v5;
	v10 =	vld [tilespmem:s13+$0x260]  }
0x6a: {  	v12 =	vld [tilespmem:s12+$0x270];
	[tilespmem:s13+$0x8200] =	vst v11;
	v11 =	vsel vm0, $0x3F800000, v4;
	vm8 =	veq.f32 v6, v5  }
0x6b: {  	v13 =	vld [tilespmem:s12+$0x0];
	[tilespmem:s13+$0x8210] =	vst v11;
	v6 =	vsel vm8, $0x3F800000, v4;
	vm9 =	veq.f32 v7, v5  }
0x6c: {  	v11 =	vld [tilespmem:s12+$0x10];
	[tilespmem:s13+$0x8220] =	vst v6;
	v6 =	vsel vm9, $0x3F800000, v4;
	vm10 =	veq.f32 v8, v5  }
0x6d: {  	v7 =	vld [tilespmem:s12+$0x20];
	[tilespmem:s13+$0x8230] =	vst v6;
	v6 =	vsel vm10, $0x3F800000, v4;
	vm11 =	veq.f32 v9, v5  }
0x6e: {  	v8 =	vld [tilespmem:s12+$0x30];
	[tilespmem:s13+$0x8240] =	vst v6;
	v6 =	vsel vm11, $0x3F800000, v4;
	vm12 =	veq.f32 v10, v5  }
0x6f: {  	v9 =	vld [tilespmem:s12+$0x40];
	[tilespmem:s13+$0x8250] =	vst v6;
	v6 =	vsel vm12, $0x3F800000, v4;
	vm13 =	veq.f32 v12, v5  }
0x70: {  	v10 =	vld [tilespmem:s12+$0x50];
	[tilespmem:s13+$0x8260] =	vst v6;
	vm1 =	veq.f32 v13, v5;
	v6 =	vsel vm13, $0x3F800000, v4  }
0x71: {  	v60 =	vld [tilespmem:s12+$0x60];
	[tilespmem:s12+$0x8270] =	vst v6;
	v6 =	vsel vm1, $0x3F800000, v4;
	vm14 =	veq.f32 v11, v5  }
0x72: {  	v11 =	vld [tilespmem:s12+$0x70];
	[tilespmem:s12+$0x8000] =	vst v6;
	v6 =	vsel vm14, $0x3F800000, v4;
	vm15 =	veq.f32 v7, v5  }
0x73: {  	v7 =	vld [tilespmem:s12+$0x200];
	[tilespmem:s12+$0x8010] =	vst v6;
	v6 =	vsel vm15, $0x3F800000, v4;
	vm4 =	veq.f32 v8, v5  }
0x74: {  	v8 =	vld [tilespmem:s12+$0x210];
	[tilespmem:s12+$0x8020] =	vst v6;
	v6 =	vsel vm4, $0x3F800000, v4;
	vm5 =	veq.f32 v9, v5  }
0x75: {  	v9 =	vld [tilespmem:s12+$0x220];
	[tilespmem:s12+$0x8030] =	vst v6;
	v6 =	vsel vm5, $0x3F800000, v4;
	vm6 =	veq.f32 v10, v5  }
0x76: {  	v10 =	vld [tilespmem:s12+$0x230];
	[tilespmem:s12+$0x8040] =	vst v6;
	v6 =	vsel vm6, $0x3F800000, v4;
	vm7 =	veq.f32 v60, v5  }
0x77: {  	v61 =	vld [tilespmem:s12+$0x240];
	vm8 =	veq.f32 v11, v5;
	[tilespmem:s12+$0x8050] =	vst v6;
	v6 =	vsel vm7, $0x3F800000, v4  }
0x78: {  	vm9 =	veq.f32 v7, v5;
	v7 =	vld [tilespmem:s12+$0x260];
	[tilespmem:s12+$0x8060] =	vst v6;
	v6 =	vsel vm8, $0x3F800000, v4  }
0x79: {  	v11 =	vld [tilespmem:s12+$0x250];
	vm10 =	veq.f32 v8, v5;
	[tilespmem:s12+$0x8070] =	vst v6;
	v6 =	vsel vm9, $0x3F800000, v4  }
0x7a: {  	vm11 =	veq.f32 v9, v5;
	[tilespmem:s12+$0x8200] =	vst v6;
	v6 =	vsel vm10, $0x3F800000, v4  }
0x7b: {  	vm12 =	veq.f32 v10, v5;
	[tilespmem:s12+$0x8210] =	vst v6;
	v6 =	vsel vm11, $0x3F800000, v4  }
0x7c: {  	vm13 =	veq.f32 v61, v5;
	[tilespmem:s12+$0x8220] =	vst v6;
	v6 =	vsel vm12, $0x3F800000, v4  }
0x7d: {  	vm15 =	veq.f32 v7, v5;
	[tilespmem:s12+$0x8230] =	vst v6;
	v6 =	vsel vm13, $0x3F800000, v4  }
0x7e: {  	vm14 =	veq.f32 v11, v5;
	v5 =	vsel vm15, $0x3F800000, v4;
	[tilespmem:s12+$0x8240] =	vst v6  }
0x7f: {  	v6 =	vsel vm14, $0x3F800000, v4;
	[tilespmem:s12+$0x8260] =	vst v5  }
0x80: {  	[tilespmem:s12+$0x8250] =	vst v6  }
0x81: {  	v5 =	vld [tilespmem:s11+$0x80]  }
0x82: {  	v6 =	vld [tilespmem:s11+$0x90]  }
0x83: {  	v7 =	vld [tilespmem:s11+$0xA0]  }
0x84: {  	v8 =	vld [tilespmem:s11+$0xB0]  }
0x85: {  	v9 =	vimm.f32 $-Inf;
	v10 =	vld [tilespmem:s11+$0xC0]  }
0x86: {  	v11 =	vld [tilespmem:s11+$0xD0];
	v5 =	vmax.f32 v9, v5  }
0x87: {  	v9 =	vld [tilespmem:s11+$0xE0];
	v5 =	vmax.f32 v5, v6  }
0x88: {  	v62 =	vld [tilespmem:s11+$0xF0];
	v5 =	vmax.f32 v5, v7  }
0x89: {  	v63 =	vld [tilespmem:s11+$0x280];
	v5 =	vmax.f32 v5, v8  }
0x8a: {  	v14 =	vld [tilespmem:s11+$0x290];
	v5 =	vmax.f32 v5, v10  }
0x8b: {  	v10 =	vld [tilespmem:s11+$0x2A0];
	v6 =	vmax.f32 v5, v11  }
0x8c: {  	v5 =	vld [tilespmem:s11+$0x2B0];
	v7 =	vmax.f32 v6, v9  }
0x8d: {  	v6 =	vld [tilespmem:s11+$0x2C0];
	v8 =	vmax.f32 v7, v62  }
0x8e: {  	v7 =	vld [tilespmem:s11+$0x2D0];
	v9 =	vmax.f32 v8, v63  }
0x8f: {  	v8 =	vld [tilespmem:s11+$0x2E0];
	v11 =	vmax.f32 v9, v14  }
0x90: {  	s13 =	simm.s32 $0x2000;
	s12 =	simm.s32 $0x400;
	v9 =	vld [tilespmem:s11+$0x2F0];
	v10 =	vmax.f32 v11, v10  }
.LBB2_6:
0x91: {  	p0 =	sne.s32 s13, $0x1F000;
	v11 =	vld [tilespmem:s12+$0x80];
	v5 =	vmax.f32 v10, v5  }
0x92: {  	v10 =	vld [tilespmem:s12+$0x90];
	v5 =	vmax.f32 v5, v6  }
0x93: {  	v6 =	vld [tilespmem:s12+$0xA0];
	v5 =	vmax.f32 v5, v7  }
0x94: {  	v7 =	vld [tilespmem:s12+$0xB0];
	v5 =	vmax.f32 v5, v8  }
0x95: {  	v8 =	vld [tilespmem:s12+$0xC0];
	v5 =	vmax.f32 v5, v9  }
0x96: {  	v9 =	vld [tilespmem:s12+$0xD0];
	v5 =	vmax.f32 v5, v11  }
0x97: {  	v11 =	vld [tilespmem:s12+$0xE0];
	v5 =	vmax.f32 v5, v10  }
0x98: {  	v10 =	vld [tilespmem:s12+$0xF0];
	v5 =	vmax.f32 v5, v6  }
0x99: {  	v12 =	vld [tilespmem:s12+$0x280];
	v5 =	vmax.f32 v5, v7  }
0x9a: {  	v13 =	vld [tilespmem:s12+$0x290];
	v5 =	vmax.f32 v5, v8  }
0x9b: {  	v14 =	vld [tilespmem:s12+$0x2A0];
	v6 =	vmax.f32 v5, v9  }
.Ltmp2:
0x9c: {  	v5 =	vld [tilespmem:s12+$0x2B0];
	v7 =	vmax.f32 v6, v11;
	(pc) =	sbr.rel @p0 .LBB2_6-.Ltmp2, $4  }
0x9d: {  	v6 =	vld [tilespmem:s12+$0x2C0];
	v8 =	vmax.f32 v7, v10  }
0x9e: {  	v7 =	vld [tilespmem:s12+$0x2D0];
	v9 =	vmax.f32 v8, v12  }
0x9f: {  	v8 =	vld [tilespmem:s12+$0x2E0];
	v10 =	vmax.f32 v9, v13  }
0xa0: {  	v9 =	vld [tilespmem:s12+$0x2F0];
	s12 =	sshra.s32 s13, $0x2;
	s13 =	sadd.s32 $0x1000, s13;
	v10 =	vmax.f32 v10, v14  }
0xa1: {  	v11 =	vld [tilespmem:s12+$0x80];
	v5 =	vmax.f32 v10, v5  }
0xa2: {  	v10 =	vld [tilespmem:s12+$0x90];
	v5 =	vmax.f32 v5, v6  }
0xa3: {  	v6 =	vld [tilespmem:s12+$0xA0];
	v5 =	vmax.f32 v5, v7  }
0xa4: {  	v7 =	vld [tilespmem:s12+$0xB0];
	v5 =	vmax.f32 v5, v8  }
0xa5: {  	v8 =	vld [tilespmem:s12+$0xC0];
	v5 =	vmax.f32 v5, v9  }
0xa6: {  	v9 =	vld [tilespmem:s12+$0xD0];
	v5 =	vmax.f32 v5, v11  }
0xa7: {  	v11 =	vld [tilespmem:s12+$0xE0];
	v5 =	vmax.f32 v5, v10  }
0xa8: {  	v10 =	vld [tilespmem:s12+$0xF0];
	v5 =	vmax.f32 v5, v6  }
0xa9: {  	v6 =	vld [tilespmem:s12+$0x280];
	v5 =	vmax.f32 v5, v7  }
0xaa: {  	v7 =	vld [tilespmem:s12+$0x290];
	v5 =	vmax.f32 v5, v8  }
0xab: {  	v8 =	vld [tilespmem:s12+$0x2A0];
	v5 =	vmax.f32 v5, v9  }
0xac: {  	v9 =	vld [tilespmem:s12+$0x2B0];
	v5 =	vmax.f32 v5, v11  }
0xad: {  	v11 =	vld [tilespmem:s12+$0x2C0];
	v5 =	vmax.f32 v5, v10  }
0xae: {  	v10 =	vld [tilespmem:s12+$0x2D0];
	v5 =	vmax.f32 v5, v6  }
0xaf: {  	v6 =	vld [tilespmem:s12+$0x2E0];
	v5 =	vmax.f32 v5, v7  }
0xb0: {  	v7 =	vld [tilespmem:s12+$0x2F0];
	v5 =	vmax.f32 v5, v8  }
0xb1: {  	v5 =	vmax.f32 v5, v9  }
0xb2: {  	v5 =	vmax.f32 v5, v11  }
0xb3: {  	v5 =	vmax.f32 v5, v10  }
0xb4: {  	v5 =	vmax.f32 v5, v6  }
0xb5: {  	v5 =	vmax.f32 v5, v7  }
0xb6: {  	v6 =	vperm.xlane v5, v0;
	_ =	sdelay $0x1  }
0xb7: {  	v5 =	vmax.f32 v5, v6  }
0xb8: {  	v6 =	vperm.xlane v5, v1;
	_ =	sdelay $0x1  }
0xb9: {  	v5 =	vmax.f32 v5, v6  }
0xba: {  	s11 =	simm.s32 $0x0;
	v6 =	vperm.xlane v5, v2  }
0xbb: {  	v7 =	vld [tilespmem:s11+$0x2F0]  }
0xbc: {  	v5 =	vmax.f32 v5, v6;
	v6 =	vld [tilespmem:s11+$0x80]  }
0xbd: {  	v9 =	vld [tilespmem:s11+$0x90];
	v8 =	vperm.xlane v5, v3  }
0xbe: {  	v10 =	vld [tilespmem:s11+$0xA0]  }
0xbf: {  	v5 =	vmax.f32 v5, v8;
	v8 =	vld [tilespmem:s11+$0xB0]  }
0xc0: {  	v11 =	vld [tilespmem:s11+$0xC0];
	vm0 =	veq.f32 v7, v5  }
0xc1: {  	vm1 =	veq.f32 v6, v5;
	v6 =	vld [tilespmem:s11+$0xD0];
	v7 =	vsel vm0, $0x3F800000, v4  }
0xc2: {  	vm0 =	veq.f32 v9, v5;
	v9 =	vld [tilespmem:s11+$0xE0];
	v12 =	vsel vm1, $0x3F800000, v4;
	[tilespmem:s11+$0x82F0] =	vst v7  }
0xc3: {  	v7 =	vsel vm0, $0x3F800000, v4;
	vm0 =	veq.f32 v10, v5;
	v10 =	vld [tilespmem:s11+$0xF0];
	[tilespmem:s11+$0x8080] =	vst v12  }
0xc4: {  	v63 =	vld [tilespmem:s11+$0x280];
	[tilespmem:s11+$0x8090] =	vst v7;
	v7 =	vsel vm0, $0x3F800000, v4;
	vm0 =	veq.f32 v8, v5  }
0xc5: {  	v13 =	vld [tilespmem:s11+$0x290];
	[tilespmem:s11+$0x80A0] =	vst v7;
	v7 =	vsel vm0, $0x3F800000, v4;
	vm0 =	veq.f32 v11, v5  }
0xc6: {  	[tilespmem:s11+$0x80B0] =	vst v7;
	v7 =	vsel vm0, $0x3F800000, v4;
	vm0 =	veq.f32 v6, v5;
	v6 =	vld [tilespmem:s11+$0x2A0]  }
0xc7: {  	[tilespmem:s11+$0x80C0] =	vst v7;
	v8 =	vsel vm0, $0x3F800000, v4;
	vm0 =	veq.f32 v9, v5;
	v7 =	vld [tilespmem:s11+$0x2B0]  }
0xc8: {  	[tilespmem:s11+$0x80D0] =	vst v8;
	v9 =	vsel vm0, $0x3F800000, v4;
	vm0 =	veq.f32 v10, v5;
	v8 =	vld [tilespmem:s11+$0x2C0]  }
0xc9: {  	[tilespmem:s11+$0x80E0] =	vst v9;
	v10 =	vsel vm0, $0x3F800000, v4;
	vm0 =	veq.f32 v63, v5;
	v9 =	vld [tilespmem:s11+$0x2D0]  }
0xca: {  	s14 =	simm.s32 $0x2000;
	s13 =	simm.s32 $0x0;
	s12 =	simm.s32 $0x400;
	[tilespmem:s11+$0x80F0] =	vst v10;
	v11 =	vsel vm0, $0x3F800000, v4;
	vm0 =	veq.f32 v13, v5;
	v10 =	vld [tilespmem:s11+$0x2E0]  }
.LBB2_8:
0xcb: {  	p0 =	sne.s32 s14, $0x1F000;
	v12 =	vld [tilespmem:s12+$0x2F0];
	[tilespmem:s13+$0x8280] =	vst v11;
	v11 =	vsel vm0, $0x3F800000, v4;
	vm0 =	veq.f32 v6, v5  }
0xcc: {  	v6 =	vld [tilespmem:s12+$0x80];
	[tilespmem:s13+$0x8290] =	vst v11;
	v11 =	vsel vm0, $0x3F800000, v4;
	vm0 =	veq.f32 v7, v5  }
0xcd: {  	v7 =	vld [tilespmem:s12+$0x90];
	[tilespmem:s13+$0x82A0] =	vst v11;
	v11 =	vsel vm0, $0x3F800000, v4;
	vm0 =	veq.f32 v8, v5  }
0xce: {  	v8 =	vld [tilespmem:s12+$0xA0];
	[tilespmem:s13+$0x82B0] =	vst v11;
	v11 =	vsel vm0, $0x3F800000, v4;
	vm0 =	veq.f32 v9, v5  }
0xcf: {  	v9 =	vld [tilespmem:s12+$0xB0];
	[tilespmem:s13+$0x82C0] =	vst v11;
	v11 =	vsel vm0, $0x3F800000, v4;
	vm0 =	veq.f32 v10, v5  }
0xd0: {  	v10 =	vld [tilespmem:s12+$0xC0];
	vm1 =	veq.f32 v12, v5;
	[tilespmem:s13+$0x82D0] =	vst v11;
	v11 =	vsel vm0, $0x3F800000, v4  }
0xd1: {  	vm0 =	veq.f32 v6, v5;
	v6 =	vld [tilespmem:s12+$0xD0];
	v12 =	vsel vm1, $0x3F800000, v4;
	[tilespmem:s13+$0x82E0] =	vst v11;
	s13 =	smov.u32 s12  }
0xd2: {  	v11 =	vsel vm0, $0x3F800000, v4;
	vm0 =	veq.f32 v7, v5;
	v7 =	vld [tilespmem:s13+$0xE0];
	[tilespmem:s13+$0x82F0] =	vst v12  }
0xd3: {  	[tilespmem:s13+$0x8080] =	vst v11;
	v11 =	vsel vm0, $0x3F800000, v4;
	vm0 =	veq.f32 v8, v5;
	v8 =	vld [tilespmem:s13+$0xF0]  }
0xd4: {  	[tilespmem:s13+$0x8090] =	vst v11;
	v11 =	vsel vm0, $0x3F800000, v4;
	vm0 =	veq.f32 v9, v5;
	v9 =	vld [tilespmem:s13+$0x280]  }
0xd5: {  	[tilespmem:s13+$0x80A0] =	vst v11;
	v11 =	vsel vm0, $0x3F800000, v4;
	vm0 =	veq.f32 v10, v5;
	v10 =	vld [tilespmem:s13+$0x290]  }
.Ltmp3:
0xd6: {  	[tilespmem:s13+$0x80B0] =	vst v11;
	v11 =	vsel vm0, $0x3F800000, v4;
	vm0 =	veq.f32 v6, v5;
	v6 =	vld [tilespmem:s13+$0x2A0];
	(pc) =	sbr.rel @p0 .LBB2_8-.Ltmp3, $4  }
0xd7: {  	[tilespmem:s13+$0x80C0] =	vst v11;
	v11 =	vsel vm0, $0x3F800000, v4;
	vm0 =	veq.f32 v7, v5;
	v7 =	vld [tilespmem:s13+$0x2B0]  }
0xd8: {  	[tilespmem:s13+$0x80D0] =	vst v11;
	v11 =	vsel vm0, $0x3F800000, v4;
	vm0 =	veq.f32 v8, v5;
	v8 =	vld [tilespmem:s13+$0x2C0]  }
0xd9: {  	[tilespmem:s13+$0x80E0] =	vst v11;
	v11 =	vsel vm0, $0x3F800000, v4;
	vm0 =	veq.f32 v9, v5;
	v9 =	vld [tilespmem:s13+$0x2D0]  }
0xda: {  	s12 =	sshra.s32 s14, $0x2;
	s14 =	sadd.s32 $0x1000, s14;
	[tilespmem:s13+$0x80F0] =	vst v11;
	v11 =	vsel vm0, $0x3F800000, v4;
	vm0 =	veq.f32 v10, v5;
	v10 =	vld [tilespmem:s13+$0x2E0]  }
0xdb: {  	v12 =	vld [tilespmem:s12+$0x2F0];
	[tilespmem:s13+$0x8280] =	vst v11;
	v11 =	vsel vm0, $0x3F800000, v4;
	vm8 =	veq.f32 v6, v5  }
0xdc: {  	v13 =	vld [tilespmem:s12+$0x80];
	[tilespmem:s13+$0x8290] =	vst v11;
	v6 =	vsel vm8, $0x3F800000, v4;
	vm9 =	veq.f32 v7, v5  }
0xdd: {  	v11 =	vld [tilespmem:s12+$0x90];
	[tilespmem:s13+$0x82A0] =	vst v6;
	v6 =	vsel vm9, $0x3F800000, v4;
	vm10 =	veq.f32 v8, v5  }
0xde: {  	v7 =	vld [tilespmem:s12+$0xA0];
	[tilespmem:s13+$0x82B0] =	vst v6;
	v6 =	vsel vm10, $0x3F800000, v4;
	vm11 =	veq.f32 v9, v5  }
0xdf: {  	v8 =	vld [tilespmem:s12+$0xB0];
	[tilespmem:s13+$0x82C0] =	vst v6;
	v6 =	vsel vm11, $0x3F800000, v4;
	vm12 =	veq.f32 v10, v5  }
0xe0: {  	v9 =	vld [tilespmem:s12+$0xC0];
	[tilespmem:s13+$0x82D0] =	vst v6;
	v6 =	vsel vm12, $0x3F800000, v4;
	vm13 =	veq.f32 v12, v5  }
0xe1: {  	v10 =	vld [tilespmem:s12+$0xD0];
	[tilespmem:s13+$0x82E0] =	vst v6;
	vm1 =	veq.f32 v13, v5;
	v6 =	vsel vm13, $0x3F800000, v4  }
0xe2: {  	v60 =	vld [tilespmem:s12+$0xE0];
	[tilespmem:s12+$0x82F0] =	vst v6;
	v6 =	vsel vm1, $0x3F800000, v4;
	vm14 =	veq.f32 v11, v5  }
0xe3: {  	v11 =	vld [tilespmem:s12+$0xF0];
	[tilespmem:s12+$0x8080] =	vst v6;
	v6 =	vsel vm14, $0x3F800000, v4;
	vm15 =	veq.f32 v7, v5  }
0xe4: {  	v7 =	vld [tilespmem:s12+$0x280];
	[tilespmem:s12+$0x8090] =	vst v6;
	v6 =	vsel vm15, $0x3F800000, v4;
	vm4 =	veq.f32 v8, v5  }
0xe5: {  	v8 =	vld [tilespmem:s12+$0x290];
	[tilespmem:s12+$0x80A0] =	vst v6;
	v6 =	vsel vm4, $0x3F800000, v4;
	vm5 =	veq.f32 v9, v5  }
0xe6: {  	v9 =	vld [tilespmem:s12+$0x2A0];
	[tilespmem:s12+$0x80B0] =	vst v6;
	v6 =	vsel vm5, $0x3F800000, v4;
	vm6 =	veq.f32 v10, v5  }
0xe7: {  	v10 =	vld [tilespmem:s12+$0x2B0];
	[tilespmem:s12+$0x80C0] =	vst v6;
	v6 =	vsel vm6, $0x3F800000, v4;
	vm7 =	veq.f32 v60, v5  }
0xe8: {  	v61 =	vld [tilespmem:s12+$0x2C0];
	vm8 =	veq.f32 v11, v5;
	[tilespmem:s12+$0x80D0] =	vst v6;
	v6 =	vsel vm7, $0x3F800000, v4  }
0xe9: {  	vm9 =	veq.f32 v7, v5;
	v7 =	vld [tilespmem:s12+$0x2E0];
	[tilespmem:s12+$0x80E0] =	vst v6;
	v6 =	vsel vm8, $0x3F800000, v4  }
0xea: {  	v11 =	vld [tilespmem:s12+$0x2D0];
	vm10 =	veq.f32 v8, v5;
	[tilespmem:s12+$0x80F0] =	vst v6;
	v6 =	vsel vm9, $0x3F800000, v4  }
0xeb: {  	vm11 =	veq.f32 v9, v5;
	[tilespmem:s12+$0x8280] =	vst v6;
	v6 =	vsel vm10, $0x3F800000, v4  }
0xec: {  	vm12 =	veq.f32 v10, v5;
	[tilespmem:s12+$0x8290] =	vst v6;
	v6 =	vsel vm11, $0x3F800000, v4  }
0xed: {  	vm13 =	veq.f32 v61, v5;
	[tilespmem:s12+$0x82A0] =	vst v6;
	v6 =	vsel vm12, $0x3F800000, v4  }
0xee: {  	vm15 =	veq.f32 v7, v5;
	[tilespmem:s12+$0x82B0] =	vst v6;
	v6 =	vsel vm13, $0x3F800000, v4  }
0xef: {  	vm14 =	veq.f32 v11, v5;
	v5 =	vsel vm15, $0x3F800000, v4;
	[tilespmem:s12+$0x82C0] =	vst v6  }
0xf0: {  	v6 =	vsel vm14, $0x3F800000, v4;
	[tilespmem:s12+$0x82E0] =	vst v5  }
0xf1: {  	[tilespmem:s12+$0x82D0] =	vst v6  }
0xf2: {  	v5 =	vld [tilespmem:s11+$0x100]  }
0xf3: {  	v6 =	vld [tilespmem:s11+$0x110]  }
0xf4: {  	v7 =	vld [tilespmem:s11+$0x120]  }
0xf5: {  	v8 =	vld [tilespmem:s11+$0x130]  }
0xf6: {  	v9 =	vimm.f32 $-Inf;
	v10 =	vld [tilespmem:s11+$0x140]  }
0xf7: {  	v11 =	vld [tilespmem:s11+$0x150];
	v5 =	vmax.f32 v9, v5  }
0xf8: {  	v9 =	vld [tilespmem:s11+$0x160];
	v5 =	vmax.f32 v5, v6  }
0xf9: {  	v62 =	vld [tilespmem:s11+$0x170];
	v5 =	vmax.f32 v5, v7  }
0xfa: {  	v63 =	vld [tilespmem:s11+$0x300];
	v5 =	vmax.f32 v5, v8  }
0xfb: {  	v14 =	vld [tilespmem:s11+$0x310];
	v5 =	vmax.f32 v5, v10  }
0xfc: {  	v10 =	vld [tilespmem:s11+$0x320];
	v6 =	vmax.f32 v5, v11  }
0xfd: {  	v5 =	vld [tilespmem:s11+$0x330];
	v7 =	vmax.f32 v6, v9  }
0xfe: {  	v6 =	vld [tilespmem:s11+$0x340];
	v8 =	vmax.f32 v7, v62  }
0xff: {  	v7 =	vld [tilespmem:s11+$0x350];
	v9 =	vmax.f32 v8, v63  }
0x100: {  	v8 =	vld [tilespmem:s11+$0x360];
	v11 =	vmax.f32 v9, v14  }
0x101: {  	s13 =	simm.s32 $0x2000;
	s12 =	simm.s32 $0x400;
	v9 =	vld [tilespmem:s11+$0x370];
	v10 =	vmax.f32 v11, v10  }
.LBB2_10:
0x102: {  	p0 =	sne.s32 s13, $0x1F000;
	v11 =	vld [tilespmem:s12+$0x100];
	v5 =	vmax.f32 v10, v5  }
0x103: {  	v10 =	vld [tilespmem:s12+$0x110];
	v5 =	vmax.f32 v5, v6  }
0x104: {  	v6 =	vld [tilespmem:s12+$0x120];
	v5 =	vmax.f32 v5, v7  }
0x105: {  	v7 =	vld [tilespmem:s12+$0x130];
	v5 =	vmax.f32 v5, v8  }
0x106: {  	v8 =	vld [tilespmem:s12+$0x140];
	v5 =	vmax.f32 v5, v9  }
0x107: {  	v9 =	vld [tilespmem:s12+$0x150];
	v5 =	vmax.f32 v5, v11  }
0x108: {  	v11 =	vld [tilespmem:s12+$0x160];
	v5 =	vmax.f32 v5, v10  }
0x109: {  	v10 =	vld [tilespmem:s12+$0x170];
	v5 =	vmax.f32 v5, v6  }
0x10a: {  	v12 =	vld [tilespmem:s12+$0x300];
	v5 =	vmax.f32 v5, v7  }
0x10b: {  	v13 =	vld [tilespmem:s12+$0x310];
	v5 =	vmax.f32 v5, v8  }
0x10c: {  	v14 =	vld [tilespmem:s12+$0x320];
	v6 =	vmax.f32 v5, v9  }
.Ltmp4:
0x10d: {  	v5 =	vld [tilespmem:s12+$0x330];
	v7 =	vmax.f32 v6, v11;
	(pc) =	sbr.rel @p0 .LBB2_10-.Ltmp4, $4  }
0x10e: {  	v6 =	vld [tilespmem:s12+$0x340];
	v8 =	vmax.f32 v7, v10  }
0x10f: {  	v7 =	vld [tilespmem:s12+$0x350];
	v9 =	vmax.f32 v8, v12  }
0x110: {  	v8 =	vld [tilespmem:s12+$0x360];
	v10 =	vmax.f32 v9, v13  }
0x111: {  	v9 =	vld [tilespmem:s12+$0x370];
	s12 =	sshra.s32 s13, $0x2;
	s13 =	sadd.s32 $0x1000, s13;
	v10 =	vmax.f32 v10, v14  }
0x112: {  	v11 =	vld [tilespmem:s12+$0x100];
	v5 =	vmax.f32 v10, v5  }
0x113: {  	v10 =	vld [tilespmem:s12+$0x110];
	v5 =	vmax.f32 v5, v6  }
0x114: {  	v6 =	vld [tilespmem:s12+$0x120];
	v5 =	vmax.f32 v5, v7  }
0x115: {  	v7 =	vld [tilespmem:s12+$0x130];
	v5 =	vmax.f32 v5, v8  }
0x116: {  	v8 =	vld [tilespmem:s12+$0x140];
	v5 =	vmax.f32 v5, v9  }
0x117: {  	v9 =	vld [tilespmem:s12+$0x150];
	v5 =	vmax.f32 v5, v11  }
0x118: {  	v11 =	vld [tilespmem:s12+$0x160];
	v5 =	vmax.f32 v5, v10  }
0x119: {  	v10 =	vld [tilespmem:s12+$0x170];
	v5 =	vmax.f32 v5, v6  }
0x11a: {  	v6 =	vld [tilespmem:s12+$0x300];
	v5 =	vmax.f32 v5, v7  }
0x11b: {  	v7 =	vld [tilespmem:s12+$0x310];
	v5 =	vmax.f32 v5, v8  }
0x11c: {  	v8 =	vld [tilespmem:s12+$0x320];
	v5 =	vmax.f32 v5, v9  }
0x11d: {  	v9 =	vld [tilespmem:s12+$0x330];
	v5 =	vmax.f32 v5, v11  }
0x11e: {  	v11 =	vld [tilespmem:s12+$0x340];
	v5 =	vmax.f32 v5, v10  }
0x11f: {  	v10 =	vld [tilespmem:s12+$0x350];
	v5 =	vmax.f32 v5, v6  }
0x120: {  	v6 =	vld [tilespmem:s12+$0x360];
	v5 =	vmax.f32 v5, v7  }
0x121: {  	v7 =	vld [tilespmem:s12+$0x370];
	v5 =	vmax.f32 v5, v8  }
0x122: {  	v5 =	vmax.f32 v5, v9  }
0x123: {  	v5 =	vmax.f32 v5, v11  }
0x124: {  	v5 =	vmax.f32 v5, v10  }
0x125: {  	v5 =	vmax.f32 v5, v6  }
0x126: {  	v5 =	vmax.f32 v5, v7  }
0x127: {  	v6 =	vperm.xlane v5, v0;
	_ =	sdelay $0x1  }
0x128: {  	v5 =	vmax.f32 v5, v6  }
0x129: {  	v6 =	vperm.xlane v5, v1;
	_ =	sdelay $0x1  }
0x12a: {  	v5 =	vmax.f32 v5, v6  }
0x12b: {  	s11 =	simm.s32 $0x0;
	v6 =	vperm.xlane v5, v2  }
0x12c: {  	v7 =	vld [tilespmem:s11+$0x370]  }
0x12d: {  	v5 =	vmax.f32 v5, v6;
	v6 =	vld [tilespmem:s11+$0x100]  }
0x12e: {  	v9 =	vld [tilespmem:s11+$0x110];
	v8 =	vperm.xlane v5, v3  }
0x12f: {  	v10 =	vld [tilespmem:s11+$0x120]  }
0x130: {  	v5 =	vmax.f32 v5, v8;
	v8 =	vld [tilespmem:s11+$0x130]  }
0x131: {  	v11 =	vld [tilespmem:s11+$0x140];
	vm0 =	veq.f32 v7, v5  }
0x132: {  	vm1 =	veq.f32 v6, v5;
	v6 =	vld [tilespmem:s11+$0x150];
	v7 =	vsel vm0, $0x3F800000, v4  }
0x133: {  	vm0 =	veq.f32 v9, v5;
	v9 =	vld [tilespmem:s11+$0x160];
	v12 =	vsel vm1, $0x3F800000, v4;
	[tilespmem:s11+$0x8370] =	vst v7  }
0x134: {  	v7 =	vsel vm0, $0x3F800000, v4;
	vm0 =	veq.f32 v10, v5;
	v10 =	vld [tilespmem:s11+$0x170];
	[tilespmem:s11+$0x8100] =	vst v12  }
0x135: {  	v63 =	vld [tilespmem:s11+$0x300];
	[tilespmem:s11+$0x8110] =	vst v7;
	v7 =	vsel vm0, $0x3F800000, v4;
	vm0 =	veq.f32 v8, v5  }
0x136: {  	v13 =	vld [tilespmem:s11+$0x310];
	[tilespmem:s11+$0x8120] =	vst v7;
	v7 =	vsel vm0, $0x3F800000, v4;
	vm0 =	veq.f32 v11, v5  }
0x137: {  	[tilespmem:s11+$0x8130] =	vst v7;
	v7 =	vsel vm0, $0x3F800000, v4;
	vm0 =	veq.f32 v6, v5;
	v6 =	vld [tilespmem:s11+$0x320]  }
0x138: {  	[tilespmem:s11+$0x8140] =	vst v7;
	v8 =	vsel vm0, $0x3F800000, v4;
	vm0 =	veq.f32 v9, v5;
	v7 =	vld [tilespmem:s11+$0x330]  }
0x139: {  	[tilespmem:s11+$0x8150] =	vst v8;
	v9 =	vsel vm0, $0x3F800000, v4;
	vm0 =	veq.f32 v10, v5;
	v8 =	vld [tilespmem:s11+$0x340]  }
0x13a: {  	[tilespmem:s11+$0x8160] =	vst v9;
	v10 =	vsel vm0, $0x3F800000, v4;
	vm0 =	veq.f32 v63, v5;
	v9 =	vld [tilespmem:s11+$0x350]  }
0x13b: {  	s14 =	simm.s32 $0x2000;
	s13 =	simm.s32 $0x0;
	s12 =	simm.s32 $0x400;
	[tilespmem:s11+$0x8170] =	vst v10;
	v11 =	vsel vm0, $0x3F800000, v4;
	vm0 =	veq.f32 v13, v5;
	v10 =	vld [tilespmem:s11+$0x360]  }
.LBB2_12:
0x13c: {  	p0 =	sne.s32 s14, $0x1F000;
	v12 =	vld [tilespmem:s12+$0x370];
	[tilespmem:s13+$0x8300] =	vst v11;
	v11 =	vsel vm0, $0x3F800000, v4;
	vm0 =	veq.f32 v6, v5  }
0x13d: {  	v6 =	vld [tilespmem:s12+$0x100];
	[tilespmem:s13+$0x8310] =	vst v11;
	v11 =	vsel vm0, $0x3F800000, v4;
	vm0 =	veq.f32 v7, v5  }
0x13e: {  	v7 =	vld [tilespmem:s12+$0x110];
	[tilespmem:s13+$0x8320] =	vst v11;
	v11 =	vsel vm0, $0x3F800000, v4;
	vm0 =	veq.f32 v8, v5  }
0x13f: {  	v8 =	vld [tilespmem:s12+$0x120];
	[tilespmem:s13+$0x8330] =	vst v11;
	v11 =	vsel vm0, $0x3F800000, v4;
	vm0 =	veq.f32 v9, v5  }
0x140: {  	v9 =	vld [tilespmem:s12+$0x130];
	[tilespmem:s13+$0x8340] =	vst v11;
	v11 =	vsel vm0, $0x3F800000, v4;
	vm0 =	veq.f32 v10, v5  }
0x141: {  	v10 =	vld [tilespmem:s12+$0x140];
	vm1 =	veq.f32 v12, v5;
	[tilespmem:s13+$0x8350] =	vst v11;
	v11 =	vsel vm0, $0x3F800000, v4  }
0x142: {  	vm0 =	veq.f32 v6, v5;
	v6 =	vld [tilespmem:s12+$0x150];
	v12 =	vsel vm1, $0x3F800000, v4;
	[tilespmem:s13+$0x8360] =	vst v11;
	s13 =	smov.u32 s12  }
0x143: {  	v11 =	vsel vm0, $0x3F800000, v4;
	vm0 =	veq.f32 v7, v5;
	v7 =	vld [tilespmem:s13+$0x160];
	[tilespmem:s13+$0x8370] =	vst v12  }
0x144: {  	[tilespmem:s13+$0x8100] =	vst v11;
	v11 =	vsel vm0, $0x3F800000, v4;
	vm0 =	veq.f32 v8, v5;
	v8 =	vld [tilespmem:s13+$0x170]  }
0x145: {  	[tilespmem:s13+$0x8110] =	vst v11;
	v11 =	vsel vm0, $0x3F800000, v4;
	vm0 =	veq.f32 v9, v5;
	v9 =	vld [tilespmem:s13+$0x300]  }
0x146: {  	[tilespmem:s13+$0x8120] =	vst v11;
	v11 =	vsel vm0, $0x3F800000, v4;
	vm0 =	veq.f32 v10, v5;
	v10 =	vld [tilespmem:s13+$0x310]  }
.Ltmp5:
0x147: {  	[tilespmem:s13+$0x8130] =	vst v11;
	v11 =	vsel vm0, $0x3F800000, v4;
	vm0 =	veq.f32 v6, v5;
	v6 =	vld [tilespmem:s13+$0x320];
	(pc) =	sbr.rel @p0 .LBB2_12-.Ltmp5, $4  }
0x148: {  	[tilespmem:s13+$0x8140] =	vst v11;
	v11 =	vsel vm0, $0x3F800000, v4;
	vm0 =	veq.f32 v7, v5;
	v7 =	vld [tilespmem:s13+$0x330]  }
0x149: {  	[tilespmem:s13+$0x8150] =	vst v11;
	v11 =	vsel vm0, $0x3F800000, v4;
	vm0 =	veq.f32 v8, v5;
	v8 =	vld [tilespmem:s13+$0x340]  }
0x14a: {  	[tilespmem:s13+$0x8160] =	vst v11;
	v11 =	vsel vm0, $0x3F800000, v4;
	vm0 =	veq.f32 v9, v5;
	v9 =	vld [tilespmem:s13+$0x350]  }
0x14b: {  	s12 =	sshra.s32 s14, $0x2;
	s14 =	sadd.s32 $0x1000, s14;
	[tilespmem:s13+$0x8170] =	vst v11;
	v11 =	vsel vm0, $0x3F800000, v4;
	vm0 =	veq.f32 v10, v5;
	v10 =	vld [tilespmem:s13+$0x360]  }
0x14c: {  	v12 =	vld [tilespmem:s12+$0x370];
	[tilespmem:s13+$0x8300] =	vst v11;
	v11 =	vsel vm0, $0x3F800000, v4;
	vm8 =	veq.f32 v6, v5  }
0x14d: {  	v13 =	vld [tilespmem:s12+$0x100];
	[tilespmem:s13+$0x8310] =	vst v11;
	v6 =	vsel vm8, $0x3F800000, v4;
	vm9 =	veq.f32 v7, v5  }
0x14e: {  	v11 =	vld [tilespmem:s12+$0x110];
	[tilespmem:s13+$0x8320] =	vst v6;
	v6 =	vsel vm9, $0x3F800000, v4;
	vm10 =	veq.f32 v8, v5  }
0x14f: {  	v7 =	vld [tilespmem:s12+$0x120];
	[tilespmem:s13+$0x8330] =	vst v6;
	v6 =	vsel vm10, $0x3F800000, v4;
	vm11 =	veq.f32 v9, v5  }
0x150: {  	v8 =	vld [tilespmem:s12+$0x130];
	[tilespmem:s13+$0x8340] =	vst v6;
	v6 =	vsel vm11, $0x3F800000, v4;
	vm12 =	veq.f32 v10, v5  }
0x151: {  	v9 =	vld [tilespmem:s12+$0x140];
	[tilespmem:s13+$0x8350] =	vst v6;
	v6 =	vsel vm12, $0x3F800000, v4;
	vm13 =	veq.f32 v12, v5  }
0x152: {  	v10 =	vld [tilespmem:s12+$0x150];
	[tilespmem:s13+$0x8360] =	vst v6;
	vm1 =	veq.f32 v13, v5;
	v6 =	vsel vm13, $0x3F800000, v4  }
0x153: {  	v60 =	vld [tilespmem:s12+$0x160];
	[tilespmem:s12+$0x8370] =	vst v6;
	v6 =	vsel vm1, $0x3F800000, v4;
	vm14 =	veq.f32 v11, v5  }
0x154: {  	v11 =	vld [tilespmem:s12+$0x170];
	[tilespmem:s12+$0x8100] =	vst v6;
	v6 =	vsel vm14, $0x3F800000, v4;
	vm15 =	veq.f32 v7, v5  }
0x155: {  	v7 =	vld [tilespmem:s12+$0x300];
	[tilespmem:s12+$0x8110] =	vst v6;
	v6 =	vsel vm15, $0x3F800000, v4;
	vm4 =	veq.f32 v8, v5  }
0x156: {  	v8 =	vld [tilespmem:s12+$0x310];
	[tilespmem:s12+$0x8120] =	vst v6;
	v6 =	vsel vm4, $0x3F800000, v4;
	vm5 =	veq.f32 v9, v5  }
0x157: {  	v9 =	vld [tilespmem:s12+$0x320];
	[tilespmem:s12+$0x8130] =	vst v6;
	v6 =	vsel vm5, $0x3F800000, v4;
	vm6 =	veq.f32 v10, v5  }
0x158: {  	v10 =	vld [tilespmem:s12+$0x330];
	[tilespmem:s12+$0x8140] =	vst v6;
	v6 =	vsel vm6, $0x3F800000, v4;
	vm7 =	veq.f32 v60, v5  }
0x159: {  	v61 =	vld [tilespmem:s12+$0x340];
	vm8 =	veq.f32 v11, v5;
	[tilespmem:s12+$0x8150] =	vst v6;
	v6 =	vsel vm7, $0x3F800000, v4  }
0x15a: {  	vm9 =	veq.f32 v7, v5;
	v7 =	vld [tilespmem:s12+$0x360];
	[tilespmem:s12+$0x8160] =	vst v6;
	v6 =	vsel vm8, $0x3F800000, v4  }
0x15b: {  	v11 =	vld [tilespmem:s12+$0x350];
	vm10 =	veq.f32 v8, v5;
	[tilespmem:s12+$0x8170] =	vst v6;
	v6 =	vsel vm9, $0x3F800000, v4  }
0x15c: {  	vm11 =	veq.f32 v9, v5;
	[tilespmem:s12+$0x8300] =	vst v6;
	v6 =	vsel vm10, $0x3F800000, v4  }
0x15d: {  	vm12 =	veq.f32 v10, v5;
	[tilespmem:s12+$0x8310] =	vst v6;
	v6 =	vsel vm11, $0x3F800000, v4  }
0x15e: {  	vm13 =	veq.f32 v61, v5;
	[tilespmem:s12+$0x8320] =	vst v6;
	v6 =	vsel vm12, $0x3F800000, v4  }
0x15f: {  	vm15 =	veq.f32 v7, v5;
	[tilespmem:s12+$0x8330] =	vst v6;
	v6 =	vsel vm13, $0x3F800000, v4  }
0x160: {  	vm14 =	veq.f32 v11, v5;
	v5 =	vsel vm15, $0x3F800000, v4;
	[tilespmem:s12+$0x8340] =	vst v6  }
0x161: {  	v6 =	vsel vm14, $0x3F800000, v4;
	[tilespmem:s12+$0x8360] =	vst v5  }
0x162: {  	[tilespmem:s12+$0x8350] =	vst v6  }
0x163: {  	v5 =	vld [tilespmem:s11+$0x180]  }
0x164: {  	v6 =	vld [tilespmem:s11+$0x190]  }
0x165: {  	v7 =	vld [tilespmem:s11+$0x1A0]  }
0x166: {  	v8 =	vld [tilespmem:s11+$0x1B0]  }
0x167: {  	v9 =	vimm.f32 $-Inf;
	v10 =	vld [tilespmem:s11+$0x1C0]  }
0x168: {  	v11 =	vld [tilespmem:s11+$0x1D0];
	v5 =	vmax.f32 v9, v5  }
0x169: {  	v9 =	vld [tilespmem:s11+$0x1E0];
	v5 =	vmax.f32 v5, v6  }
0x16a: {  	v62 =	vld [tilespmem:s11+$0x1F0];
	v5 =	vmax.f32 v5, v7  }
0x16b: {  	v63 =	vld [tilespmem:s11+$0x380];
	v5 =	vmax.f32 v5, v8  }
0x16c: {  	v14 =	vld [tilespmem:s11+$0x390];
	v5 =	vmax.f32 v5, v10  }
0x16d: {  	v10 =	vld [tilespmem:s11+$0x3A0];
	v6 =	vmax.f32 v5, v11  }
0x16e: {  	v5 =	vld [tilespmem:s11+$0x3B0];
	v7 =	vmax.f32 v6, v9  }
0x16f: {  	v6 =	vld [tilespmem:s11+$0x3C0];
	v8 =	vmax.f32 v7, v62  }
0x170: {  	v7 =	vld [tilespmem:s11+$0x3D0];
	v9 =	vmax.f32 v8, v63  }
0x171: {  	v8 =	vld [tilespmem:s11+$0x3E0];
	v11 =	vmax.f32 v9, v14  }
0x172: {  	s13 =	simm.s32 $0x2000;
	s12 =	simm.s32 $0x400;
	v9 =	vld [tilespmem:s11+$0x3F0];
	v10 =	vmax.f32 v11, v10  }
.LBB2_14:
0x173: {  	p0 =	sne.s32 s13, $0x1F000;
	v11 =	vld [tilespmem:s12+$0x180];
	v5 =	vmax.f32 v10, v5  }
0x174: {  	v10 =	vld [tilespmem:s12+$0x190];
	v5 =	vmax.f32 v5, v6  }
0x175: {  	v6 =	vld [tilespmem:s12+$0x1A0];
	v5 =	vmax.f32 v5, v7  }
0x176: {  	v7 =	vld [tilespmem:s12+$0x1B0];
	v5 =	vmax.f32 v5, v8  }
0x177: {  	v8 =	vld [tilespmem:s12+$0x1C0];
	v5 =	vmax.f32 v5, v9  }
0x178: {  	v9 =	vld [tilespmem:s12+$0x1D0];
	v5 =	vmax.f32 v5, v11  }
0x179: {  	v11 =	vld [tilespmem:s12+$0x1E0];
	v5 =	vmax.f32 v5, v10  }
0x17a: {  	v10 =	vld [tilespmem:s12+$0x1F0];
	v5 =	vmax.f32 v5, v6  }
0x17b: {  	v12 =	vld [tilespmem:s12+$0x380];
	v5 =	vmax.f32 v5, v7  }
0x17c: {  	v13 =	vld [tilespmem:s12+$0x390];
	v5 =	vmax.f32 v5, v8  }
0x17d: {  	v14 =	vld [tilespmem:s12+$0x3A0];
	v6 =	vmax.f32 v5, v9  }
.Ltmp6:
0x17e: {  	v5 =	vld [tilespmem:s12+$0x3B0];
	v7 =	vmax.f32 v6, v11;
	(pc) =	sbr.rel @p0 .LBB2_14-.Ltmp6, $4  }
0x17f: {  	v6 =	vld [tilespmem:s12+$0x3C0];
	v8 =	vmax.f32 v7, v10  }
0x180: {  	v7 =	vld [tilespmem:s12+$0x3D0];
	v9 =	vmax.f32 v8, v12  }
0x181: {  	v8 =	vld [tilespmem:s12+$0x3E0];
	v10 =	vmax.f32 v9, v13  }
0x182: {  	v9 =	vld [tilespmem:s12+$0x3F0];
	s12 =	sshra.s32 s13, $0x2;
	s13 =	sadd.s32 $0x1000, s13;
	v10 =	vmax.f32 v10, v14  }
0x183: {  	v11 =	vld [tilespmem:s12+$0x180];
	v5 =	vmax.f32 v10, v5  }
0x184: {  	v10 =	vld [tilespmem:s12+$0x190];
	v5 =	vmax.f32 v5, v6  }
0x185: {  	v6 =	vld [tilespmem:s12+$0x1A0];
	v5 =	vmax.f32 v5, v7  }
0x186: {  	v7 =	vld [tilespmem:s12+$0x1B0];
	v5 =	vmax.f32 v5, v8  }
0x187: {  	v8 =	vld [tilespmem:s12+$0x1C0];
	v5 =	vmax.f32 v5, v9  }
0x188: {  	v9 =	vld [tilespmem:s12+$0x1D0];
	v5 =	vmax.f32 v5, v11  }
0x189: {  	v11 =	vld [tilespmem:s12+$0x1E0];
	v5 =	vmax.f32 v5, v10  }
0x18a: {  	v10 =	vld [tilespmem:s12+$0x1F0];
	v5 =	vmax.f32 v5, v6  }
0x18b: {  	v6 =	vld [tilespmem:s12+$0x380];
	v5 =	vmax.f32 v5, v7  }
0x18c: {  	v7 =	vld [tilespmem:s12+$0x390];
	v5 =	vmax.f32 v5, v8  }
0x18d: {  	v8 =	vld [tilespmem:s12+$0x3A0];
	v5 =	vmax.f32 v5, v9  }
0x18e: {  	v9 =	vld [tilespmem:s12+$0x3B0];
	v5 =	vmax.f32 v5, v11  }
0x18f: {  	v11 =	vld [tilespmem:s12+$0x3C0];
	v5 =	vmax.f32 v5, v10  }
0x190: {  	v10 =	vld [tilespmem:s12+$0x3D0];
	v5 =	vmax.f32 v5, v6  }
0x191: {  	v6 =	vld [tilespmem:s12+$0x3E0];
	v5 =	vmax.f32 v5, v7  }
0x192: {  	v7 =	vld [tilespmem:s12+$0x3F0];
	v5 =	vmax.f32 v5, v8  }
0x193: {  	v5 =	vmax.f32 v5, v9  }
0x194: {  	v5 =	vmax.f32 v5, v11  }
0x195: {  	v5 =	vmax.f32 v5, v10  }
0x196: {  	v5 =	vmax.f32 v5, v6  }
0x197: {  	v5 =	vmax.f32 v5, v7  }
0x198: {  	v6 =	vperm.xlane v5, v0;
	_ =	sdelay $0x1  }
0x199: {  	v5 =	vmax.f32 v5, v6  }
0x19a: {  	v6 =	vperm.xlane v5, v1;
	_ =	sdelay $0x1  }
0x19b: {  	v5 =	vmax.f32 v5, v6  }
0x19c: {  	s11 =	simm.s32 $0x0;
	v6 =	vperm.xlane v5, v2  }
0x19d: {  	v7 =	vld [tilespmem:s11+$0x3F0]  }
0x19e: {  	v8 =	vld [tilespmem:s11+$0x180];
	v5 =	vmax.f32 v5, v6  }
0x19f: {  	v6 =	vld [tilespmem:s11+$0x190];
	v9 =	vperm.xlane v5, v3  }
0x1a0: {  	v10 =	vld [tilespmem:s11+$0x1A0]  }
0x1a1: {  	v11 =	vld [tilespmem:s11+$0x1B0];
	v5 =	vmax.f32 v5, v9  }
0x1a2: {  	v9 =	vld [tilespmem:s11+$0x1C0];
	vm0 =	veq.f32 v7, v5  }
0x1a3: {  	v7 =	vld [tilespmem:s11+$0x1D0];
	vm1 =	veq.f32 v8, v5;
	v8 =	vsel vm0, $0x3F800000, v4  }
0x1a4: {  	v12 =	vld [tilespmem:s11+$0x1E0];
	vm0 =	veq.f32 v6, v5;
	[tilespmem:s11+$0x83F0] =	vst v8;
	v8 =	vsel vm1, $0x3F800000, v4  }
0x1a5: {  	v13 =	vld [tilespmem:s11+$0x1F0];
	v6 =	vsel vm0, $0x3F800000, v4;
	vm0 =	veq.f32 v10, v5;
	[tilespmem:s11+$0x8180] =	vst v8  }
0x1a6: {  	v10 =	vld [tilespmem:s11+$0x380];
	[tilespmem:s11+$0x8190] =	vst v6;
	v6 =	vsel vm0, $0x3F800000, v4;
	vm0 =	veq.f32 v11, v5  }
0x1a7: {  	v14 =	vld [tilespmem:s11+$0x390];
	[tilespmem:s11+$0x81A0] =	vst v6;
	v6 =	vsel vm0, $0x3F800000, v4;
	vm0 =	veq.f32 v9, v5  }
0x1a8: {  	[tilespmem:s11+$0x81B0] =	vst v6;
	v8 =	vsel vm0, $0x3F800000, v4;
	v6 =	vld [tilespmem:s11+$0x3A0];
	vm0 =	veq.f32 v7, v5  }
0x1a9: {  	v7 =	vld [tilespmem:s11+$0x3B0];
	[tilespmem:s11+$0x81C0] =	vst v8;
	v8 =	vsel vm0, $0x3F800000, v4;
	vm0 =	veq.f32 v12, v5  }
0x1aa: {  	[tilespmem:s11+$0x81D0] =	vst v8;
	v9 =	vsel vm0, $0x3F800000, v4;
	v8 =	vld [tilespmem:s11+$0x3C0];
	vm0 =	veq.f32 v13, v5  }
0x1ab: {  	[tilespmem:s11+$0x81E0] =	vst v9;
	v11 =	vsel vm0, $0x3F800000, v4;
	v9 =	vld [tilespmem:s11+$0x3D0];
	vm0 =	veq.f32 v10, v5  }
0x1ac: {  	s13 =	simm.s32 $0x2000;
	s12 =	simm.s32 $0x400;
	v10 =	vld [tilespmem:s11+$0x3E0];
	[tilespmem:s11+$0x81F0] =	vst v11;
	v11 =	vsel vm0, $0x3F800000, v4;
	vm0 =	veq.f32 v14, v5  }
.LBB2_16:
0x1ad: {  	p0 =	sne.s32 s13, $0x1F000;
	v12 =	vld [tilespmem:s12+$0x3F0];
	[tilespmem:s11+$0x8380] =	vst v11;
	v11 =	vsel vm0, $0x3F800000, v4;
	vm0 =	veq.f32 v6, v5  }
0x1ae: {  	v6 =	vld [tilespmem:s12+$0x180];
	[tilespmem:s11+$0x8390] =	vst v11;
	v11 =	vsel vm0, $0x3F800000, v4;
	vm0 =	veq.f32 v7, v5  }
0x1af: {  	v7 =	vld [tilespmem:s12+$0x190];
	[tilespmem:s11+$0x83A0] =	vst v11;
	v11 =	vsel vm0, $0x3F800000, v4;
	vm0 =	veq.f32 v8, v5  }
0x1b0: {  	v8 =	vld [tilespmem:s12+$0x1A0];
	[tilespmem:s11+$0x83B0] =	vst v11;
	v11 =	vsel vm0, $0x3F800000, v4;
	vm0 =	veq.f32 v9, v5  }
0x1b1: {  	v9 =	vld [tilespmem:s12+$0x1B0];
	[tilespmem:s11+$0x83C0] =	vst v11;
	v11 =	vsel vm0, $0x3F800000, v4;
	vm0 =	veq.f32 v10, v5  }
0x1b2: {  	v10 =	vld [tilespmem:s12+$0x1C0];
	vm1 =	veq.f32 v12, v5;
	[tilespmem:s11+$0x83D0] =	vst v11;
	v11 =	vsel vm0, $0x3F800000, v4  }
0x1b3: {  	vm0 =	veq.f32 v6, v5;
	v6 =	vld [tilespmem:s12+$0x1D0];
	v12 =	vsel vm1, $0x3F800000, v4;
	[tilespmem:s11+$0x83E0] =	vst v11;
	s11 =	smov.u32 s12  }
0x1b4: {  	v11 =	vsel vm0, $0x3F800000, v4;
	vm0 =	veq.f32 v7, v5;
	v7 =	vld [tilespmem:s11+$0x1E0];
	[tilespmem:s11+$0x83F0] =	vst v12  }
0x1b5: {  	[tilespmem:s11+$0x8180] =	vst v11;
	v11 =	vsel vm0, $0x3F800000, v4;
	vm0 =	veq.f32 v8, v5;
	v8 =	vld [tilespmem:s11+$0x1F0]  }
0x1b6: {  	[tilespmem:s11+$0x8190] =	vst v11;
	v11 =	vsel vm0, $0x3F800000, v4;
	vm0 =	veq.f32 v9, v5;
	v9 =	vld [tilespmem:s11+$0x380]  }
0x1b7: {  	[tilespmem:s11+$0x81A0] =	vst v11;
	v11 =	vsel vm0, $0x3F800000, v4;
	vm0 =	veq.f32 v10, v5;
	v10 =	vld [tilespmem:s11+$0x390]  }
.Ltmp7:
0x1b8: {  	[tilespmem:s11+$0x81B0] =	vst v11;
	v11 =	vsel vm0, $0x3F800000, v4;
	vm0 =	veq.f32 v6, v5;
	v6 =	vld [tilespmem:s11+$0x3A0];
	(pc) =	sbr.rel @p0 .LBB2_16-.Ltmp7, $4  }
0x1b9: {  	[tilespmem:s11+$0x81C0] =	vst v11;
	v11 =	vsel vm0, $0x3F800000, v4;
	vm0 =	veq.f32 v7, v5;
	v7 =	vld [tilespmem:s11+$0x3B0]  }
0x1ba: {  	[tilespmem:s11+$0x81D0] =	vst v11;
	v11 =	vsel vm0, $0x3F800000, v4;
	vm0 =	veq.f32 v8, v5;
	v8 =	vld [tilespmem:s11+$0x3C0]  }
0x1bb: {  	[tilespmem:s11+$0x81E0] =	vst v11;
	v11 =	vsel vm0, $0x3F800000, v4;
	vm0 =	veq.f32 v9, v5;
	v9 =	vld [tilespmem:s11+$0x3D0]  }
0x1bc: {  	s12 =	sshra.s32 s13, $0x2;
	s13 =	sadd.s32 $0x1000, s13;
	[tilespmem:s11+$0x81F0] =	vst v11;
	v11 =	vsel vm0, $0x3F800000, v4;
	vm0 =	veq.f32 v10, v5;
	v10 =	vld [tilespmem:s11+$0x3E0]  }
0x1bd: {  	v12 =	vld [tilespmem:s12+$0x3F0];
	[tilespmem:s11+$0x8380] =	vst v11;
	v53 =	vsel vm0, $0x3F800000, v4;
	vm8 =	veq.f32 v6, v5  }
0x1be: {  	v13 =	vld [tilespmem:s12+$0x180];
	[tilespmem:s11+$0x8390] =	vst v53;
	v6 =	vsel vm8, $0x3F800000, v4;
	vm9 =	veq.f32 v7, v5  }
0x1bf: {  	v11 =	vld [tilespmem:s12+$0x190];
	[tilespmem:s11+$0x83A0] =	vst v6;
	v6 =	vsel vm9, $0x3F800000, v4;
	vm10 =	veq.f32 v8, v5  }
0x1c0: {  	v7 =	vld [tilespmem:s12+$0x1A0];
	[tilespmem:s11+$0x83B0] =	vst v6;
	v6 =	vsel vm10, $0x3F800000, v4;
	vm11 =	veq.f32 v9, v5  }
0x1c1: {  	v54 =	vld [tilespmem:s12+$0x1B0];
	[tilespmem:s11+$0x83C0] =	vst v6;
	v6 =	vsel vm11, $0x3F800000, v4;
	vm12 =	veq.f32 v10, v5  }
0x1c2: {  	v55 =	vld [tilespmem:s12+$0x1C0];
	[tilespmem:s11+$0x83D0] =	vst v6;
	v6 =	vsel vm12, $0x3F800000, v4;
	vm13 =	veq.f32 v12, v5  }
0x1c3: {  	v56 =	vld [tilespmem:s12+$0x1D0];
	[tilespmem:s11+$0x83E0] =	vst v6;
	vm1 =	veq.f32 v13, v5;
	v6 =	vsel vm13, $0x3F800000, v4  }
0x1c4: {  	v57 =	vld [tilespmem:s12+$0x1E0];
	[tilespmem:s12+$0x83F0] =	vst v6;
	v6 =	vsel vm1, $0x3F800000, v4;
	vm14 =	veq.f32 v11, v5  }
0x1c5: {  	v58 =	vld [tilespmem:s12+$0x1F0];
	[tilespmem:s12+$0x8180] =	vst v6;
	v6 =	vsel vm14, $0x3F800000, v4;
	vm15 =	veq.f32 v7, v5  }
0x1c6: {  	v7 =	vld [tilespmem:s12+$0x380];
	[tilespmem:s12+$0x8190] =	vst v6;
	v6 =	vsel vm15, $0x3F800000, v4;
	vm4 =	veq.f32 v54, v5  }
0x1c7: {  	v59 =	vld [tilespmem:s12+$0x390];
	[tilespmem:s12+$0x81A0] =	vst v6;
	v6 =	vsel vm4, $0x3F800000, v4;
	vm5 =	veq.f32 v55, v5  }
0x1c8: {  	v60 =	vld [tilespmem:s12+$0x3A0];
	[tilespmem:s12+$0x81B0] =	vst v6;
	v6 =	vsel vm5, $0x3F800000, v4;
	vm6 =	veq.f32 v56, v5  }
0x1c9: {  	v61 =	vld [tilespmem:s12+$0x3B0];
	[tilespmem:s12+$0x81C0] =	vst v6;
	v6 =	vsel vm6, $0x3F800000, v4;
	vm7 =	veq.f32 v57, v5  }
0x1ca: {  	v62 =	vld [tilespmem:s12+$0x3C0];
	vm8 =	veq.f32 v58, v5;
	[tilespmem:s12+$0x81D0] =	vst v6;
	v6 =	vsel vm7, $0x3F800000, v4  }
0x1cb: {  	vm9 =	veq.f32 v7, v5;
	v7 =	vld [tilespmem:s12+$0x3E0];
	[tilespmem:s12+$0x81E0] =	vst v6;
	v6 =	vsel vm8, $0x3F800000, v4  }
0x1cc: {  	v63 =	vld [tilespmem:s12+$0x3D0];
	vm10 =	veq.f32 v59, v5;
	[tilespmem:s12+$0x81F0] =	vst v6;
	v6 =	vsel vm9, $0x3F800000, v4  }
0x1cd: {  	vm11 =	veq.f32 v60, v5;
	[tilespmem:s12+$0x8380] =	vst v6;
	v6 =	vsel vm10, $0x3F800000, v4  }
0x1ce: {  	vm12 =	veq.f32 v61, v5;
	[tilespmem:s12+$0x8390] =	vst v6;
	v6 =	vsel vm11, $0x3F800000, v4  }
0x1cf: {  	vm13 =	veq.f32 v62, v5;
	[tilespmem:s12+$0x83A0] =	vst v6;
	v6 =	vsel vm12, $0x3F800000, v4  }
0x1d0: {  	vm15 =	veq.f32 v7, v5;
	[tilespmem:s12+$0x83B0] =	vst v6;
	v6 =	vsel vm13, $0x3F800000, v4  }
0x1d1: {  	s10 =	sadd.s32 $0x1, s10;
	vm14 =	veq.f32 v63, v5;
	v5 =	vsel vm15, $0x3F800000, v4;
	[tilespmem:s12+$0x83C0] =	vst v6  }
0x1d2: {  	p0 =	sne.s32 s10, s5;
	v6 =	vsel vm14, $0x3F800000, v4;
	[tilespmem:s12+$0x83E0] =	vst v5  }
.Ltmp8:
0x1d3: {  	[tilespmem:s12+$0x83D0] =	vst v6;
	(pc) =	sbr.rel @p0 .LBB2_1-.Ltmp8, $4  }
0x1d4: {  	[hbm4b:s4+s6] =	stream.strided.scatter [tilespmem:s9], [sflag:$0x1], $0x8000, s7, s6, $0x38;
	[tilespmem:$0x10000] =	vst v63  }
0x1d5: {  	_ =	swait.ge [sflag:s8], $0x8000  }
0x1d6: {  	[sflag:s8] =	ssyncset.done $0x0  }
0x1d7: {  	[sflag:s8] =	ssyncadd.s32 $0xFFFF8000  }
0x1d8: {  	_ =	sfence.sel $0x180000  }
0x1d9: {  	[bflag:$0x0] =	sbarrier.arrive $0xFFFF  }
0x1da: {  	p0 =	sne.s32 s2, $0x0;
	_ =	strace $0x90000047  }
0x1db: {  	s0 =	sadd.s32 @!p0 $0x100000, s1;
	[bflag:$0x2] =	sbarrier.arrive $0xFFFF  }
0x1dc: {  	[sflag:s0] =	ssyncadd.tile.s32 @!p0 $0x1;
	_ =	shalt  }
.Lfunc_end2:
_tile_overlayer_lowered:
.L_overlay_start_2:
0x1dd: {  	(tag) =	ssettag $0x2  }
0x1de: {  	s0 =	rddreg [dreg:$0x0];
	s2 =	stileid.u32  }
0x1df: {  	s1 =	rddreg [dreg:$0x1];
	p0 =	sne.s32 s2, $0x0  }
0x1e0: {  	s3 =	rddreg [dreg:$0x2];
	[bflag:$0x3] =	sbarrier.arrive $0xFFFF;
	s2 =	simm.s32 @!p0 $0x1C02  }
0x1e1: {  	[timem:s3], [sflag:s2] =	dma.local @!p0 [hbm:s0], s1  }
0x1e2: {  	s0 =	simm.s32 @!p0 $0x2  }
0x1e3: {  	_ =	swait.ge @!p0 [sflag:s0], s1  }
0x1e4: {  	s1 =	ssub.s32 @!p0 $0x0, s1;
	[sflag:s0] =	ssyncset.done @!p0 $0x0  }
0x1e5: {  	[sflag:s0] =	ssyncadd.s32 @!p0 s1  }
0x1e6: {  	[bflag:$0x3] =	sbarrier.arrive $0xFFFF  }
0x1e7: {  	_ =	shalt  }

</sc_bundles>
